<compile_context>
chip_gen: v7x
topology: tpu7x:2x2x1
jax: 0.10.2.dev20260603
libtpu: 0.0.44.dev20260713+nightly
codegen_flags: <defaults>
</compile_context>

<pallas_src>
import functools
import math

import jax
import jax.numpy as jnp
from jax import lax
from jax.experimental import pallas as pl
from jax.experimental.pallas import tpu as pltpu
from jax.experimental.pallas import tpu_sc as plsc

N_CORES = 2
N_SUB = 16
N_TILES = N_CORES * N_SUB
C_EDGE = 5000

_sc_mesh = plsc.VectorSubcoreMesh(core_axis_name="c", subcore_axis_name="s")


def _rsqrt16(v, n_iter):
    h = 0.5 * v
    d = 1.0 / v
    for _ in range(n_iter):
        d = d * (1.5 - h * d * d)
    return d


def _idx_wait(ei_hbm, dst_v, sem):
    pltpu.make_async_copy(ei_hbm.at[pl.ds(0, C_EDGE)], dst_v, sem).wait()


def _sc1_body(EP, TS, ei_hbm, ones_hbm, zeros_hbm, deg_hbm,
              di0_v, di1_v, ones_v, acc_sh, sem_i0, sem_i1, sem_s0, sem_s1):
    cid = lax.axis_index("c")
    sid = lax.axis_index("s")
    sl = pl.ds(sid * TS, TS)
    PTE = EP // N_TILES
    NCH = PTE // C_EDGE
    pltpu.sync_copy(zeros_hbm.at[sl], acc_sh.at[sl])
    pltpu.sync_copy(ones_hbm, ones_v)
    plsc.subcore_barrier()
    gw = cid * N_SUB + sid
    ebase = EP + gw * PTE

    pltpu.async_copy(ei_hbm.at[pl.ds(ebase, C_EDGE)], di0_v, sem_i0)
    pltpu.async_copy(ei_hbm.at[pl.ds(ebase + C_EDGE, C_EDGE)], di1_v, sem_i1)

    def wave(i, carry):
        k0 = 2 * i
        _idx_wait(ei_hbm, di0_v, sem_i0)
        _idx_wait(ei_hbm, di1_v, sem_i1)
        c0 = pltpu.async_copy(ones_v, acc_sh.at[di0_v], sem_s0, add=True)
        c1 = pltpu.async_copy(ones_v, acc_sh.at[di1_v], sem_s1, add=True)
        c0.wait()
        c1.wait()

        @pl.when(k0 + 2 < NCH)
        def _():
            pltpu.async_copy(
                ei_hbm.at[pl.ds(ebase + (k0 + 2) * C_EDGE, C_EDGE)], di0_v,
                sem_i0)
            pltpu.async_copy(
                ei_hbm.at[pl.ds(ebase + (k0 + 3) * C_EDGE, C_EDGE)], di1_v,
                sem_i1)

        return carry

    lax.fori_loop(0, NCH // 2, wave, 0)
    plsc.subcore_barrier()
    pltpu.sync_copy(acc_sh.at[sl], deg_hbm.at[cid, sl])


def _sc2_body(EP, TS, NIT, ei_hbm, x_hbm, zeros_hbm, deg_hbm,
              t_hbm, d_hbm,
              si0_v, si1_v, di0_v, di1_v, vp0_v, vp1_v, deg_v, x_v, d_v, y_v,
              y_sh, acc_sh,
              sem_i0, sem_i1, sem_g0, sem_g1, sem_s0, sem_s1):
    cid = lax.axis_index("c")
    sid = lax.axis_index("s")
    sl = pl.ds(sid * TS, TS)
    PTE = EP // N_TILES
    pltpu.sync_copy(zeros_hbm.at[sl], acc_sh.at[sl])
    pltpu.sync_copy(deg_hbm.at[0, sl], deg_v)
    pltpu.sync_copy(deg_hbm.at[1, sl], d_v)
    pltpu.sync_copy(x_hbm.at[sl], x_v)

    def vec_b(i, carry):
        ix = pl.ds(i * 16, 16)
        d = _rsqrt16(deg_v[ix] + d_v[ix] + 1.0, NIT)
        d_v[ix] = d
        y_v[ix] = x_v[ix] * d
        return carry

    lax.fori_loop(0, TS // 16, vec_b, 0)
    pltpu.sync_copy(y_v, y_sh.at[sl])

    @pl.when(cid == 0)
    def _():
        pltpu.sync_copy(d_v, d_hbm.at[sl])

    plsc.subcore_barrier()
    gw = cid * N_SUB + sid
    NCH = PTE // C_EDGE
    sbase = gw * PTE
    dbase = EP + gw * PTE

    pltpu.async_copy(ei_hbm.at[pl.ds(sbase, C_EDGE)], si0_v, sem_i0)
    pltpu.async_copy(ei_hbm.at[pl.ds(dbase, C_EDGE)], di0_v, sem_i0)
    pltpu.async_copy(ei_hbm.at[pl.ds(sbase + C_EDGE, C_EDGE)], si1_v, sem_i1)
    pltpu.async_copy(ei_hbm.at[pl.ds(dbase + C_EDGE, C_EDGE)], di1_v, sem_i1)

    def wave(i, carry):
        k0 = 2 * i
        _idx_wait(ei_hbm, si0_v, sem_i0)
        _idx_wait(ei_hbm, di0_v, sem_i0)
        _idx_wait(ei_hbm, si1_v, sem_i1)
        _idx_wait(ei_hbm, di1_v, sem_i1)
        g0 = pltpu.async_copy(y_sh.at[si0_v], vp0_v, sem_g0)
        g1 = pltpu.async_copy(y_sh.at[si1_v], vp1_v, sem_g1)
        g0.wait()
        s0 = pltpu.async_copy(vp0_v, acc_sh.at[di0_v], sem_s0, add=True)
        g1.wait()
        s1 = pltpu.async_copy(vp1_v, acc_sh.at[di1_v], sem_s1, add=True)
        s0.wait()
        s1.wait()

        @pl.when(k0 + 2 < NCH)
        def _():
            pltpu.async_copy(
                ei_hbm.at[pl.ds(sbase + (k0 + 2) * C_EDGE, C_EDGE)], si0_v,
                sem_i0)
            pltpu.async_copy(
                ei_hbm.at[pl.ds(dbase + (k0 + 2) * C_EDGE, C_EDGE)], di0_v,
                sem_i0)
            pltpu.async_copy(
                ei_hbm.at[pl.ds(sbase + (k0 + 3) * C_EDGE, C_EDGE)], si1_v,
                sem_i1)
            pltpu.async_copy(
                ei_hbm.at[pl.ds(dbase + (k0 + 3) * C_EDGE, C_EDGE)], di1_v,
                sem_i1)

        return carry

    lax.fori_loop(0, NCH // 2, wave, 0)
    plsc.subcore_barrier()
    pltpu.sync_copy(acc_sh.at[sl], t_hbm.at[cid, sl])


def _sc3_body(EP, TS, ei_hbm, x_hbm, zeros_hbm, t_hbm, d_hbm,
              tpq_hbm, s_hbm,
              si0_v, si1_v, di0_v, di1_v, vp0_v, vp1_v, vq0_v, vq1_v,
              t_v, x_v, d_v, s_v,
              pd_sh, qd_sh, accp_sh, accq_sh,
              sem_i0, sem_i1, sem_g0, sem_g1, sem_s0, sem_s1):
    cid = lax.axis_index("c")
    sid = lax.axis_index("s")
    sl = pl.ds(sid * TS, TS)
    PTE = EP // N_TILES
    pltpu.sync_copy(zeros_hbm.at[sl], accp_sh.at[sl])
    pltpu.sync_copy(zeros_hbm.at[sl], accq_sh.at[sl])
    pltpu.sync_copy(t_hbm.at[0, sl], t_v)
    pltpu.sync_copy(t_hbm.at[1, sl], s_v)
    pltpu.sync_copy(x_hbm.at[sl], x_v)
    pltpu.sync_copy(d_hbm.at[sl], d_v)

    def vec_d(i, carry):
        ix = pl.ds(i * 16, 16)
        d = d_v[ix]
        s = d * (t_v[ix] + s_v[ix]) + d * d * x_v[ix]
        s_v[ix] = s
        t_v[ix] = jnp.maximum(s, 0.0) * d
        x_v[ix] = jnp.maximum(-s, 0.0) * d
        return carry

    lax.fori_loop(0, TS // 16, vec_d, 0)
    pltpu.sync_copy(t_v, pd_sh.at[sl])
    pltpu.sync_copy(x_v, qd_sh.at[sl])

    @pl.when(cid == 0)
    def _():
        pltpu.sync_copy(s_v, s_hbm.at[sl])

    plsc.subcore_barrier()
    gw = cid * N_SUB + sid
    NCH = PTE // C_EDGE
    sbase = gw * PTE
    dbase = EP + gw * PTE

    pltpu.async_copy(ei_hbm.at[pl.ds(sbase, C_EDGE)], si0_v, sem_i0)
    pltpu.async_copy(ei_hbm.at[pl.ds(dbase, C_EDGE)], di0_v, sem_i0)
    pltpu.async_copy(ei_hbm.at[pl.ds(sbase + C_EDGE, C_EDGE)], si1_v, sem_i1)
    pltpu.async_copy(ei_hbm.at[pl.ds(dbase + C_EDGE, C_EDGE)], di1_v, sem_i1)

    def wave(i, carry):
        k0 = 2 * i
        _idx_wait(ei_hbm, si0_v, sem_i0)
        _idx_wait(ei_hbm, di0_v, sem_i0)
        gp0 = pltpu.async_copy(pd_sh.at[si0_v], vp0_v, sem_g0)
        gq0 = pltpu.async_copy(qd_sh.at[si0_v], vq0_v, sem_g0)
        _idx_wait(ei_hbm, si1_v, sem_i1)
        _idx_wait(ei_hbm, di1_v, sem_i1)
        gp1 = pltpu.async_copy(pd_sh.at[si1_v], vp1_v, sem_g1)
        gq1 = pltpu.async_copy(qd_sh.at[si1_v], vq1_v, sem_g1)
        gp0.wait()
        gq0.wait()
        sp0 = pltpu.async_copy(vp0_v, accp_sh.at[di0_v], sem_s0, add=True)
        sq0 = pltpu.async_copy(vq0_v, accq_sh.at[di0_v], sem_s0, add=True)
        gp1.wait()
        gq1.wait()
        sp1 = pltpu.async_copy(vp1_v, accp_sh.at[di1_v], sem_s1, add=True)
        sq1 = pltpu.async_copy(vq1_v, accq_sh.at[di1_v], sem_s1, add=True)
        sp0.wait()
        sq0.wait()
        sp1.wait()
        sq1.wait()

        @pl.when(k0 + 2 < NCH)
        def _():
            pltpu.async_copy(
                ei_hbm.at[pl.ds(sbase + (k0 + 2) * C_EDGE, C_EDGE)], si0_v,
                sem_i0)
            pltpu.async_copy(
                ei_hbm.at[pl.ds(dbase + (k0 + 2) * C_EDGE, C_EDGE)], di0_v,
                sem_i0)
            pltpu.async_copy(
                ei_hbm.at[pl.ds(sbase + (k0 + 3) * C_EDGE, C_EDGE)], si1_v,
                sem_i1)
            pltpu.async_copy(
                ei_hbm.at[pl.ds(dbase + (k0 + 3) * C_EDGE, C_EDGE)], di1_v,
                sem_i1)

        return carry

    lax.fori_loop(0, NCH // 2, wave, 0)
    plsc.subcore_barrier()
    pltpu.sync_copy(accp_sh.at[sl], tpq_hbm.at[cid, 0, sl])
    pltpu.sync_copy(accq_sh.at[sl], tpq_hbm.at[cid, 1, sl])


def _final_body(tpq_r, d_r, s_r, w1_r, w2_r, b2_r, wl_r, bl_r, out_r):
    tpq = tpq_r[...]
    d = d_r[...]
    s = s_r[...]
    p = jnp.maximum(s, 0.0)
    q = jnp.maximum(-s, 0.0)
    P2 = d * (tpq[0:1] + tpq[2:3]) + d * d * p
    Q2 = d * (tpq[1:2] + tpq[3:4]) + d * d * q
    w1 = w1_r[...]
    U = jnp.concatenate([jnp.maximum(w1, 0.0), jnp.maximum(-w1, 0.0)], axis=0)
    MT = lax.dot_general(w2_r[...], U, (((0,), (1,)), ((), ())),
                         preferred_element_type=jnp.float32)
    HT = jnp.maximum(MT[:, 0:1] * P2 + MT[:, 1:2] * Q2 + b2_r[...], 0.0)
    LT = lax.dot_general(wl_r[...], HT, (((0,), (0,)), ((), ())),
                         preferred_element_type=jnp.float32) + bl_r[...]
    m = jnp.max(LT, axis=0, keepdims=True)
    lse = m + jnp.log(jnp.sum(jnp.exp(LT - m), axis=0, keepdims=True))
    out_r[...] = LT - lse


def kernel(x, edge_index, W1, b1, W2, b2, Wl, bl):
    N = x.shape[0]
    E = edge_index.shape[1]
    F2 = W2.shape[0]
    CN = Wl.shape[1]
    f32 = jnp.float32

    NP = -(-N // 2048) * 2048
    TS = NP // N_SUB
    EGRAN = N_TILES * C_EDGE * 2
    EP = -(-E // EGRAN) * EGRAN

    ei = edge_index.astype(jnp.int32)
    if EP > E:
        pad = N + (jnp.arange(EP - E, dtype=jnp.int32) % max(NP - N, 1))
        ei = jnp.concatenate([ei, jnp.tile(pad[None], (2, 1))], axis=1)

    xs = jnp.pad(x[:, 0], (0, NP - N))
    zeros1 = jnp.zeros((NP,), f32)
    ones_c = jnp.ones((C_EDGE,), f32)

    NIT = int(math.ceil(math.log(math.sqrt(EP + 2.0)) / math.log(1.5))) + 8

    eif = ei.reshape(2 * EP)

    deg_part = pl.kernel(
        functools.partial(_sc1_body, EP, TS),
        out_type=jax.ShapeDtypeStruct((N_CORES, NP), f32),
        mesh=_sc_mesh,
        scratch_types=[
            pltpu.VMEM((C_EDGE,), jnp.int32),
            pltpu.VMEM((C_EDGE,), jnp.int32),
            pltpu.VMEM((C_EDGE,), f32),
            pltpu.VMEM_SHARED((NP,), f32),
            pltpu.SemaphoreType.DMA,
            pltpu.SemaphoreType.DMA,
            pltpu.SemaphoreType.DMA,
            pltpu.SemaphoreType.DMA,
        ],
    )(eif, ones_c, zeros1)

    t_part, d1 = pl.kernel(
        functools.partial(_sc2_body, EP, TS, NIT),
        out_type=[
            jax.ShapeDtypeStruct((N_CORES, NP), f32),
            jax.ShapeDtypeStruct((NP,), f32),
        ],
        mesh=_sc_mesh,
        scratch_types=[
            pltpu.VMEM((C_EDGE,), jnp.int32),
            pltpu.VMEM((C_EDGE,), jnp.int32),
            pltpu.VMEM((C_EDGE,), jnp.int32),
            pltpu.VMEM((C_EDGE,), jnp.int32),
            pltpu.VMEM((C_EDGE,), f32),
            pltpu.VMEM((C_EDGE,), f32),
            pltpu.VMEM((TS,), f32),
            pltpu.VMEM((TS,), f32),
            pltpu.VMEM((TS,), f32),
            pltpu.VMEM((TS,), f32),
            pltpu.VMEM_SHARED((NP,), f32),
            pltpu.VMEM_SHARED((NP,), f32),
            pltpu.SemaphoreType.DMA,
            pltpu.SemaphoreType.DMA,
            pltpu.SemaphoreType.DMA,
            pltpu.SemaphoreType.DMA,
            pltpu.SemaphoreType.DMA,
            pltpu.SemaphoreType.DMA,
        ],
    )(eif, xs, zeros1, deg_part)

    tpq, s1 = pl.kernel(
        functools.partial(_sc3_body, EP, TS),
        out_type=[
            jax.ShapeDtypeStruct((N_CORES, 2, NP), f32),
            jax.ShapeDtypeStruct((NP,), f32),
        ],
        mesh=_sc_mesh,
        scratch_types=[
            pltpu.VMEM((C_EDGE,), jnp.int32),
            pltpu.VMEM((C_EDGE,), jnp.int32),
            pltpu.VMEM((C_EDGE,), jnp.int32),
            pltpu.VMEM((C_EDGE,), jnp.int32),
            pltpu.VMEM((C_EDGE,), f32),
            pltpu.VMEM((C_EDGE,), f32),
            pltpu.VMEM((C_EDGE,), f32),
            pltpu.VMEM((C_EDGE,), f32),
            pltpu.VMEM((TS,), f32),
            pltpu.VMEM((TS,), f32),
            pltpu.VMEM((TS,), f32),
            pltpu.VMEM((TS,), f32),
            pltpu.VMEM_SHARED((NP,), f32),
            pltpu.VMEM_SHARED((NP,), f32),
            pltpu.VMEM_SHARED((NP,), f32),
            pltpu.VMEM_SHARED((NP,), f32),
            pltpu.SemaphoreType.DMA,
            pltpu.SemaphoreType.DMA,
            pltpu.SemaphoreType.DMA,
            pltpu.SemaphoreType.DMA,
            pltpu.SemaphoreType.DMA,
            pltpu.SemaphoreType.DMA,
        ],
    )(eif, xs, zeros1, t_part, d1)

    BL = NP // 8
    grid = NP // BL
    full = lambda shp: pl.BlockSpec(shp, lambda i: (0, 0))
    outT = pl.pallas_call(
        _final_body,
        grid=(grid,),
        in_specs=[pl.BlockSpec((4, BL), lambda i: (0, i)),
                  pl.BlockSpec((1, BL), lambda i: (0, i)),
                  pl.BlockSpec((1, BL), lambda i: (0, i)),
                  full(W1.shape), full(W2.shape), full((F2, 1)),
                  full(Wl.shape), full((CN, 1))],
        out_specs=pl.BlockSpec((CN, BL), lambda i: (0, i)),
        out_shape=jax.ShapeDtypeStruct((CN, NP), f32),
    )(tpq.reshape(4, NP), d1.reshape(1, NP), s1.reshape(1, NP),
      W1, W2, b2.reshape(F2, 1), Wl, bl.reshape(CN, 1))

    return outT.T[:N]

# --- scband reference (transcript-rebuilt; emitter-appended) ---
"""Pipeline reference for scband-my-gcn-54735063220614 (READ-ONLY COPY).

The authoritative reference and input builder live on the scoring server;
editing this copy changes nothing except your own understanding.
"""

import jax, jax.numpy as jnp
import numpy as np

N_NODES = 50000
N_EDGES = 1600000


def setup_inputs(seed: int = 0) -> dict:
    key = jax.random.key(seed)
    k_x, k_ei, k_w1, k_w2, k_wl = jax.random.split(key, 5)
    x = jax.random.normal(k_x, (N_NODES, 1), dtype=jnp.float32)
    edge_index = jax.random.randint(k_ei, (2, N_EDGES), 0, N_NODES, dtype=jnp.int64)
    # GCNConv(1, 64)
    W1 = jax.random.normal(k_w1, (1, 64), dtype=jnp.float32) * (1.0 / np.sqrt(1.0))
    b1 = jnp.zeros((64,), dtype=jnp.float32)
    # GCNConv(64, 64)
    W2 = jax.random.normal(k_w2, (64, 64), dtype=jnp.float32) * (1.0 / np.sqrt(64.0))
    b2 = jnp.zeros((64,), dtype=jnp.float32)
    # Linear(64, 2)
    Wl = jax.random.normal(k_wl, (64, 2), dtype=jnp.float32) * (1.0 / np.sqrt(64.0))
    bl = jnp.zeros((2,), dtype=jnp.float32)
    return {"x": x, "edge_index": edge_index, "W1": W1, "b1": b1, "W2": W2, "b2": b2, "Wl": Wl, "bl": bl}


def _gcn_conv(x, edge_index, W, b):
    n = x.shape[0]
    # add self loops
    loop = jnp.arange(n, dtype=edge_index.dtype)
    src = jnp.concatenate([edge_index[0], loop])
    dst = jnp.concatenate([edge_index[1], loop])
    # symmetric normalization (edge weights = 1)
    deg = jnp.zeros((n,), dtype=x.dtype).at[dst].add(1.0)
    deg_inv_sqrt = jnp.where(deg > 0, deg ** -0.5, 0.0)
    norm = deg_inv_sqrt[src] * deg_inv_sqrt[dst]
    h = x @ W
    msg = h[src] * norm[:, None]
    out = jnp.zeros((n, W.shape[1]), dtype=x.dtype).at[dst].add(msg)
    return out + b


def reference(x, edge_index, W1, b1, W2, b2, Wl, bl):
    h = _gcn_conv(x, edge_index, W1, b1)
    h = jax.nn.relu(h)
    h = _gcn_conv(h, edge_index, W2, b2)
    h = jax.nn.relu(h)
    h = h @ Wl + bl
    return jax.nn.log_softmax(h, axis=1)

if __name__ == "__main__":
    import jax
    _d = setup_inputs()
    print(jax.jit(kernel)(*tuple(_d.values())))

</pallas_src>

<mosaic_0001>
#map = affine_map<(d0, d1) -> (0)>
#map1 = affine_map<(d0, d1) -> (0, 0)>
#map2 = affine_map<(d0, d1) -> (0, 0, 0)>
module attributes {stable_mosaic.version = 14 : i64} {
  func.func @_sc3_body(%arg0: i32, %arg1: i32, %arg2: memref<3200000xi32, #tpu.memory_space<hbm>>, %arg3: memref<51200xf32, #tpu.memory_space<hbm>>, %arg4: memref<51200xf32, #tpu.memory_space<hbm>>, %arg5: memref<2x51200xf32, #tpu.memory_space<hbm>>, %arg6: memref<51200xf32, #tpu.memory_space<hbm>>, %arg7: memref<2x2x51200xf32, #tpu.memory_space<hbm>>, %arg8: memref<51200xf32, #tpu.memory_space<hbm>>, %arg9: memref<5000xi32, #tpu.memory_space<vmem>>, %arg10: memref<5000xi32, #tpu.memory_space<vmem>>, %arg11: memref<5000xi32, #tpu.memory_space<vmem>>, %arg12: memref<5000xi32, #tpu.memory_space<vmem>>, %arg13: memref<5000xf32, #tpu.memory_space<vmem>>, %arg14: memref<5000xf32, #tpu.memory_space<vmem>>, %arg15: memref<5000xf32, #tpu.memory_space<vmem>>, %arg16: memref<5000xf32, #tpu.memory_space<vmem>>, %arg17: memref<3200xf32, #tpu.memory_space<vmem>>, %arg18: memref<3200xf32, #tpu.memory_space<vmem>>, %arg19: memref<3200xf32, #tpu.memory_space<vmem>>, %arg20: memref<3200xf32, #tpu.memory_space<vmem>>, %arg21: memref<51200xf32, #tpu.memory_space<vmem_shared>>, %arg22: memref<51200xf32, #tpu.memory_space<vmem_shared>>, %arg23: memref<51200xf32, #tpu.memory_space<vmem_shared>>, %arg24: memref<51200xf32, #tpu.memory_space<vmem_shared>>, %arg25: memref<!tpu.dma_semaphore, #tpu.memory_space<semaphore_mem>>, %arg26: memref<!tpu.dma_semaphore, #tpu.memory_space<semaphore_mem>>, %arg27: memref<!tpu.dma_semaphore, #tpu.memory_space<semaphore_mem>>, %arg28: memref<!tpu.dma_semaphore, #tpu.memory_space<semaphore_mem>>, %arg29: memref<!tpu.dma_semaphore, #tpu.memory_space<semaphore_mem>>, %arg30: memref<!tpu.dma_semaphore, #tpu.memory_space<semaphore_mem>>) attributes {dimension_semantics = [#tpu.dimension_semantics<core_parallel>, #tpu.dimension_semantics<subcore_parallel>], iteration_bounds = array<i64: 2, 16>, scalar_prefetch = 0 : i64, scratch_operands = 22 : i64, tpu.core_type = #tpu.core_type<sc_vector_subcore>, window_params = [{transform_indices = #map}, {transform_indices = #map}, {transform_indices = #map}, {transform_indices = #map1}, {transform_indices = #map}, {transform_indices = #map2}, {transform_indices = #map}]} {
    %mul3A = arith.constant 3200 : i32
    %mul3A_0 = arith.muli %arg1, %mul3A : i32
    "tpu.region"() ({
      %run_scoped3A_37 = tpu.sem_alloc : memref<!tpu.dma_semaphore, #tpu.memory_space<semaphore_mem>>
      %dma_start3A_38 = tpu.memref_slice %arg23[%mul3A_0] : memref<51200xf32, #tpu.memory_space<vmem_shared>> -> memref<3200xf32, #tpu.memory_space<vmem_shared>>
      %dma_start3A_39 = tpu.memref_slice %arg4[%mul3A_0] : memref<51200xf32, #tpu.memory_space<hbm>> -> memref<3200xf32, #tpu.memory_space<hbm>>
      tpu.enqueue_dma source(%dma_start3A_39 : memref<3200xf32, #tpu.memory_space<hbm>>) target(%dma_start3A_38 : memref<3200xf32, #tpu.memory_space<vmem_shared>>) target_semaphore(%run_scoped3A_37 : memref<!tpu.dma_semaphore, #tpu.memory_space<semaphore_mem>>)
      %dma_wait3A = tpu.memref_slice %arg23[%mul3A_0] : memref<51200xf32, #tpu.memory_space<vmem_shared>> -> memref<3200xf32, #tpu.memory_space<vmem_shared>>
      %dma_wait3A_40 = tpu.memref_slice %arg4[%mul3A_0] : memref<51200xf32, #tpu.memory_space<hbm>> -> memref<3200xf32, #tpu.memory_space<hbm>>
      tpu.wait_dma2 semaphore(%run_scoped3A_37 : memref<!tpu.dma_semaphore, #tpu.memory_space<semaphore_mem>>) src(%dma_wait3A_40 : memref<3200xf32, #tpu.memory_space<hbm>>) dst(%dma_wait3A : memref<3200xf32, #tpu.memory_space<vmem_shared>>)
      tpu.yield
    }) : () -> ()
    "tpu.region"() ({
      %run_scoped3A_37 = tpu.sem_alloc : memref<!tpu.dma_semaphore, #tpu.memory_space<semaphore_mem>>
      %dma_start3A_38 = tpu.memref_slice %arg24[%mul3A_0] : memref<51200xf32, #tpu.memory_space<vmem_shared>> -> memref<3200xf32, #tpu.memory_space<vmem_shared>>
      %dma_start3A_39 = tpu.memref_slice %arg4[%mul3A_0] : memref<51200xf32, #tpu.memory_space<hbm>> -> memref<3200xf32, #tpu.memory_space<hbm>>
      tpu.enqueue_dma source(%dma_start3A_39 : memref<3200xf32, #tpu.memory_space<hbm>>) target(%dma_start3A_38 : memref<3200xf32, #tpu.memory_space<vmem_shared>>) target_semaphore(%run_scoped3A_37 : memref<!tpu.dma_semaphore, #tpu.memory_space<semaphore_mem>>)
      %dma_wait3A = tpu.memref_slice %arg24[%mul3A_0] : memref<51200xf32, #tpu.memory_space<vmem_shared>> -> memref<3200xf32, #tpu.memory_space<vmem_shared>>
      %dma_wait3A_40 = tpu.memref_slice %arg4[%mul3A_0] : memref<51200xf32, #tpu.memory_space<hbm>> -> memref<3200xf32, #tpu.memory_space<hbm>>
      tpu.wait_dma2 semaphore(%run_scoped3A_37 : memref<!tpu.dma_semaphore, #tpu.memory_space<semaphore_mem>>) src(%dma_wait3A_40 : memref<3200xf32, #tpu.memory_space<hbm>>) dst(%dma_wait3A : memref<3200xf32, #tpu.memory_space<vmem_shared>>)
      tpu.yield
    }) : () -> ()
    %run_scoped3A = arith.constant 0 : i32
    "tpu.region"() ({
      %run_scoped3A_37 = tpu.sem_alloc : memref<!tpu.dma_semaphore, #tpu.memory_space<semaphore_mem>>
      %dma_start3A_38 = tpu.memref_slice %arg5[%run_scoped3A, %mul3A_0] : memref<2x51200xf32, #tpu.memory_space<hbm>> -> memref<1x3200xf32, #tpu.memory_space<hbm>>
      %dma_start3A_39 = tpu.memref_squeeze %dma_start3A_38 : memref<1x3200xf32, #tpu.memory_space<hbm>> -> memref<3200xf32, #tpu.memory_space<hbm>>
      %dma_start3A_40 = tpu.memref_slice %arg5[%run_scoped3A, %mul3A_0] : memref<2x51200xf32, #tpu.memory_space<hbm>> -> memref<1x3200xf32, #tpu.memory_space<hbm>>
      %dma_start3A_41 = tpu.memref_squeeze %dma_start3A_40 : memref<1x3200xf32, #tpu.memory_space<hbm>> -> memref<3200xf32, #tpu.memory_space<hbm>>
      tpu.enqueue_dma source(%dma_start3A_41 : memref<3200xf32, #tpu.memory_space<hbm>>) target(%arg17 : memref<3200xf32, #tpu.memory_space<vmem>>) target_semaphore(%run_scoped3A_37 : memref<!tpu.dma_semaphore, #tpu.memory_space<semaphore_mem>>)
      %dma_wait3A = tpu.memref_slice %arg5[%run_scoped3A, %mul3A_0] : memref<2x51200xf32, #tpu.memory_space<hbm>> -> memref<1x3200xf32, #tpu.memory_space<hbm>>
      %dma_wait3A_42 = tpu.memref_squeeze %dma_wait3A : memref<1x3200xf32, #tpu.memory_space<hbm>> -> memref<3200xf32, #tpu.memory_space<hbm>>
      %dma_wait3A_43 = tpu.memref_slice %arg5[%run_scoped3A, %mul3A_0] : memref<2x51200xf32, #tpu.memory_space<hbm>> -> memref<1x3200xf32, #tpu.memory_space<hbm>>
      %dma_wait3A_44 = tpu.memref_squeeze %dma_wait3A_43 : memref<1x3200xf32, #tpu.memory_space<hbm>> -> memref<3200xf32, #tpu.memory_space<hbm>>
      tpu.wait_dma2 semaphore(%run_scoped3A_37 : memref<!tpu.dma_semaphore, #tpu.memory_space<semaphore_mem>>) src(%dma_wait3A_44 : memref<3200xf32, #tpu.memory_space<hbm>>) dst(%arg17 : memref<3200xf32, #tpu.memory_space<vmem>>)
      tpu.yield
    }) : () -> ()
    %run_scoped3A_1 = arith.constant 1 : i32
    "tpu.region"() ({
      %run_scoped3A_37 = tpu.sem_alloc : memref<!tpu.dma_semaphore, #tpu.memory_space<semaphore_mem>>
      %dma_start3A_38 = tpu.memref_slice %arg5[%run_scoped3A_1, %mul3A_0] : memref<2x51200xf32, #tpu.memory_space<hbm>> -> memref<1x3200xf32, #tpu.memory_space<hbm>>
      %dma_start3A_39 = tpu.memref_squeeze %dma_start3A_38 : memref<1x3200xf32, #tpu.memory_space<hbm>> -> memref<3200xf32, #tpu.memory_space<hbm>>
      %dma_start3A_40 = tpu.memref_slice %arg5[%run_scoped3A_1, %mul3A_0] : memref<2x51200xf32, #tpu.memory_space<hbm>> -> memref<1x3200xf32, #tpu.memory_space<hbm>>
      %dma_start3A_41 = tpu.memref_squeeze %dma_start3A_40 : memref<1x3200xf32, #tpu.memory_space<hbm>> -> memref<3200xf32, #tpu.memory_space<hbm>>
      tpu.enqueue_dma source(%dma_start3A_41 : memref<3200xf32, #tpu.memory_space<hbm>>) target(%arg20 : memref<3200xf32, #tpu.memory_space<vmem>>) target_semaphore(%run_scoped3A_37 : memref<!tpu.dma_semaphore, #tpu.memory_space<semaphore_mem>>)
      %dma_wait3A = tpu.memref_slice %arg5[%run_scoped3A_1, %mul3A_0] : memref<2x51200xf32, #tpu.memory_space<hbm>> -> memref<1x3200xf32, #tpu.memory_space<hbm>>
      %dma_wait3A_42 = tpu.memref_squeeze %dma_wait3A : memref<1x3200xf32, #tpu.memory_space<hbm>> -> memref<3200xf32, #tpu.memory_space<hbm>>
      %dma_wait3A_43 = tpu.memref_slice %arg5[%run_scoped3A_1, %mul3A_0] : memref<2x51200xf32, #tpu.memory_space<hbm>> -> memref<1x3200xf32, #tpu.memory_space<hbm>>
      %dma_wait3A_44 = tpu.memref_squeeze %dma_wait3A_43 : memref<1x3200xf32, #tpu.memory_space<hbm>> -> memref<3200xf32, #tpu.memory_space<hbm>>
      tpu.wait_dma2 semaphore(%run_scoped3A_37 : memref<!tpu.dma_semaphore, #tpu.memory_space<semaphore_mem>>) src(%dma_wait3A_44 : memref<3200xf32, #tpu.memory_space<hbm>>) dst(%arg20 : memref<3200xf32, #tpu.memory_space<vmem>>)
      tpu.yield
    }) : () -> ()
    "tpu.region"() ({
      %run_scoped3A_37 = tpu.sem_alloc : memref<!tpu.dma_semaphore, #tpu.memory_space<semaphore_mem>>
      %dma_start3A_38 = tpu.memref_slice %arg3[%mul3A_0] : memref<51200xf32, #tpu.memory_space<hbm>> -> memref<3200xf32, #tpu.memory_space<hbm>>
      %dma_start3A_39 = tpu.memref_slice %arg3[%mul3A_0] : memref<51200xf32, #tpu.memory_space<hbm>> -> memref<3200xf32, #tpu.memory_space<hbm>>
      tpu.enqueue_dma source(%dma_start3A_39 : memref<3200xf32, #tpu.memory_space<hbm>>) target(%arg18 : memref<3200xf32, #tpu.memory_space<vmem>>) target_semaphore(%run_scoped3A_37 : memref<!tpu.dma_semaphore, #tpu.memory_space<semaphore_mem>>)
      %dma_wait3A = tpu.memref_slice %arg3[%mul3A_0] : memref<51200xf32, #tpu.memory_space<hbm>> -> memref<3200xf32, #tpu.memory_space<hbm>>
      %dma_wait3A_40 = tpu.memref_slice %arg3[%mul3A_0] : memref<51200xf32, #tpu.memory_space<hbm>> -> memref<3200xf32, #tpu.memory_space<hbm>>
      tpu.wait_dma2 semaphore(%run_scoped3A_37 : memref<!tpu.dma_semaphore, #tpu.memory_space<semaphore_mem>>) src(%dma_wait3A_40 : memref<3200xf32, #tpu.memory_space<hbm>>) dst(%arg18 : memref<3200xf32, #tpu.memory_space<vmem>>)
      tpu.yield
    }) : () -> ()
    "tpu.region"() ({
      %run_scoped3A_37 = tpu.sem_alloc : memref<!tpu.dma_semaphore, #tpu.memory_space<semaphore_mem>>
      %dma_start3A_38 = tpu.memref_slice %arg6[%mul3A_0] : memref<51200xf32, #tpu.memory_space<hbm>> -> memref<3200xf32, #tpu.memory_space<hbm>>
      %dma_start3A_39 = tpu.memref_slice %arg6[%mul3A_0] : memref<51200xf32, #tpu.memory_space<hbm>> -> memref<3200xf32, #tpu.memory_space<hbm>>
      tpu.enqueue_dma source(%dma_start3A_39 : memref<3200xf32, #tpu.memory_space<hbm>>) target(%arg19 : memref<3200xf32, #tpu.memory_space<vmem>>) target_semaphore(%run_scoped3A_37 : memref<!tpu.dma_semaphore, #tpu.memory_space<semaphore_mem>>)
      %dma_wait3A = tpu.memref_slice %arg6[%mul3A_0] : memref<51200xf32, #tpu.memory_space<hbm>> -> memref<3200xf32, #tpu.memory_space<hbm>>
      %dma_wait3A_40 = tpu.memref_slice %arg6[%mul3A_0] : memref<51200xf32, #tpu.memory_space<hbm>> -> memref<3200xf32, #tpu.memory_space<hbm>>
      tpu.wait_dma2 semaphore(%run_scoped3A_37 : memref<!tpu.dma_semaphore, #tpu.memory_space<semaphore_mem>>) src(%dma_wait3A_40 : memref<3200xf32, #tpu.memory_space<hbm>>) dst(%arg19 : memref<3200xf32, #tpu.memory_space<vmem>>)
      tpu.yield
    }) : () -> ()
    %scan3A = arith.constant 0 : i32
    %scan3A_2 = arith.constant 0 : i32
    %scan3A_3 = arith.constant 200 : i32
    %scan3A_4 = arith.addi %scan3A_2, %scan3A_3 : i32
    %scan3A_5 = arith.constant 1 : i32
    scf.for %scan3A_37 = %scan3A_2 to %scan3A_4 step %scan3A_5  : i32 {
      %mul3A_38 = arith.constant 16 : i32
      %mul3A_39 = arith.muli %scan3A_37, %mul3A_38 : i32
      %get3A = arith.index_cast %mul3A_39 : i32 to index
      %get3A_40 = tpu.vector_load %arg19[%get3A] {strides = array<i32>} : memref<3200xf32, #tpu.memory_space<vmem>>, vector<16xf32>,
      %get3A_41 = vector.shape_cast %get3A_40 : vector<16xf32> to vector<16xf32>
      %get3A_42 = arith.index_cast %mul3A_39 : i32 to index
      %get3A_43 = tpu.vector_load %arg17[%get3A_42] {strides = array<i32>} : memref<3200xf32, #tpu.memory_space<vmem>>, vector<16xf32>,
      %get3A_44 = vector.shape_cast %get3A_43 : vector<16xf32> to vector<16xf32>
      %get3A_45 = arith.index_cast %mul3A_39 : i32 to index
      %get3A_46 = tpu.vector_load %arg20[%get3A_45] {strides = array<i32>} : memref<3200xf32, #tpu.memory_space<vmem>>, vector<16xf32>,
      %get3A_47 = vector.shape_cast %get3A_46 : vector<16xf32> to vector<16xf32>
      %add3A_48 = arith.addf %get3A_44, %get3A_47 : vector<16xf32>
      %mul3A_49 = arith.mulf %get3A_41, %add3A_48 : vector<16xf32>
      %mul3A_50 = arith.mulf %get3A_41, %get3A_41 : vector<16xf32>
      %get3A_51 = arith.index_cast %mul3A_39 : i32 to index
      %get3A_52 = tpu.vector_load %arg18[%get3A_51] {strides = array<i32>} : memref<3200xf32, #tpu.memory_space<vmem>>, vector<16xf32>,
      %get3A_53 = vector.shape_cast %get3A_52 : vector<16xf32> to vector<16xf32>
      %mul3A_54 = arith.mulf %mul3A_50, %get3A_53 : vector<16xf32>
      %add3A_55 = arith.addf %mul3A_49, %mul3A_54 : vector<16xf32>
      %swap3A = arith.index_cast %mul3A_39 : i32 to index
      %swap3A_56 = tpu.vector_load %arg20[%swap3A] {strides = array<i32>} : memref<3200xf32, #tpu.memory_space<vmem>>, vector<16xf32>,
      %swap3A_57 = vector.shape_cast %swap3A_56 : vector<16xf32> to vector<16xf32>
      %swap3A_58 = vector.shape_cast %add3A_55 : vector<16xf32> to vector<16xf32>
      tpu.vector_store %arg20[%swap3A], %swap3A_58 {strides = array<i32>} : memref<3200xf32, #tpu.memory_space<vmem>>, vector<16xf32>,
      %max3A = arith.constant 0.000000e+00 : f32
      %max3A_59 = vector.broadcast %max3A : f32 to vector<16xf32>
      %max3A_60 = arith.maximumf %add3A_55, %max3A_59 : vector<16xf32>
      %mul3A_61 = arith.mulf %max3A_60, %get3A_41 : vector<16xf32>
      %swap3A_62 = arith.index_cast %mul3A_39 : i32 to index
      %swap3A_63 = tpu.vector_load %arg17[%swap3A_62] {strides = array<i32>} : memref<3200xf32, #tpu.memory_space<vmem>>, vector<16xf32>,
      %swap3A_64 = vector.shape_cast %swap3A_63 : vector<16xf32> to vector<16xf32>
      %swap3A_65 = vector.shape_cast %mul3A_61 : vector<16xf32> to vector<16xf32>
      tpu.vector_store %arg17[%swap3A_62], %swap3A_65 {strides = array<i32>} : memref<3200xf32, #tpu.memory_space<vmem>>, vector<16xf32>,
      %neg3A = arith.constant 0.000000e+00 : f32
      %neg3A_66 = vector.broadcast %neg3A : f32 to vector<16xf32>
      %neg3A_67 = arith.subf %neg3A_66, %add3A_55 : vector<16xf32>
      %max3A_68 = arith.constant 0.000000e+00 : f32
      %max3A_69 = vector.broadcast %max3A_68 : f32 to vector<16xf32>
      %max3A_70 = arith.maximumf %neg3A_67, %max3A_69 : vector<16xf32>
      %mul3A_71 = arith.mulf %max3A_70, %get3A_41 : vector<16xf32>
      %swap3A_72 = arith.index_cast %mul3A_39 : i32 to index
      %swap3A_73 = tpu.vector_load %arg18[%swap3A_72] {strides = array<i32>} : memref<3200xf32, #tpu.memory_space<vmem>>, vector<16xf32>,
      %swap3A_74 = vector.shape_cast %swap3A_73 : vector<16xf32> to vector<16xf32>
      %swap3A_75 = vector.shape_cast %mul3A_71 : vector<16xf32> to vector<16xf32>
      tpu.vector_store %arg18[%swap3A_72], %swap3A_75 {strides = array<i32>} : memref<3200xf32, #tpu.memory_space<vmem>>, vector<16xf32>,
    }
    %scan3A_6 = arith.constant 200 : i32
    "tpu.region"() ({
      %run_scoped3A_37 = tpu.sem_alloc : memref<!tpu.dma_semaphore, #tpu.memory_space<semaphore_mem>>
      %dma_start3A_38 = tpu.memref_slice %arg21[%mul3A_0] : memref<51200xf32, #tpu.memory_space<vmem_shared>> -> memref<3200xf32, #tpu.memory_space<vmem_shared>>
      %dma_start3A_39 = tpu.memref_slice %arg21[%mul3A_0] : memref<51200xf32, #tpu.memory_space<vmem_shared>> -> memref<3200xf32, #tpu.memory_space<vmem_shared>>
      tpu.enqueue_dma source(%arg17 : memref<3200xf32, #tpu.memory_space<vmem>>) target(%dma_start3A_39 : memref<3200xf32, #tpu.memory_space<vmem_shared>>) target_semaphore(%run_scoped3A_37 : memref<!tpu.dma_semaphore, #tpu.memory_space<semaphore_mem>>)
      %dma_wait3A = tpu.memref_slice %arg21[%mul3A_0] : memref<51200xf32, #tpu.memory_space<vmem_shared>> -> memref<3200xf32, #tpu.memory_space<vmem_shared>>
      %dma_wait3A_40 = tpu.memref_slice %arg21[%mul3A_0] : memref<51200xf32, #tpu.memory_space<vmem_shared>> -> memref<3200xf32, #tpu.memory_space<vmem_shared>>
      tpu.wait_dma2 semaphore(%run_scoped3A_37 : memref<!tpu.dma_semaphore, #tpu.memory_space<semaphore_mem>>) src(%arg17 : memref<3200xf32, #tpu.memory_space<vmem>>) dst(%dma_wait3A_40 : memref<3200xf32, #tpu.memory_space<vmem_shared>>)
      tpu.yield
    }) : () -> ()
    "tpu.region"() ({
      %run_scoped3A_37 = tpu.sem_alloc : memref<!tpu.dma_semaphore, #tpu.memory_space<semaphore_mem>>
      %dma_start3A_38 = tpu.memref_slice %arg22[%mul3A_0] : memref<51200xf32, #tpu.memory_space<vmem_shared>> -> memref<3200xf32, #tpu.memory_space<vmem_shared>>
      %dma_start3A_39 = tpu.memref_slice %arg22[%mul3A_0] : memref<51200xf32, #tpu.memory_space<vmem_shared>> -> memref<3200xf32, #tpu.memory_space<vmem_shared>>
      tpu.enqueue_dma source(%arg18 : memref<3200xf32, #tpu.memory_space<vmem>>) target(%dma_start3A_39 : memref<3200xf32, #tpu.memory_space<vmem_shared>>) target_semaphore(%run_scoped3A_37 : memref<!tpu.dma_semaphore, #tpu.memory_space<semaphore_mem>>)
      %dma_wait3A = tpu.memref_slice %arg22[%mul3A_0] : memref<51200xf32, #tpu.memory_space<vmem_shared>> -> memref<3200xf32, #tpu.memory_space<vmem_shared>>
      %dma_wait3A_40 = tpu.memref_slice %arg22[%mul3A_0] : memref<51200xf32, #tpu.memory_space<vmem_shared>> -> memref<3200xf32, #tpu.memory_space<vmem_shared>>
      tpu.wait_dma2 semaphore(%run_scoped3A_37 : memref<!tpu.dma_semaphore, #tpu.memory_space<semaphore_mem>>) src(%arg18 : memref<3200xf32, #tpu.memory_space<vmem>>) dst(%dma_wait3A_40 : memref<3200xf32, #tpu.memory_space<vmem_shared>>)
      tpu.yield
    }) : () -> ()
    %eq3A = arith.constant 0 : i32
    %eq3A_7 = arith.cmpi eq, %arg0, %eq3A : i32
    %convert_element_type3A = arith.extui %eq3A_7 : i1 to i32
    %cond3A = arith.constant 0 : i32
    %cond3A_8 = arith.cmpi ne, %convert_element_type3A, %cond3A : i32
    scf.if %cond3A_8 {
      "tpu.region"() ({
        %run_scoped3A_37 = tpu.sem_alloc : memref<!tpu.dma_semaphore, #tpu.memory_space<semaphore_mem>>
        %dma_start3A_38 = tpu.memref_slice %arg8[%mul3A_0] : memref<51200xf32, #tpu.memory_space<hbm>> -> memref<3200xf32, #tpu.memory_space<hbm>>
        %dma_start3A_39 = tpu.memref_slice %arg8[%mul3A_0] : memref<51200xf32, #tpu.memory_space<hbm>> -> memref<3200xf32, #tpu.memory_space<hbm>>
        tpu.enqueue_dma source(%arg20 : memref<3200xf32, #tpu.memory_space<vmem>>) target(%dma_start3A_39 : memref<3200xf32, #tpu.memory_space<hbm>>) target_semaphore(%run_scoped3A_37 : memref<!tpu.dma_semaphore, #tpu.memory_space<semaphore_mem>>)
        %dma_wait3A = tpu.memref_slice %arg8[%mul3A_0] : memref<51200xf32, #tpu.memory_space<hbm>> -> memref<3200xf32, #tpu.memory_space<hbm>>
        %dma_wait3A_40 = tpu.memref_slice %arg8[%mul3A_0] : memref<51200xf32, #tpu.memory_space<hbm>> -> memref<3200xf32, #tpu.memory_space<hbm>>
        tpu.wait_dma2 semaphore(%run_scoped3A_37 : memref<!tpu.dma_semaphore, #tpu.memory_space<semaphore_mem>>) src(%arg20 : memref<3200xf32, #tpu.memory_space<vmem>>) dst(%dma_wait3A_40 : memref<3200xf32, #tpu.memory_space<hbm>>)
        tpu.yield
      }) : () -> ()
    } else {
    }
    %barrier3A = arith.constant 0 : index
    tpu.barrier barrier_id(%barrier3A)
    %mul3A_9 = arith.constant 16 : i32
    %mul3A_10 = arith.muli %arg0, %mul3A_9 : i32
    %add3A = arith.addi %mul3A_10, %arg1 : i32
    %mul3A_11 = arith.constant 50000 : i32
    %mul3A_12 = arith.muli %add3A, %mul3A_11 : i32
    %mul3A_13 = arith.constant 50000 : i32
    %mul3A_14 = arith.muli %add3A, %mul3A_13 : i32
    %add3A_15 = arith.constant 1600000 : i32
    %add3A_16 = arith.addi %add3A_15, %mul3A_14 : i32
    %dma_start3A = tpu.memref_slice %arg2[%mul3A_12] : memref<3200000xi32, #tpu.memory_space<hbm>> -> memref<5000xi32, #tpu.memory_space<hbm>>
    %dma_start3A_17 = tpu.memref_slice %arg2[%mul3A_12] : memref<3200000xi32, #tpu.memory_space<hbm>> -> memref<5000xi32, #tpu.memory_space<hbm>>
    tpu.enqueue_dma source(%dma_start3A_17 : memref<5000xi32, #tpu.memory_space<hbm>>) target(%arg9 : memref<5000xi32, #tpu.memory_space<vmem>>) target_semaphore(%arg25 : memref<!tpu.dma_semaphore, #tpu.memory_space<semaphore_mem>>)
    %dma_start3A_18 = tpu.memref_slice %arg2[%add3A_16] : memref<3200000xi32, #tpu.memory_space<hbm>> -> memref<5000xi32, #tpu.memory_space<hbm>>
    %dma_start3A_19 = tpu.memref_slice %arg2[%add3A_16] : memref<3200000xi32, #tpu.memory_space<hbm>> -> memref<5000xi32, #tpu.memory_space<hbm>>
    tpu.enqueue_dma source(%dma_start3A_19 : memref<5000xi32, #tpu.memory_space<hbm>>) target(%arg11 : memref<5000xi32, #tpu.memory_space<vmem>>) target_semaphore(%arg25 : memref<!tpu.dma_semaphore, #tpu.memory_space<semaphore_mem>>)
    %add3A_20 = arith.constant 5000 : i32
    %add3A_21 = arith.addi %mul3A_12, %add3A_20 : i32
    %dma_start3A_22 = tpu.memref_slice %arg2[%add3A_21] : memref<3200000xi32, #tpu.memory_space<hbm>> -> memref<5000xi32, #tpu.memory_space<hbm>>
    %dma_start3A_23 = tpu.memref_slice %arg2[%add3A_21] : memref<3200000xi32, #tpu.memory_space<hbm>> -> memref<5000xi32, #tpu.memory_space<hbm>>
    tpu.enqueue_dma source(%dma_start3A_23 : memref<5000xi32, #tpu.memory_space<hbm>>) target(%arg10 : memref<5000xi32, #tpu.memory_space<vmem>>) target_semaphore(%arg26 : memref<!tpu.dma_semaphore, #tpu.memory_space<semaphore_mem>>)
    %add3A_24 = arith.constant 5000 : i32
    %add3A_25 = arith.addi %add3A_16, %add3A_24 : i32
    %dma_start3A_26 = tpu.memref_slice %arg2[%add3A_25] : memref<3200000xi32, #tpu.memory_space<hbm>> -> memref<5000xi32, #tpu.memory_space<hbm>>
    %dma_start3A_27 = tpu.memref_slice %arg2[%add3A_25] : memref<3200000xi32, #tpu.memory_space<hbm>> -> memref<5000xi32, #tpu.memory_space<hbm>>
    tpu.enqueue_dma source(%dma_start3A_27 : memref<5000xi32, #tpu.memory_space<hbm>>) target(%arg12 : memref<5000xi32, #tpu.memory_space<vmem>>) target_semaphore(%arg26 : memref<!tpu.dma_semaphore, #tpu.memory_space<semaphore_mem>>)
    %scan3A_28 = arith.constant 0 : i32
    %scan3A_29 = arith.constant 0 : i32
    %scan3A_30 = arith.constant 5 : i32
    %scan3A_31 = arith.addi %scan3A_29, %scan3A_30 : i32
    %scan3A_32 = arith.constant 1 : i32
    scf.for %scan3A_37 = %scan3A_29 to %scan3A_31 step %scan3A_32  : i32 {
      %mul3A_38 = arith.constant 2 : i32
      %mul3A_39 = arith.muli %mul3A_38, %scan3A_37 : i32
      %dma_wait3A = arith.constant 0 : i32
      %dma_wait3A_40 = tpu.memref_slice %arg2[%dma_wait3A] : memref<3200000xi32, #tpu.memory_space<hbm>> -> memref<5000xi32, #tpu.memory_space<hbm>>
      %dma_wait3A_41 = arith.constant 0 : i32
      %dma_wait3A_42 = tpu.memref_slice %arg2[%dma_wait3A_41] : memref<3200000xi32, #tpu.memory_space<hbm>> -> memref<5000xi32, #tpu.memory_space<hbm>>
      tpu.wait_dma2 semaphore(%arg25 : memref<!tpu.dma_semaphore, #tpu.memory_space<semaphore_mem>>) src(%dma_wait3A_42 : memref<5000xi32, #tpu.memory_space<hbm>>) dst(%arg9 : memref<5000xi32, #tpu.memory_space<vmem>>)
      %dma_wait3A_43 = arith.constant 0 : i32
      %dma_wait3A_44 = tpu.memref_slice %arg2[%dma_wait3A_43] : memref<3200000xi32, #tpu.memory_space<hbm>> -> memref<5000xi32, #tpu.memory_space<hbm>>
      %dma_wait3A_45 = arith.constant 0 : i32
      %dma_wait3A_46 = tpu.memref_slice %arg2[%dma_wait3A_45] : memref<3200000xi32, #tpu.memory_space<hbm>> -> memref<5000xi32, #tpu.memory_space<hbm>>
      tpu.wait_dma2 semaphore(%arg25 : memref<!tpu.dma_semaphore, #tpu.memory_space<semaphore_mem>>) src(%dma_wait3A_46 : memref<5000xi32, #tpu.memory_space<hbm>>) dst(%arg11 : memref<5000xi32, #tpu.memory_space<vmem>>)
      %dma_start3A_47 = arith.constant 0 : i32
      %dma_start3A_48 = tpu.memref_slice %arg21[%dma_start3A_47] : memref<51200xf32, #tpu.memory_space<vmem_shared>> -> memref<51200xf32, #tpu.memory_space<vmem_shared>>
      tpu.enqueue_indirect_dma source(%dma_start3A_48 : memref<51200xf32, #tpu.memory_space<vmem_shared>>) target(%arg13 : memref<5000xf32, #tpu.memory_space<vmem>>) offsets(%arg9 : memref<5000xi32, #tpu.memory_space<vmem>>) semaphore(%arg27 : memref<!tpu.dma_semaphore, #tpu.memory_space<semaphore_mem>>)
      %dma_start3A_49 = arith.constant 0 : i32
      %dma_start3A_50 = tpu.memref_slice %arg22[%dma_start3A_49] : memref<51200xf32, #tpu.memory_space<vmem_shared>> -> memref<51200xf32, #tpu.memory_space<vmem_shared>>
      tpu.enqueue_indirect_dma source(%dma_start3A_50 : memref<51200xf32, #tpu.memory_space<vmem_shared>>) target(%arg15 : memref<5000xf32, #tpu.memory_space<vmem>>) offsets(%arg9 : memref<5000xi32, #tpu.memory_space<vmem>>) semaphore(%arg27 : memref<!tpu.dma_semaphore, #tpu.memory_space<semaphore_mem>>)
      %dma_wait3A_51 = arith.constant 0 : i32
      %dma_wait3A_52 = tpu.memref_slice %arg2[%dma_wait3A_51] : memref<3200000xi32, #tpu.memory_space<hbm>> -> memref<5000xi32, #tpu.memory_space<hbm>>
      %dma_wait3A_53 = arith.constant 0 : i32
      %dma_wait3A_54 = tpu.memref_slice %arg2[%dma_wait3A_53] : memref<3200000xi32, #tpu.memory_space<hbm>> -> memref<5000xi32, #tpu.memory_space<hbm>>
      tpu.wait_dma2 semaphore(%arg26 : memref<!tpu.dma_semaphore, #tpu.memory_space<semaphore_mem>>) src(%dma_wait3A_54 : memref<5000xi32, #tpu.memory_space<hbm>>) dst(%arg10 : memref<5000xi32, #tpu.memory_space<vmem>>)
      %dma_wait3A_55 = arith.constant 0 : i32
      %dma_wait3A_56 = tpu.memref_slice %arg2[%dma_wait3A_55] : memref<3200000xi32, #tpu.memory_space<hbm>> -> memref<5000xi32, #tpu.memory_space<hbm>>
      %dma_wait3A_57 = arith.constant 0 : i32
      %dma_wait3A_58 = tpu.memref_slice %arg2[%dma_wait3A_57] : memref<3200000xi32, #tpu.memory_space<hbm>> -> memref<5000xi32, #tpu.memory_space<hbm>>
      tpu.wait_dma2 semaphore(%arg26 : memref<!tpu.dma_semaphore, #tpu.memory_space<semaphore_mem>>) src(%dma_wait3A_58 : memref<5000xi32, #tpu.memory_space<hbm>>) dst(%arg12 : memref<5000xi32, #tpu.memory_space<vmem>>)
      %dma_start3A_59 = arith.constant 0 : i32
      %dma_start3A_60 = tpu.memref_slice %arg21[%dma_start3A_59] : memref<51200xf32, #tpu.memory_space<vmem_shared>> -> memref<51200xf32, #tpu.memory_space<vmem_shared>>
      tpu.enqueue_indirect_dma source(%dma_start3A_60 : memref<51200xf32, #tpu.memory_space<vmem_shared>>) target(%arg14 : memref<5000xf32, #tpu.memory_space<vmem>>) offsets(%arg10 : memref<5000xi32, #tpu.memory_space<vmem>>) semaphore(%arg28 : memref<!tpu.dma_semaphore, #tpu.memory_space<semaphore_mem>>)
      %dma_start3A_61 = arith.constant 0 : i32
      %dma_start3A_62 = tpu.memref_slice %arg22[%dma_start3A_61] : memref<51200xf32, #tpu.memory_space<vmem_shared>> -> memref<51200xf32, #tpu.memory_space<vmem_shared>>
      tpu.enqueue_indirect_dma source(%dma_start3A_62 : memref<51200xf32, #tpu.memory_space<vmem_shared>>) target(%arg16 : memref<5000xf32, #tpu.memory_space<vmem>>) offsets(%arg10 : memref<5000xi32, #tpu.memory_space<vmem>>) semaphore(%arg28 : memref<!tpu.dma_semaphore, #tpu.memory_space<semaphore_mem>>)
      %dma_wait3A_63 = arith.constant 0 : i32
      %dma_wait3A_64 = tpu.memref_slice %arg21[%dma_wait3A_63] : memref<51200xf32, #tpu.memory_space<vmem_shared>> -> memref<51200xf32, #tpu.memory_space<vmem_shared>>
      tpu.wait_indirect_dma semaphore(%arg27 : memref<!tpu.dma_semaphore, #tpu.memory_space<semaphore_mem>>) src(%dma_wait3A_64 : memref<51200xf32, #tpu.memory_space<vmem_shared>>) dst(%arg13 : memref<5000xf32, #tpu.memory_space<vmem>>)
      %dma_wait3A_65 = arith.constant 0 : i32
      %dma_wait3A_66 = tpu.memref_slice %arg22[%dma_wait3A_65] : memref<51200xf32, #tpu.memory_space<vmem_shared>> -> memref<51200xf32, #tpu.memory_space<vmem_shared>>
      tpu.wait_indirect_dma semaphore(%arg27 : memref<!tpu.dma_semaphore, #tpu.memory_space<semaphore_mem>>) src(%dma_wait3A_66 : memref<51200xf32, #tpu.memory_space<vmem_shared>>) dst(%arg15 : memref<5000xf32, #tpu.memory_space<vmem>>)
      %dma_start3A_67 = arith.constant 0 : i32
      %dma_start3A_68 = tpu.memref_slice %arg23[%dma_start3A_67] : memref<51200xf32, #tpu.memory_space<vmem_shared>> -> memref<51200xf32, #tpu.memory_space<vmem_shared>>
      tpu.enqueue_indirect_dma source(%arg13 : memref<5000xf32, #tpu.memory_space<vmem>>) target(%dma_start3A_68 : memref<51200xf32, #tpu.memory_space<vmem_shared>>) offsets(%arg11 : memref<5000xi32, #tpu.memory_space<vmem>>) semaphore(%arg29 : memref<!tpu.dma_semaphore, #tpu.memory_space<semaphore_mem>>) {add = true}
      %dma_start3A_69 = arith.constant 0 : i32
      %dma_start3A_70 = tpu.memref_slice %arg24[%dma_start3A_69] : memref<51200xf32, #tpu.memory_space<vmem_shared>> -> memref<51200xf32, #tpu.memory_space<vmem_shared>>
      tpu.enqueue_indirect_dma source(%arg15 : memref<5000xf32, #tpu.memory_space<vmem>>) target(%dma_start3A_70 : memref<51200xf32, #tpu.memory_space<vmem_shared>>) offsets(%arg11 : memref<5000xi32, #tpu.memory_space<vmem>>) semaphore(%arg29 : memref<!tpu.dma_semaphore, #tpu.memory_space<semaphore_mem>>) {add = true}
      %dma_wait3A_71 = arith.constant 0 : i32
      %dma_wait3A_72 = tpu.memref_slice %arg21[%dma_wait3A_71] : memref<51200xf32, #tpu.memory_space<vmem_shared>> -> memref<51200xf32, #tpu.memory_space<vmem_shared>>
      tpu.wait_indirect_dma semaphore(%arg28 : memref<!tpu.dma_semaphore, #tpu.memory_space<semaphore_mem>>) src(%dma_wait3A_72 : memref<51200xf32, #tpu.memory_space<vmem_shared>>) dst(%arg14 : memref<5000xf32, #tpu.memory_space<vmem>>)
      %dma_wait3A_73 = arith.constant 0 : i32
      %dma_wait3A_74 = tpu.memref_slice %arg22[%dma_wait3A_73] : memref<51200xf32, #tpu.memory_space<vmem_shared>> -> memref<51200xf32, #tpu.memory_space<vmem_shared>>
      tpu.wait_indirect_dma semaphore(%arg28 : memref<!tpu.dma_semaphore, #tpu.memory_space<semaphore_mem>>) src(%dma_wait3A_74 : memref<51200xf32, #tpu.memory_space<vmem_shared>>) dst(%arg16 : memref<5000xf32, #tpu.memory_space<vmem>>)
      %dma_start3A_75 = arith.constant 0 : i32
      %dma_start3A_76 = tpu.memref_slice %arg23[%dma_start3A_75] : memref<51200xf32, #tpu.memory_space<vmem_shared>> -> memref<51200xf32, #tpu.memory_space<vmem_shared>>
      tpu.enqueue_indirect_dma source(%arg14 : memref<5000xf32, #tpu.memory_space<vmem>>) target(%dma_start3A_76 : memref<51200xf32, #tpu.memory_space<vmem_shared>>) offsets(%arg12 : memref<5000xi32, #tpu.memory_space<vmem>>) semaphore(%arg30 : memref<!tpu.dma_semaphore, #tpu.memory_space<semaphore_mem>>) {add = true}
      %dma_start3A_77 = arith.constant 0 : i32
      %dma_start3A_78 = tpu.memref_slice %arg24[%dma_start3A_77] : memref<51200xf32, #tpu.memory_space<vmem_shared>> -> memref<51200xf32, #tpu.memory_space<vmem_shared>>
      tpu.enqueue_indirect_dma source(%arg16 : memref<5000xf32, #tpu.memory_space<vmem>>) target(%dma_start3A_78 : memref<51200xf32, #tpu.memory_space<vmem_shared>>) offsets(%arg12 : memref<5000xi32, #tpu.memory_space<vmem>>) semaphore(%arg30 : memref<!tpu.dma_semaphore, #tpu.memory_space<semaphore_mem>>) {add = true}
      %dma_wait3A_79 = arith.constant 0 : i32
      %dma_wait3A_80 = tpu.memref_slice %arg23[%dma_wait3A_79] : memref<51200xf32, #tpu.memory_space<vmem_shared>> -> memref<51200xf32, #tpu.memory_space<vmem_shared>>
      tpu.wait_indirect_dma semaphore(%arg29 : memref<!tpu.dma_semaphore, #tpu.memory_space<semaphore_mem>>) src(%arg13 : memref<5000xf32, #tpu.memory_space<vmem>>) dst(%dma_wait3A_80 : memref<51200xf32, #tpu.memory_space<vmem_shared>>)
      %dma_wait3A_81 = arith.constant 0 : i32
      %dma_wait3A_82 = tpu.memref_slice %arg24[%dma_wait3A_81] : memref<51200xf32, #tpu.memory_space<vmem_shared>> -> memref<51200xf32, #tpu.memory_space<vmem_shared>>
      tpu.wait_indirect_dma semaphore(%arg29 : memref<!tpu.dma_semaphore, #tpu.memory_space<semaphore_mem>>) src(%arg15 : memref<5000xf32, #tpu.memory_space<vmem>>) dst(%dma_wait3A_82 : memref<51200xf32, #tpu.memory_space<vmem_shared>>)
      %dma_wait3A_83 = arith.constant 0 : i32
      %dma_wait3A_84 = tpu.memref_slice %arg23[%dma_wait3A_83] : memref<51200xf32, #tpu.memory_space<vmem_shared>> -> memref<51200xf32, #tpu.memory_space<vmem_shared>>
      tpu.wait_indirect_dma semaphore(%arg30 : memref<!tpu.dma_semaphore, #tpu.memory_space<semaphore_mem>>) src(%arg14 : memref<5000xf32, #tpu.memory_space<vmem>>) dst(%dma_wait3A_84 : memref<51200xf32, #tpu.memory_space<vmem_shared>>)
      %dma_wait3A_85 = arith.constant 0 : i32
      %dma_wait3A_86 = tpu.memref_slice %arg24[%dma_wait3A_85] : memref<51200xf32, #tpu.memory_space<vmem_shared>> -> memref<51200xf32, #tpu.memory_space<vmem_shared>>
      tpu.wait_indirect_dma semaphore(%arg30 : memref<!tpu.dma_semaphore, #tpu.memory_space<semaphore_mem>>) src(%arg16 : memref<5000xf32, #tpu.memory_space<vmem>>) dst(%dma_wait3A_86 : memref<51200xf32, #tpu.memory_space<vmem_shared>>)
      %add3A_87 = arith.constant 2 : i32
      %add3A_88 = arith.addi %mul3A_39, %add3A_87 : i32
      %lt3A = arith.constant 10 : i32
      %lt3A_89 = arith.cmpi slt, %add3A_88, %lt3A : i32
      %convert_element_type3A_90 = arith.extui %lt3A_89 : i1 to i32
      %cond3A_91 = arith.constant 0 : i32
      %cond3A_92 = arith.cmpi ne, %convert_element_type3A_90, %cond3A_91 : i32
      scf.if %cond3A_92 {
        %add3A_93 = arith.constant 2 : i32
        %add3A_94 = arith.addi %mul3A_39, %add3A_93 : i32
        %mul3A_95 = arith.constant 5000 : i32
        %mul3A_96 = arith.muli %add3A_94, %mul3A_95 : i32
        %add3A_97 = arith.addi %mul3A_12, %mul3A_96 : i32
        %dma_start3A_98 = tpu.memref_slice %arg2[%add3A_97] : memref<3200000xi32, #tpu.memory_space<hbm>> -> memref<5000xi32, #tpu.memory_space<hbm>>
        %dma_start3A_99 = tpu.memref_slice %arg2[%add3A_97] : memref<3200000xi32, #tpu.memory_space<hbm>> -> memref<5000xi32, #tpu.memory_space<hbm>>
        tpu.enqueue_dma source(%dma_start3A_99 : memref<5000xi32, #tpu.memory_space<hbm>>) target(%arg9 : memref<5000xi32, #tpu.memory_space<vmem>>) target_semaphore(%arg25 : memref<!tpu.dma_semaphore, #tpu.memory_space<semaphore_mem>>)
        %add3A_100 = arith.constant 2 : i32
        %add3A_101 = arith.addi %mul3A_39, %add3A_100 : i32
        %mul3A_102 = arith.constant 5000 : i32
        %mul3A_103 = arith.muli %add3A_101, %mul3A_102 : i32
        %add3A_104 = arith.addi %add3A_16, %mul3A_103 : i32
        %dma_start3A_105 = tpu.memref_slice %arg2[%add3A_104] : memref<3200000xi32, #tpu.memory_space<hbm>> -> memref<5000xi32, #tpu.memory_space<hbm>>
        %dma_start3A_106 = tpu.memref_slice %arg2[%add3A_104] : memref<3200000xi32, #tpu.memory_space<hbm>> -> memref<5000xi32, #tpu.memory_space<hbm>>
        tpu.enqueue_dma source(%dma_start3A_106 : memref<5000xi32, #tpu.memory_space<hbm>>) target(%arg11 : memref<5000xi32, #tpu.memory_space<vmem>>) target_semaphore(%arg25 : memref<!tpu.dma_semaphore, #tpu.memory_space<semaphore_mem>>)
        %add3A_107 = arith.constant 3 : i32
        %add3A_108 = arith.addi %mul3A_39, %add3A_107 : i32
        %mul3A_109 = arith.constant 5000 : i32
        %mul3A_110 = arith.muli %add3A_108, %mul3A_109 : i32
        %add3A_111 = arith.addi %mul3A_12, %mul3A_110 : i32
        %dma_start3A_112 = tpu.memref_slice %arg2[%add3A_111] : memref<3200000xi32, #tpu.memory_space<hbm>> -> memref<5000xi32, #tpu.memory_space<hbm>>
        %dma_start3A_113 = tpu.memref_slice %arg2[%add3A_111] : memref<3200000xi32, #tpu.memory_space<hbm>> -> memref<5000xi32, #tpu.memory_space<hbm>>
        tpu.enqueue_dma source(%dma_start3A_113 : memref<5000xi32, #tpu.memory_space<hbm>>) target(%arg10 : memref<5000xi32, #tpu.memory_space<vmem>>) target_semaphore(%arg26 : memref<!tpu.dma_semaphore, #tpu.memory_space<semaphore_mem>>)
        %add3A_114 = arith.constant 3 : i32
        %add3A_115 = arith.addi %mul3A_39, %add3A_114 : i32
        %mul3A_116 = arith.constant 5000 : i32
        %mul3A_117 = arith.muli %add3A_115, %mul3A_116 : i32
        %add3A_118 = arith.addi %add3A_16, %mul3A_117 : i32
        %dma_start3A_119 = tpu.memref_slice %arg2[%add3A_118] : memref<3200000xi32, #tpu.memory_space<hbm>> -> memref<5000xi32, #tpu.memory_space<hbm>>
        %dma_start3A_120 = tpu.memref_slice %arg2[%add3A_118] : memref<3200000xi32, #tpu.memory_space<hbm>> -> memref<5000xi32, #tpu.memory_space<hbm>>
        tpu.enqueue_dma source(%dma_start3A_120 : memref<5000xi32, #tpu.memory_space<hbm>>) target(%arg12 : memref<5000xi32, #tpu.memory_space<vmem>>) target_semaphore(%arg26 : memref<!tpu.dma_semaphore, #tpu.memory_space<semaphore_mem>>)
      } else {
      }
    }
    %scan3A_33 = arith.constant 5 : i32
    %barrier3A_34 = arith.constant 0 : index
    tpu.barrier barrier_id(%barrier3A_34)
    %run_scoped3A_35 = arith.constant 0 : i32
    "tpu.region"() ({
      %run_scoped3A_37 = tpu.sem_alloc : memref<!tpu.dma_semaphore, #tpu.memory_space<semaphore_mem>>
      %dma_start3A_38 = tpu.memref_slice %arg7[%arg0, %run_scoped3A_35, %mul3A_0] : memref<2x2x51200xf32, #tpu.memory_space<hbm>> -> memref<1x1x3200xf32, #tpu.memory_space<hbm>>
      %dma_start3A_39 = tpu.memref_squeeze %dma_start3A_38 : memref<1x1x3200xf32, #tpu.memory_space<hbm>> -> memref<3200xf32, #tpu.memory_space<hbm>>
      %dma_start3A_40 = tpu.memref_slice %arg23[%mul3A_0] : memref<51200xf32, #tpu.memory_space<vmem_shared>> -> memref<3200xf32, #tpu.memory_space<vmem_shared>>
      tpu.enqueue_dma source(%dma_start3A_40 : memref<3200xf32, #tpu.memory_space<vmem_shared>>) target(%dma_start3A_39 : memref<3200xf32, #tpu.memory_space<hbm>>) target_semaphore(%run_scoped3A_37 : memref<!tpu.dma_semaphore, #tpu.memory_space<semaphore_mem>>)
      %dma_wait3A = tpu.memref_slice %arg7[%arg0, %run_scoped3A_35, %mul3A_0] : memref<2x2x51200xf32, #tpu.memory_space<hbm>> -> memref<1x1x3200xf32, #tpu.memory_space<hbm>>
      %dma_wait3A_41 = tpu.memref_squeeze %dma_wait3A : memref<1x1x3200xf32, #tpu.memory_space<hbm>> -> memref<3200xf32, #tpu.memory_space<hbm>>
      %dma_wait3A_42 = tpu.memref_slice %arg23[%mul3A_0] : memref<51200xf32, #tpu.memory_space<vmem_shared>> -> memref<3200xf32, #tpu.memory_space<vmem_shared>>
      tpu.wait_dma2 semaphore(%run_scoped3A_37 : memref<!tpu.dma_semaphore, #tpu.memory_space<semaphore_mem>>) src(%dma_wait3A_42 : memref<3200xf32, #tpu.memory_space<vmem_shared>>) dst(%dma_wait3A_41 : memref<3200xf32, #tpu.memory_space<hbm>>)
      tpu.yield
    }) : () -> ()
    %run_scoped3A_36 = arith.constant 1 : i32
    "tpu.region"() ({
      %run_scoped3A_37 = tpu.sem_alloc : memref<!tpu.dma_semaphore, #tpu.memory_space<semaphore_mem>>
      %dma_start3A_38 = tpu.memref_slice %arg7[%arg0, %run_scoped3A_36, %mul3A_0] : memref<2x2x51200xf32, #tpu.memory_space<hbm>> -> memref<1x1x3200xf32, #tpu.memory_space<hbm>>
      %dma_start3A_39 = tpu.memref_squeeze %dma_start3A_38 : memref<1x1x3200xf32, #tpu.memory_space<hbm>> -> memref<3200xf32, #tpu.memory_space<hbm>>
      %dma_start3A_40 = tpu.memref_slice %arg24[%mul3A_0] : memref<51200xf32, #tpu.memory_space<vmem_shared>> -> memref<3200xf32, #tpu.memory_space<vmem_shared>>
      tpu.enqueue_dma source(%dma_start3A_40 : memref<3200xf32, #tpu.memory_space<vmem_shared>>) target(%dma_start3A_39 : memref<3200xf32, #tpu.memory_space<hbm>>) target_semaphore(%run_scoped3A_37 : memref<!tpu.dma_semaphore, #tpu.memory_space<semaphore_mem>>)
      %dma_wait3A = tpu.memref_slice %arg7[%arg0, %run_scoped3A_36, %mul3A_0] : memref<2x2x51200xf32, #tpu.memory_space<hbm>> -> memref<1x1x3200xf32, #tpu.memory_space<hbm>>
      %dma_wait3A_41 = tpu.memref_squeeze %dma_wait3A : memref<1x1x3200xf32, #tpu.memory_space<hbm>> -> memref<3200xf32, #tpu.memory_space<hbm>>
      %dma_wait3A_42 = tpu.memref_slice %arg24[%mul3A_0] : memref<51200xf32, #tpu.memory_space<vmem_shared>> -> memref<3200xf32, #tpu.memory_space<vmem_shared>>
      tpu.wait_dma2 semaphore(%run_scoped3A_37 : memref<!tpu.dma_semaphore, #tpu.memory_space<semaphore_mem>>) src(%dma_wait3A_42 : memref<3200xf32, #tpu.memory_space<vmem_shared>>) dst(%dma_wait3A_41 : memref<3200xf32, #tpu.memory_space<hbm>>)
      tpu.yield
    }) : () -> ()
    return
  }
}

#map = affine_map<(d0, d1) -> (0)>
#map1 = affine_map<(d0, d1) -> (0, 0)>
module attributes {stable_mosaic.version = 14 : i64} {
  func.func @_sc1_body(%arg0: i32, %arg1: i32, %arg2: memref<3200000xi32, #tpu.memory_space<hbm>>, %arg3: memref<5000xf32, #tpu.memory_space<hbm>>, %arg4: memref<51200xf32, #tpu.memory_space<hbm>>, %arg5: memref<2x51200xf32, #tpu.memory_space<hbm>>, %arg6: memref<5000xi32, #tpu.memory_space<vmem>>, %arg7: memref<5000xi32, #tpu.memory_space<vmem>>, %arg8: memref<5000xf32, #tpu.memory_space<vmem>>, %arg9: memref<51200xf32, #tpu.memory_space<vmem_shared>>, %arg10: memref<!tpu.dma_semaphore, #tpu.memory_space<semaphore_mem>>, %arg11: memref<!tpu.dma_semaphore, #tpu.memory_space<semaphore_mem>>, %arg12: memref<!tpu.dma_semaphore, #tpu.memory_space<semaphore_mem>>, %arg13: memref<!tpu.dma_semaphore, #tpu.memory_space<semaphore_mem>>) attributes {dimension_semantics = [#tpu.dimension_semantics<core_parallel>, #tpu.dimension_semantics<subcore_parallel>], iteration_bounds = array<i64: 2, 16>, scalar_prefetch = 0 : i64, scratch_operands = 8 : i64, tpu.core_type = #tpu.core_type<sc_vector_subcore>, window_params = [{transform_indices = #map}, {transform_indices = #map}, {transform_indices = #map}, {transform_indices = #map1}]} {
    %mul3A = arith.constant 3200 : i32
    %mul3A_0 = arith.muli %arg1, %mul3A : i32
    "tpu.region"() ({
      %run_scoped3A = tpu.sem_alloc : memref<!tpu.dma_semaphore, #tpu.memory_space<semaphore_mem>>
      %dma_start3A_18 = tpu.memref_slice %arg9[%mul3A_0] : memref<51200xf32, #tpu.memory_space<vmem_shared>> -> memref<3200xf32, #tpu.memory_space<vmem_shared>>
      %dma_start3A_19 = tpu.memref_slice %arg4[%mul3A_0] : memref<51200xf32, #tpu.memory_space<hbm>> -> memref<3200xf32, #tpu.memory_space<hbm>>
      tpu.enqueue_dma source(%dma_start3A_19 : memref<3200xf32, #tpu.memory_space<hbm>>) target(%dma_start3A_18 : memref<3200xf32, #tpu.memory_space<vmem_shared>>) target_semaphore(%run_scoped3A : memref<!tpu.dma_semaphore, #tpu.memory_space<semaphore_mem>>)
      %dma_wait3A = tpu.memref_slice %arg9[%mul3A_0] : memref<51200xf32, #tpu.memory_space<vmem_shared>> -> memref<3200xf32, #tpu.memory_space<vmem_shared>>
      %dma_wait3A_20 = tpu.memref_slice %arg4[%mul3A_0] : memref<51200xf32, #tpu.memory_space<hbm>> -> memref<3200xf32, #tpu.memory_space<hbm>>
      tpu.wait_dma2 semaphore(%run_scoped3A : memref<!tpu.dma_semaphore, #tpu.memory_space<semaphore_mem>>) src(%dma_wait3A_20 : memref<3200xf32, #tpu.memory_space<hbm>>) dst(%dma_wait3A : memref<3200xf32, #tpu.memory_space<vmem_shared>>)
      tpu.yield
    }) : () -> ()
    "tpu.region"() ({
      %run_scoped3A = tpu.sem_alloc : memref<!tpu.dma_semaphore, #tpu.memory_space<semaphore_mem>>
      tpu.enqueue_dma source(%arg3 : memref<5000xf32, #tpu.memory_space<hbm>>) target(%arg8 : memref<5000xf32, #tpu.memory_space<vmem>>) target_semaphore(%run_scoped3A : memref<!tpu.dma_semaphore, #tpu.memory_space<semaphore_mem>>)
      tpu.wait_dma2 semaphore(%run_scoped3A : memref<!tpu.dma_semaphore, #tpu.memory_space<semaphore_mem>>) src(%arg3 : memref<5000xf32, #tpu.memory_space<hbm>>) dst(%arg8 : memref<5000xf32, #tpu.memory_space<vmem>>)
      tpu.yield
    }) : () -> ()
    %barrier3A = arith.constant 0 : index
    tpu.barrier barrier_id(%barrier3A)
    %mul3A_1 = arith.constant 16 : i32
    %mul3A_2 = arith.muli %arg0, %mul3A_1 : i32
    %add3A = arith.addi %mul3A_2, %arg1 : i32
    %mul3A_3 = arith.constant 50000 : i32
    %mul3A_4 = arith.muli %add3A, %mul3A_3 : i32
    %add3A_5 = arith.constant 1600000 : i32
    %add3A_6 = arith.addi %add3A_5, %mul3A_4 : i32
    %dma_start3A = tpu.memref_slice %arg2[%add3A_6] : memref<3200000xi32, #tpu.memory_space<hbm>> -> memref<5000xi32, #tpu.memory_space<hbm>>
    %dma_start3A_7 = tpu.memref_slice %arg2[%add3A_6] : memref<3200000xi32, #tpu.memory_space<hbm>> -> memref<5000xi32, #tpu.memory_space<hbm>>
    tpu.enqueue_dma source(%dma_start3A_7 : memref<5000xi32, #tpu.memory_space<hbm>>) target(%arg6 : memref<5000xi32, #tpu.memory_space<vmem>>) target_semaphore(%arg10 : memref<!tpu.dma_semaphore, #tpu.memory_space<semaphore_mem>>)
    %add3A_8 = arith.constant 5000 : i32
    %add3A_9 = arith.addi %add3A_6, %add3A_8 : i32
    %dma_start3A_10 = tpu.memref_slice %arg2[%add3A_9] : memref<3200000xi32, #tpu.memory_space<hbm>> -> memref<5000xi32, #tpu.memory_space<hbm>>
    %dma_start3A_11 = tpu.memref_slice %arg2[%add3A_9] : memref<3200000xi32, #tpu.memory_space<hbm>> -> memref<5000xi32, #tpu.memory_space<hbm>>
    tpu.enqueue_dma source(%dma_start3A_11 : memref<5000xi32, #tpu.memory_space<hbm>>) target(%arg7 : memref<5000xi32, #tpu.memory_space<vmem>>) target_semaphore(%arg11 : memref<!tpu.dma_semaphore, #tpu.memory_space<semaphore_mem>>)
    %scan3A = arith.constant 0 : i32
    %scan3A_12 = arith.constant 0 : i32
    %scan3A_13 = arith.constant 5 : i32
    %scan3A_14 = arith.addi %scan3A_12, %scan3A_13 : i32
    %scan3A_15 = arith.constant 1 : i32
    scf.for %scan3A_18 = %scan3A_12 to %scan3A_14 step %scan3A_15  : i32 {
      %mul3A_19 = arith.constant 2 : i32
      %mul3A_20 = arith.muli %mul3A_19, %scan3A_18 : i32
      %dma_wait3A = arith.constant 0 : i32
      %dma_wait3A_21 = tpu.memref_slice %arg2[%dma_wait3A] : memref<3200000xi32, #tpu.memory_space<hbm>> -> memref<5000xi32, #tpu.memory_space<hbm>>
      %dma_wait3A_22 = arith.constant 0 : i32
      %dma_wait3A_23 = tpu.memref_slice %arg2[%dma_wait3A_22] : memref<3200000xi32, #tpu.memory_space<hbm>> -> memref<5000xi32, #tpu.memory_space<hbm>>
      tpu.wait_dma2 semaphore(%arg10 : memref<!tpu.dma_semaphore, #tpu.memory_space<semaphore_mem>>) src(%dma_wait3A_23 : memref<5000xi32, #tpu.memory_space<hbm>>) dst(%arg6 : memref<5000xi32, #tpu.memory_space<vmem>>)
      %dma_wait3A_24 = arith.constant 0 : i32
      %dma_wait3A_25 = tpu.memref_slice %arg2[%dma_wait3A_24] : memref<3200000xi32, #tpu.memory_space<hbm>> -> memref<5000xi32, #tpu.memory_space<hbm>>
      %dma_wait3A_26 = arith.constant 0 : i32
      %dma_wait3A_27 = tpu.memref_slice %arg2[%dma_wait3A_26] : memref<3200000xi32, #tpu.memory_space<hbm>> -> memref<5000xi32, #tpu.memory_space<hbm>>
      tpu.wait_dma2 semaphore(%arg11 : memref<!tpu.dma_semaphore, #tpu.memory_space<semaphore_mem>>) src(%dma_wait3A_27 : memref<5000xi32, #tpu.memory_space<hbm>>) dst(%arg7 : memref<5000xi32, #tpu.memory_space<vmem>>)
      %dma_start3A_28 = arith.constant 0 : i32
      %dma_start3A_29 = tpu.memref_slice %arg9[%dma_start3A_28] : memref<51200xf32, #tpu.memory_space<vmem_shared>> -> memref<51200xf32, #tpu.memory_space<vmem_shared>>
      tpu.enqueue_indirect_dma source(%arg8 : memref<5000xf32, #tpu.memory_space<vmem>>) target(%dma_start3A_29 : memref<51200xf32, #tpu.memory_space<vmem_shared>>) offsets(%arg6 : memref<5000xi32, #tpu.memory_space<vmem>>) semaphore(%arg12 : memref<!tpu.dma_semaphore, #tpu.memory_space<semaphore_mem>>) {add = true}
      %dma_start3A_30 = arith.constant 0 : i32
      %dma_start3A_31 = tpu.memref_slice %arg9[%dma_start3A_30] : memref<51200xf32, #tpu.memory_space<vmem_shared>> -> memref<51200xf32, #tpu.memory_space<vmem_shared>>
      tpu.enqueue_indirect_dma source(%arg8 : memref<5000xf32, #tpu.memory_space<vmem>>) target(%dma_start3A_31 : memref<51200xf32, #tpu.memory_space<vmem_shared>>) offsets(%arg7 : memref<5000xi32, #tpu.memory_space<vmem>>) semaphore(%arg13 : memref<!tpu.dma_semaphore, #tpu.memory_space<semaphore_mem>>) {add = true}
      %dma_wait3A_32 = arith.constant 0 : i32
      %dma_wait3A_33 = tpu.memref_slice %arg9[%dma_wait3A_32] : memref<51200xf32, #tpu.memory_space<vmem_shared>> -> memref<51200xf32, #tpu.memory_space<vmem_shared>>
      tpu.wait_indirect_dma semaphore(%arg12 : memref<!tpu.dma_semaphore, #tpu.memory_space<semaphore_mem>>) src(%arg8 : memref<5000xf32, #tpu.memory_space<vmem>>) dst(%dma_wait3A_33 : memref<51200xf32, #tpu.memory_space<vmem_shared>>)
      %dma_wait3A_34 = arith.constant 0 : i32
      %dma_wait3A_35 = tpu.memref_slice %arg9[%dma_wait3A_34] : memref<51200xf32, #tpu.memory_space<vmem_shared>> -> memref<51200xf32, #tpu.memory_space<vmem_shared>>
      tpu.wait_indirect_dma semaphore(%arg13 : memref<!tpu.dma_semaphore, #tpu.memory_space<semaphore_mem>>) src(%arg8 : memref<5000xf32, #tpu.memory_space<vmem>>) dst(%dma_wait3A_35 : memref<51200xf32, #tpu.memory_space<vmem_shared>>)
      %add3A_36 = arith.constant 2 : i32
      %add3A_37 = arith.addi %mul3A_20, %add3A_36 : i32
      %lt3A = arith.constant 10 : i32
      %lt3A_38 = arith.cmpi slt, %add3A_37, %lt3A : i32
      %convert_element_type3A = arith.extui %lt3A_38 : i1 to i32
      %cond3A = arith.constant 0 : i32
      %cond3A_39 = arith.cmpi ne, %convert_element_type3A, %cond3A : i32
      scf.if %cond3A_39 {
        %add3A_40 = arith.constant 2 : i32
        %add3A_41 = arith.addi %mul3A_20, %add3A_40 : i32
        %mul3A_42 = arith.constant 5000 : i32
        %mul3A_43 = arith.muli %add3A_41, %mul3A_42 : i32
        %add3A_44 = arith.addi %add3A_6, %mul3A_43 : i32
        %dma_start3A_45 = tpu.memref_slice %arg2[%add3A_44] : memref<3200000xi32, #tpu.memory_space<hbm>> -> memref<5000xi32, #tpu.memory_space<hbm>>
        %dma_start3A_46 = tpu.memref_slice %arg2[%add3A_44] : memref<3200000xi32, #tpu.memory_space<hbm>> -> memref<5000xi32, #tpu.memory_space<hbm>>
        tpu.enqueue_dma source(%dma_start3A_46 : memref<5000xi32, #tpu.memory_space<hbm>>) target(%arg6 : memref<5000xi32, #tpu.memory_space<vmem>>) target_semaphore(%arg10 : memref<!tpu.dma_semaphore, #tpu.memory_space<semaphore_mem>>)
        %add3A_47 = arith.constant 3 : i32
        %add3A_48 = arith.addi %mul3A_20, %add3A_47 : i32
        %mul3A_49 = arith.constant 5000 : i32
        %mul3A_50 = arith.muli %add3A_48, %mul3A_49 : i32
        %add3A_51 = arith.addi %add3A_6, %mul3A_50 : i32
        %dma_start3A_52 = tpu.memref_slice %arg2[%add3A_51] : memref<3200000xi32, #tpu.memory_space<hbm>> -> memref<5000xi32, #tpu.memory_space<hbm>>
        %dma_start3A_53 = tpu.memref_slice %arg2[%add3A_51] : memref<3200000xi32, #tpu.memory_space<hbm>> -> memref<5000xi32, #tpu.memory_space<hbm>>
        tpu.enqueue_dma source(%dma_start3A_53 : memref<5000xi32, #tpu.memory_space<hbm>>) target(%arg7 : memref<5000xi32, #tpu.memory_space<vmem>>) target_semaphore(%arg11 : memref<!tpu.dma_semaphore, #tpu.memory_space<semaphore_mem>>)
      } else {
      }
    }
    %scan3A_16 = arith.constant 5 : i32
    %barrier3A_17 = arith.constant 0 : index
    tpu.barrier barrier_id(%barrier3A_17)
    "tpu.region"() ({
      %run_scoped3A = tpu.sem_alloc : memref<!tpu.dma_semaphore, #tpu.memory_space<semaphore_mem>>
      %dma_start3A_18 = tpu.memref_slice %arg5[%arg0, %mul3A_0] : memref<2x51200xf32, #tpu.memory_space<hbm>> -> memref<1x3200xf32, #tpu.memory_space<hbm>>
      %dma_start3A_19 = tpu.memref_squeeze %dma_start3A_18 : memref<1x3200xf32, #tpu.memory_space<hbm>> -> memref<3200xf32, #tpu.memory_space<hbm>>
      %dma_start3A_20 = tpu.memref_slice %arg9[%mul3A_0] : memref<51200xf32, #tpu.memory_space<vmem_shared>> -> memref<3200xf32, #tpu.memory_space<vmem_shared>>
      tpu.enqueue_dma source(%dma_start3A_20 : memref<3200xf32, #tpu.memory_space<vmem_shared>>) target(%dma_start3A_19 : memref<3200xf32, #tpu.memory_space<hbm>>) target_semaphore(%run_scoped3A : memref<!tpu.dma_semaphore, #tpu.memory_space<semaphore_mem>>)
      %dma_wait3A = tpu.memref_slice %arg5[%arg0, %mul3A_0] : memref<2x51200xf32, #tpu.memory_space<hbm>> -> memref<1x3200xf32, #tpu.memory_space<hbm>>
      %dma_wait3A_21 = tpu.memref_squeeze %dma_wait3A : memref<1x3200xf32, #tpu.memory_space<hbm>> -> memref<3200xf32, #tpu.memory_space<hbm>>
      %dma_wait3A_22 = tpu.memref_slice %arg9[%mul3A_0] : memref<51200xf32, #tpu.memory_space<vmem_shared>> -> memref<3200xf32, #tpu.memory_space<vmem_shared>>
      tpu.wait_dma2 semaphore(%run_scoped3A : memref<!tpu.dma_semaphore, #tpu.memory_space<semaphore_mem>>) src(%dma_wait3A_22 : memref<3200xf32, #tpu.memory_space<vmem_shared>>) dst(%dma_wait3A_21 : memref<3200xf32, #tpu.memory_space<hbm>>)
      tpu.yield
    }) : () -> ()
    return
  }
}

#map = affine_map<(d0, d1) -> (0)>
#map1 = affine_map<(d0, d1) -> (0, 0)>
module attributes {stable_mosaic.version = 14 : i64} {
  func.func @_sc2_body(%arg0: i32, %arg1: i32, %arg2: memref<3200000xi32, #tpu.memory_space<hbm>>, %arg3: memref<51200xf32, #tpu.memory_space<hbm>>, %arg4: memref<51200xf32, #tpu.memory_space<hbm>>, %arg5: memref<2x51200xf32, #tpu.memory_space<hbm>>, %arg6: memref<2x51200xf32, #tpu.memory_space<hbm>>, %arg7: memref<51200xf32, #tpu.memory_space<hbm>>, %arg8: memref<5000xi32, #tpu.memory_space<vmem>>, %arg9: memref<5000xi32, #tpu.memory_space<vmem>>, %arg10: memref<5000xi32, #tpu.memory_space<vmem>>, %arg11: memref<5000xi32, #tpu.memory_space<vmem>>, %arg12: memref<5000xf32, #tpu.memory_space<vmem>>, %arg13: memref<5000xf32, #tpu.memory_space<vmem>>, %arg14: memref<3200xf32, #tpu.memory_space<vmem>>, %arg15: memref<3200xf32, #tpu.memory_space<vmem>>, %arg16: memref<3200xf32, #tpu.memory_space<vmem>>, %arg17: memref<3200xf32, #tpu.memory_space<vmem>>, %arg18: memref<51200xf32, #tpu.memory_space<vmem_shared>>, %arg19: memref<51200xf32, #tpu.memory_space<vmem_shared>>, %arg20: memref<!tpu.dma_semaphore, #tpu.memory_space<semaphore_mem>>, %arg21: memref<!tpu.dma_semaphore, #tpu.memory_space<semaphore_mem>>, %arg22: memref<!tpu.dma_semaphore, #tpu.memory_space<semaphore_mem>>, %arg23: memref<!tpu.dma_semaphore, #tpu.memory_space<semaphore_mem>>, %arg24: memref<!tpu.dma_semaphore, #tpu.memory_space<semaphore_mem>>, %arg25: memref<!tpu.dma_semaphore, #tpu.memory_space<semaphore_mem>>) attributes {dimension_semantics = [#tpu.dimension_semantics<core_parallel>, #tpu.dimension_semantics<subcore_parallel>], iteration_bounds = array<i64: 2, 16>, scalar_prefetch = 0 : i64, scratch_operands = 18 : i64, tpu.core_type = #tpu.core_type<sc_vector_subcore>, window_params = [{transform_indices = #map}, {transform_indices = #map}, {transform_indices = #map}, {transform_indices = #map1}, {transform_indices = #map1}, {transform_indices = #map}]} {
    %mul3A = arith.constant 3200 : i32
    %mul3A_0 = arith.muli %arg1, %mul3A : i32
    "tpu.region"() ({
      %run_scoped3A_35 = tpu.sem_alloc : memref<!tpu.dma_semaphore, #tpu.memory_space<semaphore_mem>>
      %dma_start3A_36 = tpu.memref_slice %arg19[%mul3A_0] : memref<51200xf32, #tpu.memory_space<vmem_shared>> -> memref<3200xf32, #tpu.memory_space<vmem_shared>>
      %dma_start3A_37 = tpu.memref_slice %arg4[%mul3A_0] : memref<51200xf32, #tpu.memory_space<hbm>> -> memref<3200xf32, #tpu.memory_space<hbm>>
      tpu.enqueue_dma source(%dma_start3A_37 : memref<3200xf32, #tpu.memory_space<hbm>>) target(%dma_start3A_36 : memref<3200xf32, #tpu.memory_space<vmem_shared>>) target_semaphore(%run_scoped3A_35 : memref<!tpu.dma_semaphore, #tpu.memory_space<semaphore_mem>>)
      %dma_wait3A = tpu.memref_slice %arg19[%mul3A_0] : memref<51200xf32, #tpu.memory_space<vmem_shared>> -> memref<3200xf32, #tpu.memory_space<vmem_shared>>
      %dma_wait3A_38 = tpu.memref_slice %arg4[%mul3A_0] : memref<51200xf32, #tpu.memory_space<hbm>> -> memref<3200xf32, #tpu.memory_space<hbm>>
      tpu.wait_dma2 semaphore(%run_scoped3A_35 : memref<!tpu.dma_semaphore, #tpu.memory_space<semaphore_mem>>) src(%dma_wait3A_38 : memref<3200xf32, #tpu.memory_space<hbm>>) dst(%dma_wait3A : memref<3200xf32, #tpu.memory_space<vmem_shared>>)
      tpu.yield
    }) : () -> ()
    %run_scoped3A = arith.constant 0 : i32
    "tpu.region"() ({
      %run_scoped3A_35 = tpu.sem_alloc : memref<!tpu.dma_semaphore, #tpu.memory_space<semaphore_mem>>
      %dma_start3A_36 = tpu.memref_slice %arg5[%run_scoped3A, %mul3A_0] : memref<2x51200xf32, #tpu.memory_space<hbm>> -> memref<1x3200xf32, #tpu.memory_space<hbm>>
      %dma_start3A_37 = tpu.memref_squeeze %dma_start3A_36 : memref<1x3200xf32, #tpu.memory_space<hbm>> -> memref<3200xf32, #tpu.memory_space<hbm>>
      %dma_start3A_38 = tpu.memref_slice %arg5[%run_scoped3A, %mul3A_0] : memref<2x51200xf32, #tpu.memory_space<hbm>> -> memref<1x3200xf32, #tpu.memory_space<hbm>>
      %dma_start3A_39 = tpu.memref_squeeze %dma_start3A_38 : memref<1x3200xf32, #tpu.memory_space<hbm>> -> memref<3200xf32, #tpu.memory_space<hbm>>
      tpu.enqueue_dma source(%dma_start3A_39 : memref<3200xf32, #tpu.memory_space<hbm>>) target(%arg14 : memref<3200xf32, #tpu.memory_space<vmem>>) target_semaphore(%run_scoped3A_35 : memref<!tpu.dma_semaphore, #tpu.memory_space<semaphore_mem>>)
      %dma_wait3A = tpu.memref_slice %arg5[%run_scoped3A, %mul3A_0] : memref<2x51200xf32, #tpu.memory_space<hbm>> -> memref<1x3200xf32, #tpu.memory_space<hbm>>
      %dma_wait3A_40 = tpu.memref_squeeze %dma_wait3A : memref<1x3200xf32, #tpu.memory_space<hbm>> -> memref<3200xf32, #tpu.memory_space<hbm>>
      %dma_wait3A_41 = tpu.memref_slice %arg5[%run_scoped3A, %mul3A_0] : memref<2x51200xf32, #tpu.memory_space<hbm>> -> memref<1x3200xf32, #tpu.memory_space<hbm>>
      %dma_wait3A_42 = tpu.memref_squeeze %dma_wait3A_41 : memref<1x3200xf32, #tpu.memory_space<hbm>> -> memref<3200xf32, #tpu.memory_space<hbm>>
      tpu.wait_dma2 semaphore(%run_scoped3A_35 : memref<!tpu.dma_semaphore, #tpu.memory_space<semaphore_mem>>) src(%dma_wait3A_42 : memref<3200xf32, #tpu.memory_space<hbm>>) dst(%arg14 : memref<3200xf32, #tpu.memory_space<vmem>>)
      tpu.yield
    }) : () -> ()
    %run_scoped3A_1 = arith.constant 1 : i32
    "tpu.region"() ({
      %run_scoped3A_35 = tpu.sem_alloc : memref<!tpu.dma_semaphore, #tpu.memory_space<semaphore_mem>>
      %dma_start3A_36 = tpu.memref_slice %arg5[%run_scoped3A_1, %mul3A_0] : memref<2x51200xf32, #tpu.memory_space<hbm>> -> memref<1x3200xf32, #tpu.memory_space<hbm>>
      %dma_start3A_37 = tpu.memref_squeeze %dma_start3A_36 : memref<1x3200xf32, #tpu.memory_space<hbm>> -> memref<3200xf32, #tpu.memory_space<hbm>>
      %dma_start3A_38 = tpu.memref_slice %arg5[%run_scoped3A_1, %mul3A_0] : memref<2x51200xf32, #tpu.memory_space<hbm>> -> memref<1x3200xf32, #tpu.memory_space<hbm>>
      %dma_start3A_39 = tpu.memref_squeeze %dma_start3A_38 : memref<1x3200xf32, #tpu.memory_space<hbm>> -> memref<3200xf32, #tpu.memory_space<hbm>>
      tpu.enqueue_dma source(%dma_start3A_39 : memref<3200xf32, #tpu.memory_space<hbm>>) target(%arg16 : memref<3200xf32, #tpu.memory_space<vmem>>) target_semaphore(%run_scoped3A_35 : memref<!tpu.dma_semaphore, #tpu.memory_space<semaphore_mem>>)
      %dma_wait3A = tpu.memref_slice %arg5[%run_scoped3A_1, %mul3A_0] : memref<2x51200xf32, #tpu.memory_space<hbm>> -> memref<1x3200xf32, #tpu.memory_space<hbm>>
      %dma_wait3A_40 = tpu.memref_squeeze %dma_wait3A : memref<1x3200xf32, #tpu.memory_space<hbm>> -> memref<3200xf32, #tpu.memory_space<hbm>>
      %dma_wait3A_41 = tpu.memref_slice %arg5[%run_scoped3A_1, %mul3A_0] : memref<2x51200xf32, #tpu.memory_space<hbm>> -> memref<1x3200xf32, #tpu.memory_space<hbm>>
      %dma_wait3A_42 = tpu.memref_squeeze %dma_wait3A_41 : memref<1x3200xf32, #tpu.memory_space<hbm>> -> memref<3200xf32, #tpu.memory_space<hbm>>
      tpu.wait_dma2 semaphore(%run_scoped3A_35 : memref<!tpu.dma_semaphore, #tpu.memory_space<semaphore_mem>>) src(%dma_wait3A_42 : memref<3200xf32, #tpu.memory_space<hbm>>) dst(%arg16 : memref<3200xf32, #tpu.memory_space<vmem>>)
      tpu.yield
    }) : () -> ()
    "tpu.region"() ({
      %run_scoped3A_35 = tpu.sem_alloc : memref<!tpu.dma_semaphore, #tpu.memory_space<semaphore_mem>>
      %dma_start3A_36 = tpu.memref_slice %arg3[%mul3A_0] : memref<51200xf32, #tpu.memory_space<hbm>> -> memref<3200xf32, #tpu.memory_space<hbm>>
      %dma_start3A_37 = tpu.memref_slice %arg3[%mul3A_0] : memref<51200xf32, #tpu.memory_space<hbm>> -> memref<3200xf32, #tpu.memory_space<hbm>>
      tpu.enqueue_dma source(%dma_start3A_37 : memref<3200xf32, #tpu.memory_space<hbm>>) target(%arg15 : memref<3200xf32, #tpu.memory_space<vmem>>) target_semaphore(%run_scoped3A_35 : memref<!tpu.dma_semaphore, #tpu.memory_space<semaphore_mem>>)
      %dma_wait3A = tpu.memref_slice %arg3[%mul3A_0] : memref<51200xf32, #tpu.memory_space<hbm>> -> memref<3200xf32, #tpu.memory_space<hbm>>
      %dma_wait3A_38 = tpu.memref_slice %arg3[%mul3A_0] : memref<51200xf32, #tpu.memory_space<hbm>> -> memref<3200xf32, #tpu.memory_space<hbm>>
      tpu.wait_dma2 semaphore(%run_scoped3A_35 : memref<!tpu.dma_semaphore, #tpu.memory_space<semaphore_mem>>) src(%dma_wait3A_38 : memref<3200xf32, #tpu.memory_space<hbm>>) dst(%arg15 : memref<3200xf32, #tpu.memory_space<vmem>>)
      tpu.yield
    }) : () -> ()
    %scan3A = arith.constant 0 : i32
    %scan3A_2 = arith.constant 0 : i32
    %scan3A_3 = arith.constant 200 : i32
    %scan3A_4 = arith.addi %scan3A_2, %scan3A_3 : i32
    %scan3A_5 = arith.constant 1 : i32
    scf.for %scan3A_35 = %scan3A_2 to %scan3A_4 step %scan3A_5  : i32 {
      %mul3A_36 = arith.constant 16 : i32
      %mul3A_37 = arith.muli %scan3A_35, %mul3A_36 : i32
      %get3A = arith.index_cast %mul3A_37 : i32 to index
      %get3A_38 = tpu.vector_load %arg14[%get3A] {strides = array<i32>} : memref<3200xf32, #tpu.memory_space<vmem>>, vector<16xf32>,
      %get3A_39 = vector.shape_cast %get3A_38 : vector<16xf32> to vector<16xf32>
      %get3A_40 = arith.index_cast %mul3A_37 : i32 to index
      %get3A_41 = tpu.vector_load %arg16[%get3A_40] {strides = array<i32>} : memref<3200xf32, #tpu.memory_space<vmem>>, vector<16xf32>,
      %get3A_42 = vector.shape_cast %get3A_41 : vector<16xf32> to vector<16xf32>
      %add3A_43 = arith.addf %get3A_39, %get3A_42 : vector<16xf32>
      %add3A_44 = arith.constant 1.000000e+00 : f32
      %add3A_45 = vector.broadcast %add3A_44 : f32 to vector<16xf32>
      %add3A_46 = arith.addf %add3A_43, %add3A_45 : vector<16xf32>
      %mul3A_47 = arith.constant 5.000000e-01 : f32
      %mul3A_48 = vector.broadcast %mul3A_47 : f32 to vector<16xf32>
      %mul3A_49 = arith.mulf %mul3A_48, %add3A_46 : vector<16xf32>
      %div3A = arith.constant 1.000000e+00 : f32
      %div3A_50 = vector.broadcast %div3A : f32 to vector<16xf32>
      %div3A_51 = arith.divf %div3A_50, %add3A_46 : vector<16xf32>
      %mul3A_52 = arith.mulf %mul3A_49, %div3A_51 : vector<16xf32>
      %mul3A_53 = arith.mulf %mul3A_52, %div3A_51 : vector<16xf32>
      %sub3A = arith.constant 1.500000e+00 : f32
      %sub3A_54 = vector.broadcast %sub3A : f32 to vector<16xf32>
      %sub3A_55 = arith.subf %sub3A_54, %mul3A_53 : vector<16xf32>
      %mul3A_56 = arith.mulf %div3A_51, %sub3A_55 : vector<16xf32>
      %mul3A_57 = arith.mulf %mul3A_49, %mul3A_56 : vector<16xf32>
      %mul3A_58 = arith.mulf %mul3A_57, %mul3A_56 : vector<16xf32>
      %sub3A_59 = arith.constant 1.500000e+00 : f32
      %sub3A_60 = vector.broadcast %sub3A_59 : f32 to vector<16xf32>
      %sub3A_61 = arith.subf %sub3A_60, %mul3A_58 : vector<16xf32>
      %mul3A_62 = arith.mulf %mul3A_56, %sub3A_61 : vector<16xf32>
      %mul3A_63 = arith.mulf %mul3A_49, %mul3A_62 : vector<16xf32>
      %mul3A_64 = arith.mulf %mul3A_63, %mul3A_62 : vector<16xf32>
      %sub3A_65 = arith.constant 1.500000e+00 : f32
      %sub3A_66 = vector.broadcast %sub3A_65 : f32 to vector<16xf32>
      %sub3A_67 = arith.subf %sub3A_66, %mul3A_64 : vector<16xf32>
      %mul3A_68 = arith.mulf %mul3A_62, %sub3A_67 : vector<16xf32>
      %mul3A_69 = arith.mulf %mul3A_49, %mul3A_68 : vector<16xf32>
      %mul3A_70 = arith.mulf %mul3A_69, %mul3A_68 : vector<16xf32>
      %sub3A_71 = arith.constant 1.500000e+00 : f32
      %sub3A_72 = vector.broadcast %sub3A_71 : f32 to vector<16xf32>
      %sub3A_73 = arith.subf %sub3A_72, %mul3A_70 : vector<16xf32>
      %mul3A_74 = arith.mulf %mul3A_68, %sub3A_73 : vector<16xf32>
      %mul3A_75 = arith.mulf %mul3A_49, %mul3A_74 : vector<16xf32>
      %mul3A_76 = arith.mulf %mul3A_75, %mul3A_74 : vector<16xf32>
      %sub3A_77 = arith.constant 1.500000e+00 : f32
      %sub3A_78 = vector.broadcast %sub3A_77 : f32 to vector<16xf32>
      %sub3A_79 = arith.subf %sub3A_78, %mul3A_76 : vector<16xf32>
      %mul3A_80 = arith.mulf %mul3A_74, %sub3A_79 : vector<16xf32>
      %mul3A_81 = arith.mulf %mul3A_49, %mul3A_80 : vector<16xf32>
      %mul3A_82 = arith.mulf %mul3A_81, %mul3A_80 : vector<16xf32>
      %sub3A_83 = arith.constant 1.500000e+00 : f32
      %sub3A_84 = vector.broadcast %sub3A_83 : f32 to vector<16xf32>
      %sub3A_85 = arith.subf %sub3A_84, %mul3A_82 : vector<16xf32>
      %mul3A_86 = arith.mulf %mul3A_80, %sub3A_85 : vector<16xf32>
      %mul3A_87 = arith.mulf %mul3A_49, %mul3A_86 : vector<16xf32>
      %mul3A_88 = arith.mulf %mul3A_87, %mul3A_86 : vector<16xf32>
      %sub3A_89 = arith.constant 1.500000e+00 : f32
      %sub3A_90 = vector.broadcast %sub3A_89 : f32 to vector<16xf32>
      %sub3A_91 = arith.subf %sub3A_90, %mul3A_88 : vector<16xf32>
      %mul3A_92 = arith.mulf %mul3A_86, %sub3A_91 : vector<16xf32>
      %mul3A_93 = arith.mulf %mul3A_49, %mul3A_92 : vector<16xf32>
      %mul3A_94 = arith.mulf %mul3A_93, %mul3A_92 : vector<16xf32>
      %sub3A_95 = arith.constant 1.500000e+00 : f32
      %sub3A_96 = vector.broadcast %sub3A_95 : f32 to vector<16xf32>
      %sub3A_97 = arith.subf %sub3A_96, %mul3A_94 : vector<16xf32>
      %mul3A_98 = arith.mulf %mul3A_92, %sub3A_97 : vector<16xf32>
      %mul3A_99 = arith.mulf %mul3A_49, %mul3A_98 : vector<16xf32>
      %mul3A_100 = arith.mulf %mul3A_99, %mul3A_98 : vector<16xf32>
      %sub3A_101 = arith.constant 1.500000e+00 : f32
      %sub3A_102 = vector.broadcast %sub3A_101 : f32 to vector<16xf32>
      %sub3A_103 = arith.subf %sub3A_102, %mul3A_100 : vector<16xf32>
      %mul3A_104 = arith.mulf %mul3A_98, %sub3A_103 : vector<16xf32>
      %mul3A_105 = arith.mulf %mul3A_49, %mul3A_104 : vector<16xf32>
      %mul3A_106 = arith.mulf %mul3A_105, %mul3A_104 : vector<16xf32>
      %sub3A_107 = arith.constant 1.500000e+00 : f32
      %sub3A_108 = vector.broadcast %sub3A_107 : f32 to vector<16xf32>
      %sub3A_109 = arith.subf %sub3A_108, %mul3A_106 : vector<16xf32>
      %mul3A_110 = arith.mulf %mul3A_104, %sub3A_109 : vector<16xf32>
      %mul3A_111 = arith.mulf %mul3A_49, %mul3A_110 : vector<16xf32>
      %mul3A_112 = arith.mulf %mul3A_111, %mul3A_110 : vector<16xf32>
      %sub3A_113 = arith.constant 1.500000e+00 : f32
      %sub3A_114 = vector.broadcast %sub3A_113 : f32 to vector<16xf32>
      %sub3A_115 = arith.subf %sub3A_114, %mul3A_112 : vector<16xf32>
      %mul3A_116 = arith.mulf %mul3A_110, %sub3A_115 : vector<16xf32>
      %mul3A_117 = arith.mulf %mul3A_49, %mul3A_116 : vector<16xf32>
      %mul3A_118 = arith.mulf %mul3A_117, %mul3A_116 : vector<16xf32>
      %sub3A_119 = arith.constant 1.500000e+00 : f32
      %sub3A_120 = vector.broadcast %sub3A_119 : f32 to vector<16xf32>
      %sub3A_121 = arith.subf %sub3A_120, %mul3A_118 : vector<16xf32>
      %mul3A_122 = arith.mulf %mul3A_116, %sub3A_121 : vector<16xf32>
      %mul3A_123 = arith.mulf %mul3A_49, %mul3A_122 : vector<16xf32>
      %mul3A_124 = arith.mulf %mul3A_123, %mul3A_122 : vector<16xf32>
      %sub3A_125 = arith.constant 1.500000e+00 : f32
      %sub3A_126 = vector.broadcast %sub3A_125 : f32 to vector<16xf32>
      %sub3A_127 = arith.subf %sub3A_126, %mul3A_124 : vector<16xf32>
      %mul3A_128 = arith.mulf %mul3A_122, %sub3A_127 : vector<16xf32>
      %mul3A_129 = arith.mulf %mul3A_49, %mul3A_128 : vector<16xf32>
      %mul3A_130 = arith.mulf %mul3A_129, %mul3A_128 : vector<16xf32>
      %sub3A_131 = arith.constant 1.500000e+00 : f32
      %sub3A_132 = vector.broadcast %sub3A_131 : f32 to vector<16xf32>
      %sub3A_133 = arith.subf %sub3A_132, %mul3A_130 : vector<16xf32>
      %mul3A_134 = arith.mulf %mul3A_128, %sub3A_133 : vector<16xf32>
      %mul3A_135 = arith.mulf %mul3A_49, %mul3A_134 : vector<16xf32>
      %mul3A_136 = arith.mulf %mul3A_135, %mul3A_134 : vector<16xf32>
      %sub3A_137 = arith.constant 1.500000e+00 : f32
      %sub3A_138 = vector.broadcast %sub3A_137 : f32 to vector<16xf32>
      %sub3A_139 = arith.subf %sub3A_138, %mul3A_136 : vector<16xf32>
      %mul3A_140 = arith.mulf %mul3A_134, %sub3A_139 : vector<16xf32>
      %mul3A_141 = arith.mulf %mul3A_49, %mul3A_140 : vector<16xf32>
      %mul3A_142 = arith.mulf %mul3A_141, %mul3A_140 : vector<16xf32>
      %sub3A_143 = arith.constant 1.500000e+00 : f32
      %sub3A_144 = vector.broadcast %sub3A_143 : f32 to vector<16xf32>
      %sub3A_145 = arith.subf %sub3A_144, %mul3A_142 : vector<16xf32>
      %mul3A_146 = arith.mulf %mul3A_140, %sub3A_145 : vector<16xf32>
      %mul3A_147 = arith.mulf %mul3A_49, %mul3A_146 : vector<16xf32>
      %mul3A_148 = arith.mulf %mul3A_147, %mul3A_146 : vector<16xf32>
      %sub3A_149 = arith.constant 1.500000e+00 : f32
      %sub3A_150 = vector.broadcast %sub3A_149 : f32 to vector<16xf32>
      %sub3A_151 = arith.subf %sub3A_150, %mul3A_148 : vector<16xf32>
      %mul3A_152 = arith.mulf %mul3A_146, %sub3A_151 : vector<16xf32>
      %mul3A_153 = arith.mulf %mul3A_49, %mul3A_152 : vector<16xf32>
      %mul3A_154 = arith.mulf %mul3A_153, %mul3A_152 : vector<16xf32>
      %sub3A_155 = arith.constant 1.500000e+00 : f32
      %sub3A_156 = vector.broadcast %sub3A_155 : f32 to vector<16xf32>
      %sub3A_157 = arith.subf %sub3A_156, %mul3A_154 : vector<16xf32>
      %mul3A_158 = arith.mulf %mul3A_152, %sub3A_157 : vector<16xf32>
      %mul3A_159 = arith.mulf %mul3A_49, %mul3A_158 : vector<16xf32>
      %mul3A_160 = arith.mulf %mul3A_159, %mul3A_158 : vector<16xf32>
      %sub3A_161 = arith.constant 1.500000e+00 : f32
      %sub3A_162 = vector.broadcast %sub3A_161 : f32 to vector<16xf32>
      %sub3A_163 = arith.subf %sub3A_162, %mul3A_160 : vector<16xf32>
      %mul3A_164 = arith.mulf %mul3A_158, %sub3A_163 : vector<16xf32>
      %mul3A_165 = arith.mulf %mul3A_49, %mul3A_164 : vector<16xf32>
      %mul3A_166 = arith.mulf %mul3A_165, %mul3A_164 : vector<16xf32>
      %sub3A_167 = arith.constant 1.500000e+00 : f32
      %sub3A_168 = vector.broadcast %sub3A_167 : f32 to vector<16xf32>
      %sub3A_169 = arith.subf %sub3A_168, %mul3A_166 : vector<16xf32>
      %mul3A_170 = arith.mulf %mul3A_164, %sub3A_169 : vector<16xf32>
      %mul3A_171 = arith.mulf %mul3A_49, %mul3A_170 : vector<16xf32>
      %mul3A_172 = arith.mulf %mul3A_171, %mul3A_170 : vector<16xf32>
      %sub3A_173 = arith.constant 1.500000e+00 : f32
      %sub3A_174 = vector.broadcast %sub3A_173 : f32 to vector<16xf32>
      %sub3A_175 = arith.subf %sub3A_174, %mul3A_172 : vector<16xf32>
      %mul3A_176 = arith.mulf %mul3A_170, %sub3A_175 : vector<16xf32>
      %mul3A_177 = arith.mulf %mul3A_49, %mul3A_176 : vector<16xf32>
      %mul3A_178 = arith.mulf %mul3A_177, %mul3A_176 : vector<16xf32>
      %sub3A_179 = arith.constant 1.500000e+00 : f32
      %sub3A_180 = vector.broadcast %sub3A_179 : f32 to vector<16xf32>
      %sub3A_181 = arith.subf %sub3A_180, %mul3A_178 : vector<16xf32>
      %mul3A_182 = arith.mulf %mul3A_176, %sub3A_181 : vector<16xf32>
      %mul3A_183 = arith.mulf %mul3A_49, %mul3A_182 : vector<16xf32>
      %mul3A_184 = arith.mulf %mul3A_183, %mul3A_182 : vector<16xf32>
      %sub3A_185 = arith.constant 1.500000e+00 : f32
      %sub3A_186 = vector.broadcast %sub3A_185 : f32 to vector<16xf32>
      %sub3A_187 = arith.subf %sub3A_186, %mul3A_184 : vector<16xf32>
      %mul3A_188 = arith.mulf %mul3A_182, %sub3A_187 : vector<16xf32>
      %mul3A_189 = arith.mulf %mul3A_49, %mul3A_188 : vector<16xf32>
      %mul3A_190 = arith.mulf %mul3A_189, %mul3A_188 : vector<16xf32>
      %sub3A_191 = arith.constant 1.500000e+00 : f32
      %sub3A_192 = vector.broadcast %sub3A_191 : f32 to vector<16xf32>
      %sub3A_193 = arith.subf %sub3A_192, %mul3A_190 : vector<16xf32>
      %mul3A_194 = arith.mulf %mul3A_188, %sub3A_193 : vector<16xf32>
      %mul3A_195 = arith.mulf %mul3A_49, %mul3A_194 : vector<16xf32>
      %mul3A_196 = arith.mulf %mul3A_195, %mul3A_194 : vector<16xf32>
      %sub3A_197 = arith.constant 1.500000e+00 : f32
      %sub3A_198 = vector.broadcast %sub3A_197 : f32 to vector<16xf32>
      %sub3A_199 = arith.subf %sub3A_198, %mul3A_196 : vector<16xf32>
      %mul3A_200 = arith.mulf %mul3A_194, %sub3A_199 : vector<16xf32>
      %mul3A_201 = arith.mulf %mul3A_49, %mul3A_200 : vector<16xf32>
      %mul3A_202 = arith.mulf %mul3A_201, %mul3A_200 : vector<16xf32>
      %sub3A_203 = arith.constant 1.500000e+00 : f32
      %sub3A_204 = vector.broadcast %sub3A_203 : f32 to vector<16xf32>
      %sub3A_205 = arith.subf %sub3A_204, %mul3A_202 : vector<16xf32>
      %mul3A_206 = arith.mulf %mul3A_200, %sub3A_205 : vector<16xf32>
      %swap3A = arith.index_cast %mul3A_37 : i32 to index
      %swap3A_207 = tpu.vector_load %arg16[%swap3A] {strides = array<i32>} : memref<3200xf32, #tpu.memory_space<vmem>>, vector<16xf32>,
      %swap3A_208 = vector.shape_cast %swap3A_207 : vector<16xf32> to vector<16xf32>
      %swap3A_209 = vector.shape_cast %mul3A_206 : vector<16xf32> to vector<16xf32>
      tpu.vector_store %arg16[%swap3A], %swap3A_209 {strides = array<i32>} : memref<3200xf32, #tpu.memory_space<vmem>>, vector<16xf32>,
      %get3A_210 = arith.index_cast %mul3A_37 : i32 to index
      %get3A_211 = tpu.vector_load %arg15[%get3A_210] {strides = array<i32>} : memref<3200xf32, #tpu.memory_space<vmem>>, vector<16xf32>,
      %get3A_212 = vector.shape_cast %get3A_211 : vector<16xf32> to vector<16xf32>
      %mul3A_213 = arith.mulf %get3A_212, %mul3A_206 : vector<16xf32>
      %swap3A_214 = arith.index_cast %mul3A_37 : i32 to index
      %swap3A_215 = tpu.vector_load %arg17[%swap3A_214] {strides = array<i32>} : memref<3200xf32, #tpu.memory_space<vmem>>, vector<16xf32>,
      %swap3A_216 = vector.shape_cast %swap3A_215 : vector<16xf32> to vector<16xf32>
      %swap3A_217 = vector.shape_cast %mul3A_213 : vector<16xf32> to vector<16xf32>
      tpu.vector_store %arg17[%swap3A_214], %swap3A_217 {strides = array<i32>} : memref<3200xf32, #tpu.memory_space<vmem>>, vector<16xf32>,
    }
    %scan3A_6 = arith.constant 200 : i32
    "tpu.region"() ({
      %run_scoped3A_35 = tpu.sem_alloc : memref<!tpu.dma_semaphore, #tpu.memory_space<semaphore_mem>>
      %dma_start3A_36 = tpu.memref_slice %arg18[%mul3A_0] : memref<51200xf32, #tpu.memory_space<vmem_shared>> -> memref<3200xf32, #tpu.memory_space<vmem_shared>>
      %dma_start3A_37 = tpu.memref_slice %arg18[%mul3A_0] : memref<51200xf32, #tpu.memory_space<vmem_shared>> -> memref<3200xf32, #tpu.memory_space<vmem_shared>>
      tpu.enqueue_dma source(%arg17 : memref<3200xf32, #tpu.memory_space<vmem>>) target(%dma_start3A_37 : memref<3200xf32, #tpu.memory_space<vmem_shared>>) target_semaphore(%run_scoped3A_35 : memref<!tpu.dma_semaphore, #tpu.memory_space<semaphore_mem>>)
      %dma_wait3A = tpu.memref_slice %arg18[%mul3A_0] : memref<51200xf32, #tpu.memory_space<vmem_shared>> -> memref<3200xf32, #tpu.memory_space<vmem_shared>>
      %dma_wait3A_38 = tpu.memref_slice %arg18[%mul3A_0] : memref<51200xf32, #tpu.memory_space<vmem_shared>> -> memref<3200xf32, #tpu.memory_space<vmem_shared>>
      tpu.wait_dma2 semaphore(%run_scoped3A_35 : memref<!tpu.dma_semaphore, #tpu.memory_space<semaphore_mem>>) src(%arg17 : memref<3200xf32, #tpu.memory_space<vmem>>) dst(%dma_wait3A_38 : memref<3200xf32, #tpu.memory_space<vmem_shared>>)
      tpu.yield
    }) : () -> ()
    %eq3A = arith.constant 0 : i32
    %eq3A_7 = arith.cmpi eq, %arg0, %eq3A : i32
    %convert_element_type3A = arith.extui %eq3A_7 : i1 to i32
    %cond3A = arith.constant 0 : i32
    %cond3A_8 = arith.cmpi ne, %convert_element_type3A, %cond3A : i32
    scf.if %cond3A_8 {
      "tpu.region"() ({
        %run_scoped3A_35 = tpu.sem_alloc : memref<!tpu.dma_semaphore, #tpu.memory_space<semaphore_mem>>
        %dma_start3A_36 = tpu.memref_slice %arg7[%mul3A_0] : memref<51200xf32, #tpu.memory_space<hbm>> -> memref<3200xf32, #tpu.memory_space<hbm>>
        %dma_start3A_37 = tpu.memref_slice %arg7[%mul3A_0] : memref<51200xf32, #tpu.memory_space<hbm>> -> memref<3200xf32, #tpu.memory_space<hbm>>
        tpu.enqueue_dma source(%arg16 : memref<3200xf32, #tpu.memory_space<vmem>>) target(%dma_start3A_37 : memref<3200xf32, #tpu.memory_space<hbm>>) target_semaphore(%run_scoped3A_35 : memref<!tpu.dma_semaphore, #tpu.memory_space<semaphore_mem>>)
        %dma_wait3A = tpu.memref_slice %arg7[%mul3A_0] : memref<51200xf32, #tpu.memory_space<hbm>> -> memref<3200xf32, #tpu.memory_space<hbm>>
        %dma_wait3A_38 = tpu.memref_slice %arg7[%mul3A_0] : memref<51200xf32, #tpu.memory_space<hbm>> -> memref<3200xf32, #tpu.memory_space<hbm>>
        tpu.wait_dma2 semaphore(%run_scoped3A_35 : memref<!tpu.dma_semaphore, #tpu.memory_space<semaphore_mem>>) src(%arg16 : memref<3200xf32, #tpu.memory_space<vmem>>) dst(%dma_wait3A_38 : memref<3200xf32, #tpu.memory_space<hbm>>)
        tpu.yield
      }) : () -> ()
    } else {
    }
    %barrier3A = arith.constant 0 : index
    tpu.barrier barrier_id(%barrier3A)
    %mul3A_9 = arith.constant 16 : i32
    %mul3A_10 = arith.muli %arg0, %mul3A_9 : i32
    %add3A = arith.addi %mul3A_10, %arg1 : i32
    %mul3A_11 = arith.constant 50000 : i32
    %mul3A_12 = arith.muli %add3A, %mul3A_11 : i32
    %mul3A_13 = arith.constant 50000 : i32
    %mul3A_14 = arith.muli %add3A, %mul3A_13 : i32
    %add3A_15 = arith.constant 1600000 : i32
    %add3A_16 = arith.addi %add3A_15, %mul3A_14 : i32
    %dma_start3A = tpu.memref_slice %arg2[%mul3A_12] : memref<3200000xi32, #tpu.memory_space<hbm>> -> memref<5000xi32, #tpu.memory_space<hbm>>
    %dma_start3A_17 = tpu.memref_slice %arg2[%mul3A_12] : memref<3200000xi32, #tpu.memory_space<hbm>> -> memref<5000xi32, #tpu.memory_space<hbm>>
    tpu.enqueue_dma source(%dma_start3A_17 : memref<5000xi32, #tpu.memory_space<hbm>>) target(%arg8 : memref<5000xi32, #tpu.memory_space<vmem>>) target_semaphore(%arg20 : memref<!tpu.dma_semaphore, #tpu.memory_space<semaphore_mem>>)
    %dma_start3A_18 = tpu.memref_slice %arg2[%add3A_16] : memref<3200000xi32, #tpu.memory_space<hbm>> -> memref<5000xi32, #tpu.memory_space<hbm>>
    %dma_start3A_19 = tpu.memref_slice %arg2[%add3A_16] : memref<3200000xi32, #tpu.memory_space<hbm>> -> memref<5000xi32, #tpu.memory_space<hbm>>
    tpu.enqueue_dma source(%dma_start3A_19 : memref<5000xi32, #tpu.memory_space<hbm>>) target(%arg10 : memref<5000xi32, #tpu.memory_space<vmem>>) target_semaphore(%arg20 : memref<!tpu.dma_semaphore, #tpu.memory_space<semaphore_mem>>)
    %add3A_20 = arith.constant 5000 : i32
    %add3A_21 = arith.addi %mul3A_12, %add3A_20 : i32
    %dma_start3A_22 = tpu.memref_slice %arg2[%add3A_21] : memref<3200000xi32, #tpu.memory_space<hbm>> -> memref<5000xi32, #tpu.memory_space<hbm>>
    %dma_start3A_23 = tpu.memref_slice %arg2[%add3A_21] : memref<3200000xi32, #tpu.memory_space<hbm>> -> memref<5000xi32, #tpu.memory_space<hbm>>
    tpu.enqueue_dma source(%dma_start3A_23 : memref<5000xi32, #tpu.memory_space<hbm>>) target(%arg9 : memref<5000xi32, #tpu.memory_space<vmem>>) target_semaphore(%arg21 : memref<!tpu.dma_semaphore, #tpu.memory_space<semaphore_mem>>)
    %add3A_24 = arith.constant 5000 : i32
    %add3A_25 = arith.addi %add3A_16, %add3A_24 : i32
    %dma_start3A_26 = tpu.memref_slice %arg2[%add3A_25] : memref<3200000xi32, #tpu.memory_space<hbm>> -> memref<5000xi32, #tpu.memory_space<hbm>>
    %dma_start3A_27 = tpu.memref_slice %arg2[%add3A_25] : memref<3200000xi32, #tpu.memory_space<hbm>> -> memref<5000xi32, #tpu.memory_space<hbm>>
    tpu.enqueue_dma source(%dma_start3A_27 : memref<5000xi32, #tpu.memory_space<hbm>>) target(%arg11 : memref<5000xi32, #tpu.memory_space<vmem>>) target_semaphore(%arg21 : memref<!tpu.dma_semaphore, #tpu.memory_space<semaphore_mem>>)
    %scan3A_28 = arith.constant 0 : i32
    %scan3A_29 = arith.constant 0 : i32
    %scan3A_30 = arith.constant 5 : i32
    %scan3A_31 = arith.addi %scan3A_29, %scan3A_30 : i32
    %scan3A_32 = arith.constant 1 : i32
    scf.for %scan3A_35 = %scan3A_29 to %scan3A_31 step %scan3A_32  : i32 {
      %mul3A_36 = arith.constant 2 : i32
      %mul3A_37 = arith.muli %mul3A_36, %scan3A_35 : i32
      %dma_wait3A = arith.constant 0 : i32
      %dma_wait3A_38 = tpu.memref_slice %arg2[%dma_wait3A] : memref<3200000xi32, #tpu.memory_space<hbm>> -> memref<5000xi32, #tpu.memory_space<hbm>>
      %dma_wait3A_39 = arith.constant 0 : i32
      %dma_wait3A_40 = tpu.memref_slice %arg2[%dma_wait3A_39] : memref<3200000xi32, #tpu.memory_space<hbm>> -> memref<5000xi32, #tpu.memory_space<hbm>>
      tpu.wait_dma2 semaphore(%arg20 : memref<!tpu.dma_semaphore, #tpu.memory_space<semaphore_mem>>) src(%dma_wait3A_40 : memref<5000xi32, #tpu.memory_space<hbm>>) dst(%arg8 : memref<5000xi32, #tpu.memory_space<vmem>>)
      %dma_wait3A_41 = arith.constant 0 : i32
      %dma_wait3A_42 = tpu.memref_slice %arg2[%dma_wait3A_41] : memref<3200000xi32, #tpu.memory_space<hbm>> -> memref<5000xi32, #tpu.memory_space<hbm>>
      %dma_wait3A_43 = arith.constant 0 : i32
      %dma_wait3A_44 = tpu.memref_slice %arg2[%dma_wait3A_43] : memref<3200000xi32, #tpu.memory_space<hbm>> -> memref<5000xi32, #tpu.memory_space<hbm>>
      tpu.wait_dma2 semaphore(%arg20 : memref<!tpu.dma_semaphore, #tpu.memory_space<semaphore_mem>>) src(%dma_wait3A_44 : memref<5000xi32, #tpu.memory_space<hbm>>) dst(%arg10 : memref<5000xi32, #tpu.memory_space<vmem>>)
      %dma_wait3A_45 = arith.constant 0 : i32
      %dma_wait3A_46 = tpu.memref_slice %arg2[%dma_wait3A_45] : memref<3200000xi32, #tpu.memory_space<hbm>> -> memref<5000xi32, #tpu.memory_space<hbm>>
      %dma_wait3A_47 = arith.constant 0 : i32
      %dma_wait3A_48 = tpu.memref_slice %arg2[%dma_wait3A_47] : memref<3200000xi32, #tpu.memory_space<hbm>> -> memref<5000xi32, #tpu.memory_space<hbm>>
      tpu.wait_dma2 semaphore(%arg21 : memref<!tpu.dma_semaphore, #tpu.memory_space<semaphore_mem>>) src(%dma_wait3A_48 : memref<5000xi32, #tpu.memory_space<hbm>>) dst(%arg9 : memref<5000xi32, #tpu.memory_space<vmem>>)
      %dma_wait3A_49 = arith.constant 0 : i32
      %dma_wait3A_50 = tpu.memref_slice %arg2[%dma_wait3A_49] : memref<3200000xi32, #tpu.memory_space<hbm>> -> memref<5000xi32, #tpu.memory_space<hbm>>
      %dma_wait3A_51 = arith.constant 0 : i32
      %dma_wait3A_52 = tpu.memref_slice %arg2[%dma_wait3A_51] : memref<3200000xi32, #tpu.memory_space<hbm>> -> memref<5000xi32, #tpu.memory_space<hbm>>
      tpu.wait_dma2 semaphore(%arg21 : memref<!tpu.dma_semaphore, #tpu.memory_space<semaphore_mem>>) src(%dma_wait3A_52 : memref<5000xi32, #tpu.memory_space<hbm>>) dst(%arg11 : memref<5000xi32, #tpu.memory_space<vmem>>)
      %dma_start3A_53 = arith.constant 0 : i32
      %dma_start3A_54 = tpu.memref_slice %arg18[%dma_start3A_53] : memref<51200xf32, #tpu.memory_space<vmem_shared>> -> memref<51200xf32, #tpu.memory_space<vmem_shared>>
      tpu.enqueue_indirect_dma source(%dma_start3A_54 : memref<51200xf32, #tpu.memory_space<vmem_shared>>) target(%arg12 : memref<5000xf32, #tpu.memory_space<vmem>>) offsets(%arg8 : memref<5000xi32, #tpu.memory_space<vmem>>) semaphore(%arg22 : memref<!tpu.dma_semaphore, #tpu.memory_space<semaphore_mem>>)
      %dma_start3A_55 = arith.constant 0 : i32
      %dma_start3A_56 = tpu.memref_slice %arg18[%dma_start3A_55] : memref<51200xf32, #tpu.memory_space<vmem_shared>> -> memref<51200xf32, #tpu.memory_space<vmem_shared>>
      tpu.enqueue_indirect_dma source(%dma_start3A_56 : memref<51200xf32, #tpu.memory_space<vmem_shared>>) target(%arg13 : memref<5000xf32, #tpu.memory_space<vmem>>) offsets(%arg9 : memref<5000xi32, #tpu.memory_space<vmem>>) semaphore(%arg23 : memref<!tpu.dma_semaphore, #tpu.memory_space<semaphore_mem>>)
      %dma_wait3A_57 = arith.constant 0 : i32
      %dma_wait3A_58 = tpu.memref_slice %arg18[%dma_wait3A_57] : memref<51200xf32, #tpu.memory_space<vmem_shared>> -> memref<51200xf32, #tpu.memory_space<vmem_shared>>
      tpu.wait_indirect_dma semaphore(%arg22 : memref<!tpu.dma_semaphore, #tpu.memory_space<semaphore_mem>>) src(%dma_wait3A_58 : memref<51200xf32, #tpu.memory_space<vmem_shared>>) dst(%arg12 : memref<5000xf32, #tpu.memory_space<vmem>>)
      %dma_start3A_59 = arith.constant 0 : i32
      %dma_start3A_60 = tpu.memref_slice %arg19[%dma_start3A_59] : memref<51200xf32, #tpu.memory_space<vmem_shared>> -> memref<51200xf32, #tpu.memory_space<vmem_shared>>
      tpu.enqueue_indirect_dma source(%arg12 : memref<5000xf32, #tpu.memory_space<vmem>>) target(%dma_start3A_60 : memref<51200xf32, #tpu.memory_space<vmem_shared>>) offsets(%arg10 : memref<5000xi32, #tpu.memory_space<vmem>>) semaphore(%arg24 : memref<!tpu.dma_semaphore, #tpu.memory_space<semaphore_mem>>) {add = true}
      %dma_wait3A_61 = arith.constant 0 : i32
      %dma_wait3A_62 = tpu.memref_slice %arg18[%dma_wait3A_61] : memref<51200xf32, #tpu.memory_space<vmem_shared>> -> memref<51200xf32, #tpu.memory_space<vmem_shared>>
      tpu.wait_indirect_dma semaphore(%arg23 : memref<!tpu.dma_semaphore, #tpu.memory_space<semaphore_mem>>) src(%dma_wait3A_62 : memref<51200xf32, #tpu.memory_space<vmem_shared>>) dst(%arg13 : memref<5000xf32, #tpu.memory_space<vmem>>)
      %dma_start3A_63 = arith.constant 0 : i32
      %dma_start3A_64 = tpu.memref_slice %arg19[%dma_start3A_63] : memref<51200xf32, #tpu.memory_space<vmem_shared>> -> memref<51200xf32, #tpu.memory_space<vmem_shared>>
      tpu.enqueue_indirect_dma source(%arg13 : memref<5000xf32, #tpu.memory_space<vmem>>) target(%dma_start3A_64 : memref<51200xf32, #tpu.memory_space<vmem_shared>>) offsets(%arg11 : memref<5000xi32, #tpu.memory_space<vmem>>) semaphore(%arg25 : memref<!tpu.dma_semaphore, #tpu.memory_space<semaphore_mem>>) {add = true}
      %dma_wait3A_65 = arith.constant 0 : i32
      %dma_wait3A_66 = tpu.memref_slice %arg19[%dma_wait3A_65] : memref<51200xf32, #tpu.memory_space<vmem_shared>> -> memref<51200xf32, #tpu.memory_space<vmem_shared>>
      tpu.wait_indirect_dma semaphore(%arg24 : memref<!tpu.dma_semaphore, #tpu.memory_space<semaphore_mem>>) src(%arg12 : memref<5000xf32, #tpu.memory_space<vmem>>) dst(%dma_wait3A_66 : memref<51200xf32, #tpu.memory_space<vmem_shared>>)
      %dma_wait3A_67 = arith.constant 0 : i32
      %dma_wait3A_68 = tpu.memref_slice %arg19[%dma_wait3A_67] : memref<51200xf32, #tpu.memory_space<vmem_shared>> -> memref<51200xf32, #tpu.memory_space<vmem_shared>>
      tpu.wait_indirect_dma semaphore(%arg25 : memref<!tpu.dma_semaphore, #tpu.memory_space<semaphore_mem>>) src(%arg13 : memref<5000xf32, #tpu.memory_space<vmem>>) dst(%dma_wait3A_68 : memref<51200xf32, #tpu.memory_space<vmem_shared>>)
      %add3A_69 = arith.constant 2 : i32
      %add3A_70 = arith.addi %mul3A_37, %add3A_69 : i32
      %lt3A = arith.constant 10 : i32
      %lt3A_71 = arith.cmpi slt, %add3A_70, %lt3A : i32
      %convert_element_type3A_72 = arith.extui %lt3A_71 : i1 to i32
      %cond3A_73 = arith.constant 0 : i32
      %cond3A_74 = arith.cmpi ne, %convert_element_type3A_72, %cond3A_73 : i32
      scf.if %cond3A_74 {
        %add3A_75 = arith.constant 2 : i32
        %add3A_76 = arith.addi %mul3A_37, %add3A_75 : i32
        %mul3A_77 = arith.constant 5000 : i32
        %mul3A_78 = arith.muli %add3A_76, %mul3A_77 : i32
        %add3A_79 = arith.addi %mul3A_12, %mul3A_78 : i32
        %dma_start3A_80 = tpu.memref_slice %arg2[%add3A_79] : memref<3200000xi32, #tpu.memory_space<hbm>> -> memref<5000xi32, #tpu.memory_space<hbm>>
        %dma_start3A_81 = tpu.memref_slice %arg2[%add3A_79] : memref<3200000xi32, #tpu.memory_space<hbm>> -> memref<5000xi32, #tpu.memory_space<hbm>>
        tpu.enqueue_dma source(%dma_start3A_81 : memref<5000xi32, #tpu.memory_space<hbm>>) target(%arg8 : memref<5000xi32, #tpu.memory_space<vmem>>) target_semaphore(%arg20 : memref<!tpu.dma_semaphore, #tpu.memory_space<semaphore_mem>>)
        %add3A_82 = arith.constant 2 : i32
        %add3A_83 = arith.addi %mul3A_37, %add3A_82 : i32
        %mul3A_84 = arith.constant 5000 : i32
        %mul3A_85 = arith.muli %add3A_83, %mul3A_84 : i32
        %add3A_86 = arith.addi %add3A_16, %mul3A_85 : i32
        %dma_start3A_87 = tpu.memref_slice %arg2[%add3A_86] : memref<3200000xi32, #tpu.memory_space<hbm>> -> memref<5000xi32, #tpu.memory_space<hbm>>
        %dma_start3A_88 = tpu.memref_slice %arg2[%add3A_86] : memref<3200000xi32, #tpu.memory_space<hbm>> -> memref<5000xi32, #tpu.memory_space<hbm>>
        tpu.enqueue_dma source(%dma_start3A_88 : memref<5000xi32, #tpu.memory_space<hbm>>) target(%arg10 : memref<5000xi32, #tpu.memory_space<vmem>>) target_semaphore(%arg20 : memref<!tpu.dma_semaphore, #tpu.memory_space<semaphore_mem>>)
        %add3A_89 = arith.constant 3 : i32
        %add3A_90 = arith.addi %mul3A_37, %add3A_89 : i32
        %mul3A_91 = arith.constant 5000 : i32
        %mul3A_92 = arith.muli %add3A_90, %mul3A_91 : i32
        %add3A_93 = arith.addi %mul3A_12, %mul3A_92 : i32
        %dma_start3A_94 = tpu.memref_slice %arg2[%add3A_93] : memref<3200000xi32, #tpu.memory_space<hbm>> -> memref<5000xi32, #tpu.memory_space<hbm>>
        %dma_start3A_95 = tpu.memref_slice %arg2[%add3A_93] : memref<3200000xi32, #tpu.memory_space<hbm>> -> memref<5000xi32, #tpu.memory_space<hbm>>
        tpu.enqueue_dma source(%dma_start3A_95 : memref<5000xi32, #tpu.memory_space<hbm>>) target(%arg9 : memref<5000xi32, #tpu.memory_space<vmem>>) target_semaphore(%arg21 : memref<!tpu.dma_semaphore, #tpu.memory_space<semaphore_mem>>)
        %add3A_96 = arith.constant 3 : i32
        %add3A_97 = arith.addi %mul3A_37, %add3A_96 : i32
        %mul3A_98 = arith.constant 5000 : i32
        %mul3A_99 = arith.muli %add3A_97, %mul3A_98 : i32
        %add3A_100 = arith.addi %add3A_16, %mul3A_99 : i32
        %dma_start3A_101 = tpu.memref_slice %arg2[%add3A_100] : memref<3200000xi32, #tpu.memory_space<hbm>> -> memref<5000xi32, #tpu.memory_space<hbm>>
        %dma_start3A_102 = tpu.memref_slice %arg2[%add3A_100] : memref<3200000xi32, #tpu.memory_space<hbm>> -> memref<5000xi32, #tpu.memory_space<hbm>>
        tpu.enqueue_dma source(%dma_start3A_102 : memref<5000xi32, #tpu.memory_space<hbm>>) target(%arg11 : memref<5000xi32, #tpu.memory_space<vmem>>) target_semaphore(%arg21 : memref<!tpu.dma_semaphore, #tpu.memory_space<semaphore_mem>>)
      } else {
      }
    }
    %scan3A_33 = arith.constant 5 : i32
    %barrier3A_34 = arith.constant 0 : index
    tpu.barrier barrier_id(%barrier3A_34)
    "tpu.region"() ({
      %run_scoped3A_35 = tpu.sem_alloc : memref<!tpu.dma_semaphore, #tpu.memory_space<semaphore_mem>>
      %dma_start3A_36 = tpu.memref_slice %arg6[%arg0, %mul3A_0] : memref<2x51200xf32, #tpu.memory_space<hbm>> -> memref<1x3200xf32, #tpu.memory_space<hbm>>
      %dma_start3A_37 = tpu.memref_squeeze %dma_start3A_36 : memref<1x3200xf32, #tpu.memory_space<hbm>> -> memref<3200xf32, #tpu.memory_space<hbm>>
      %dma_start3A_38 = tpu.memref_slice %arg19[%mul3A_0] : memref<51200xf32, #tpu.memory_space<vmem_shared>> -> memref<3200xf32, #tpu.memory_space<vmem_shared>>
      tpu.enqueue_dma source(%dma_start3A_38 : memref<3200xf32, #tpu.memory_space<vmem_shared>>) target(%dma_start3A_37 : memref<3200xf32, #tpu.memory_space<hbm>>) target_semaphore(%run_scoped3A_35 : memref<!tpu.dma_semaphore, #tpu.memory_space<semaphore_mem>>)
      %dma_wait3A = tpu.memref_slice %arg6[%arg0, %mul3A_0] : memref<2x51200xf32, #tpu.memory_space<hbm>> -> memref<1x3200xf32, #tpu.memory_space<hbm>>
      %dma_wait3A_39 = tpu.memref_squeeze %dma_wait3A : memref<1x3200xf32, #tpu.memory_space<hbm>> -> memref<3200xf32, #tpu.memory_space<hbm>>
      %dma_wait3A_40 = tpu.memref_slice %arg19[%mul3A_0] : memref<51200xf32, #tpu.memory_space<vmem_shared>> -> memref<3200xf32, #tpu.memory_space<vmem_shared>>
      tpu.wait_dma2 semaphore(%run_scoped3A_35 : memref<!tpu.dma_semaphore, #tpu.memory_space<semaphore_mem>>) src(%dma_wait3A_40 : memref<3200xf32, #tpu.memory_space<vmem_shared>>) dst(%dma_wait3A_39 : memref<3200xf32, #tpu.memory_space<hbm>>)
      tpu.yield
    }) : () -> ()
    return
  }
}

module attributes {stable_mosaic.version = 14 : i64} {
  func.func @_final_body(%arg0: i32, %arg1: memref<4x6400xf32, #tpu.memory_space<vmem>>, %arg2: memref<1x6400xf32, #tpu.memory_space<vmem>>, %arg3: memref<1x6400xf32, #tpu.memory_space<vmem>>, %arg4: memref<1x64xf32, #tpu.memory_space<vmem>>, %arg5: memref<64x64xf32, #tpu.memory_space<vmem>>, %arg6: memref<64x1xf32, #tpu.memory_space<vmem>>, %arg7: memref<64x2xf32, #tpu.memory_space<vmem>>, %arg8: memref<2x1xf32, #tpu.memory_space<vmem>>, %arg9: memref<2x6400xf32, #tpu.memory_space<vmem>>) attributes {dimension_semantics = [#tpu.dimension_semantics<arbitrary>], iteration_bounds = array<i64: 8>, scalar_prefetch = 0 : i64, scratch_operands = 0 : i64, tpu.core_type = #tpu.core_type<tc>, window_params = [{transform_indices = @transform_0, window_bounds = array<i64: 4, 6400>}, {transform_indices = @transform_1, window_bounds = array<i64: 1, 6400>}, {transform_indices = @transform_2, window_bounds = array<i64: 1, 6400>}, {pipeline_mode = #tpu.pipeline_mode<synchronous>, transform_indices = @transform_3, window_bounds = array<i64: 1, 64>}, {pipeline_mode = #tpu.pipeline_mode<synchronous>, transform_indices = @transform_4, window_bounds = array<i64: 64, 64>}, {pipeline_mode = #tpu.pipeline_mode<synchronous>, transform_indices = @transform_5, window_bounds = array<i64: 64, 1>}, {pipeline_mode = #tpu.pipeline_mode<synchronous>, transform_indices = @transform_6, window_bounds = array<i64: 64, 2>}, {pipeline_mode = #tpu.pipeline_mode<synchronous>, transform_indices = @transform_7, window_bounds = array<i64: 2, 1>}, {transform_indices = @transform_8, window_bounds = array<i64: 2, 6400>}]} {
    %get3A = arith.constant 0 : index
    %get3A_0 = arith.constant 0 : index
    %get3A_1 = vector.load %arg1[%get3A, %get3A_0] : memref<4x6400xf32, #tpu.memory_space<vmem>>, vector<4x6400xf32>
    %get3A_2 = arith.constant 0 : index
    %get3A_3 = arith.constant 0 : index
    %get3A_4 = vector.load %arg2[%get3A_2, %get3A_3] : memref<1x6400xf32, #tpu.memory_space<vmem>>, vector<1x6400xf32>
    %get3A_5 = arith.constant 0 : index
    %get3A_6 = arith.constant 0 : index
    %get3A_7 = vector.load %arg3[%get3A_5, %get3A_6] : memref<1x6400xf32, #tpu.memory_space<vmem>>, vector<1x6400xf32>
    %max3A = arith.constant 0.000000e+00 : f32
    %max3A_8 = vector.broadcast %max3A : f32 to vector<1x6400xf32>
    %max3A_9 = arith.maximumf %get3A_7, %max3A_8 : vector<1x6400xf32>
    %neg3A = arith.constant 0.000000e+00 : f32
    %neg3A_10 = vector.broadcast %neg3A : f32 to vector<1x6400xf32>
    %neg3A_11 = arith.subf %neg3A_10, %get3A_7 : vector<1x6400xf32>
    %max3A_12 = arith.constant 0.000000e+00 : f32
    %max3A_13 = vector.broadcast %max3A_12 : f32 to vector<1x6400xf32>
    %max3A_14 = arith.maximumf %neg3A_11, %max3A_13 : vector<1x6400xf32>
    %slice3A = vector.extract_strided_slice %get3A_1 {offsets = [0, 0], sizes = [1, 6400], strides = [1, 1]} : vector<4x6400xf32> to vector<1x6400xf32>
    %slice3A_15 = vector.extract_strided_slice %get3A_1 {offsets = [2, 0], sizes = [1, 6400], strides = [1, 1]} : vector<4x6400xf32> to vector<1x6400xf32>
    %add3A = arith.addf %slice3A, %slice3A_15 : vector<1x6400xf32>
    %mul3A = arith.mulf %get3A_4, %add3A : vector<1x6400xf32>
    %mul3A_16 = arith.mulf %get3A_4, %get3A_4 : vector<1x6400xf32>
    %mul3A_17 = arith.mulf %mul3A_16, %max3A_9 : vector<1x6400xf32>
    %add3A_18 = arith.addf %mul3A, %mul3A_17 : vector<1x6400xf32>
    %slice3A_19 = vector.extract_strided_slice %get3A_1 {offsets = [1, 0], sizes = [1, 6400], strides = [1, 1]} : vector<4x6400xf32> to vector<1x6400xf32>
    %slice3A_20 = vector.extract_strided_slice %get3A_1 {offsets = [3, 0], sizes = [1, 6400], strides = [1, 1]} : vector<4x6400xf32> to vector<1x6400xf32>
    %add3A_21 = arith.addf %slice3A_19, %slice3A_20 : vector<1x6400xf32>
    %mul3A_22 = arith.mulf %get3A_4, %add3A_21 : vector<1x6400xf32>
    %mul3A_23 = arith.mulf %get3A_4, %get3A_4 : vector<1x6400xf32>
    %mul3A_24 = arith.mulf %mul3A_23, %max3A_14 : vector<1x6400xf32>
    %add3A_25 = arith.addf %mul3A_22, %mul3A_24 : vector<1x6400xf32>
    %get3A_26 = arith.constant 0 : index
    %get3A_27 = arith.constant 0 : index
    %get3A_28 = vector.load %arg4[%get3A_26, %get3A_27] : memref<1x64xf32, #tpu.memory_space<vmem>>, vector<1x64xf32>
    %max3A_29 = arith.constant 0.000000e+00 : f32
    %max3A_30 = vector.broadcast %max3A_29 : f32 to vector<1x64xf32>
    %max3A_31 = arith.maximumf %get3A_28, %max3A_30 : vector<1x64xf32>
    %neg3A_32 = arith.constant 0.000000e+00 : f32
    %neg3A_33 = vector.broadcast %neg3A_32 : f32 to vector<1x64xf32>
    %neg3A_34 = arith.subf %neg3A_33, %get3A_28 : vector<1x64xf32>
    %max3A_35 = arith.constant 0.000000e+00 : f32
    %max3A_36 = vector.broadcast %max3A_35 : f32 to vector<1x64xf32>
    %max3A_37 = arith.maximumf %neg3A_34, %max3A_36 : vector<1x64xf32>
    %concatenate3A = tpu.concatenate %max3A_31, %max3A_37 in 0 : vector<1x64xf32>, vector<1x64xf32> -> vector<2x64xf32>
    %get3A_38 = arith.constant 0 : index
    %get3A_39 = arith.constant 0 : index
    %get3A_40 = vector.load %arg5[%get3A_38, %get3A_39] : memref<64x64xf32, #tpu.memory_space<vmem>>, vector<64x64xf32>
    %dot_general3A = arith.constant dense<0.000000e+00> : vector<64x2xf32>
    %dot_general3A_41 = tpu.matmul %get3A_40, %concatenate3A, %dot_general3A {dimension_numbers = #tpu.dot_dimension_numbers<[0], [1], [1], [0], [0, 1, 1, 0], [], []>, transpose_lhs_hint = false} : vector<64x64xf32>, vector<2x64xf32>, vector<64x2xf32> -> vector<64x2xf32>
    %slice3A_42 = vector.extract_strided_slice %dot_general3A_41 {offsets = [0, 0], sizes = [64, 1], strides = [1, 1]} : vector<64x2xf32> to vector<64x1xf32>
    %mul3A_43 = vector.broadcast %slice3A_42 : vector<64x1xf32> to vector<64x6400xf32>
    %mul3A_44 = vector.broadcast %add3A_18 : vector<1x6400xf32> to vector<64x6400xf32>
    %mul3A_45 = arith.mulf %mul3A_43, %mul3A_44 : vector<64x6400xf32>
    %slice3A_46 = vector.extract_strided_slice %dot_general3A_41 {offsets = [0, 1], sizes = [64, 1], strides = [1, 1]} : vector<64x2xf32> to vector<64x1xf32>
    %mul3A_47 = vector.broadcast %slice3A_46 : vector<64x1xf32> to vector<64x6400xf32>
    %mul3A_48 = vector.broadcast %add3A_25 : vector<1x6400xf32> to vector<64x6400xf32>
    %mul3A_49 = arith.mulf %mul3A_47, %mul3A_48 : vector<64x6400xf32>
    %add3A_50 = arith.addf %mul3A_45, %mul3A_49 : vector<64x6400xf32>
    %get3A_51 = arith.constant 0 : index
    %get3A_52 = arith.constant 0 : index
    %get3A_53 = vector.load %arg6[%get3A_51, %get3A_52] : memref<64x1xf32, #tpu.memory_space<vmem>>, vector<64x1xf32>
    %add3A_54 = vector.broadcast %get3A_53 : vector<64x1xf32> to vector<64x6400xf32>
    %add3A_55 = arith.addf %add3A_50, %add3A_54 : vector<64x6400xf32>
    %max3A_56 = arith.constant 0.000000e+00 : f32
    %max3A_57 = vector.broadcast %max3A_56 : f32 to vector<64x6400xf32>
    %max3A_58 = arith.maximumf %add3A_55, %max3A_57 : vector<64x6400xf32>
    %get3A_59 = arith.constant 0 : index
    %get3A_60 = arith.constant 0 : index
    %get3A_61 = vector.load %arg7[%get3A_59, %get3A_60] : memref<64x2xf32, #tpu.memory_space<vmem>>, vector<64x2xf32>
    %dot_general3A_62 = arith.constant dense<0.000000e+00> : vector<2x6400xf32>
    %dot_general3A_63 = tpu.matmul %get3A_61, %max3A_58, %dot_general3A_62 {dimension_numbers = #tpu.dot_dimension_numbers<[0], [0], [1], [1], [0, 1, 1, 1], [], []>, transpose_lhs_hint = false} : vector<64x2xf32>, vector<64x6400xf32>, vector<2x6400xf32> -> vector<2x6400xf32>
    %get3A_64 = arith.constant 0 : index
    %get3A_65 = arith.constant 0 : index
    %get3A_66 = vector.load %arg8[%get3A_64, %get3A_65] : memref<2x1xf32, #tpu.memory_space<vmem>>, vector<2x1xf32>
    %add3A_67 = vector.broadcast %get3A_66 : vector<2x1xf32> to vector<2x6400xf32>
    %add3A_68 = arith.addf %dot_general3A_63, %add3A_67 : vector<2x6400xf32>
    %reduce_max3A = arith.constant dense<0xFF800000> : vector<6400xf32>
    %reduce_max3A_69 = vector.multi_reduction <maximumf>, %add3A_68, %reduce_max3A [0] : vector<2x6400xf32> to vector<6400xf32>
    %broadcast_in_dim3A = vector.shape_cast %reduce_max3A_69 : vector<6400xf32> to vector<1x6400xf32>
    %sub3A = vector.broadcast %broadcast_in_dim3A : vector<1x6400xf32> to vector<2x6400xf32>
    %sub3A_70 = arith.subf %add3A_68, %sub3A : vector<2x6400xf32>
    %exp3A = math.exp %sub3A_70 : vector<2x6400xf32>
    %reduce_sum3A = arith.constant dense<0.000000e+00> : vector<6400xf32>
    %reduce_sum3A_71 = vector.multi_reduction <add>, %exp3A, %reduce_sum3A [0] : vector<2x6400xf32> to vector<6400xf32>
    %broadcast_in_dim3A_72 = vector.shape_cast %reduce_sum3A_71 : vector<6400xf32> to vector<1x6400xf32>
    %log3A = math.log %broadcast_in_dim3A_72 : vector<1x6400xf32>
    %add3A_73 = arith.addf %broadcast_in_dim3A, %log3A : vector<1x6400xf32>
    %sub3A_74 = vector.broadcast %add3A_73 : vector<1x6400xf32> to vector<2x6400xf32>
    %sub3A_75 = arith.subf %add3A_68, %sub3A_74 : vector<2x6400xf32>
    %swap3A = arith.constant 0 : index
    %swap3A_76 = arith.constant 0 : index
    %swap3A_77 = vector.load %arg9[%swap3A, %swap3A_76] : memref<2x6400xf32, #tpu.memory_space<vmem>>, vector<2x6400xf32>
    tpu.vector_store %arg9[%swap3A, %swap3A_76], %sub3A_75 {strides = array<i32>} : memref<2x6400xf32, #tpu.memory_space<vmem>>, vector<2x6400xf32>,
    return
  }
  func.func @transform_0(%arg0: i32) -> (i32, i32) {
    %c0_i32 = arith.constant 0 : i32
    %c0_i32_0 = arith.constant 0 : i32
    return %c0_i32, %arg0 : i32, i32
  }
  func.func @transform_1(%arg0: i32) -> (i32, i32) {
    %c0_i32 = arith.constant 0 : i32
    %c0_i32_0 = arith.constant 0 : i32
    return %c0_i32, %arg0 : i32, i32
  }
  func.func @transform_2(%arg0: i32) -> (i32, i32) {
    %c0_i32 = arith.constant 0 : i32
    %c0_i32_0 = arith.constant 0 : i32
    return %c0_i32, %arg0 : i32, i32
  }
  func.func @transform_3(%arg0: i32) -> (i32, i32) {
    %c0_i32 = arith.constant 0 : i32
    %c0_i32_0 = arith.constant 0 : i32
    %c0_i32_1 = arith.constant 0 : i32
    return %c0_i32, %c0_i32_0 : i32, i32
  }
  func.func @transform_4(%arg0: i32) -> (i32, i32) {
    %c0_i32 = arith.constant 0 : i32
    %c0_i32_0 = arith.constant 0 : i32
    %c0_i32_1 = arith.constant 0 : i32
    return %c0_i32, %c0_i32_0 : i32, i32
  }
  func.func @transform_5(%arg0: i32) -> (i32, i32) {
    %c0_i32 = arith.constant 0 : i32
    %c0_i32_0 = arith.constant 0 : i32
    %c0_i32_1 = arith.constant 0 : i32
    return %c0_i32, %c0_i32_0 : i32, i32
  }
  func.func @transform_6(%arg0: i32) -> (i32, i32) {
    %c0_i32 = arith.constant 0 : i32
    %c0_i32_0 = arith.constant 0 : i32
    %c0_i32_1 = arith.constant 0 : i32
    return %c0_i32, %c0_i32_0 : i32, i32
  }
  func.func @transform_7(%arg0: i32) -> (i32, i32) {
    %c0_i32 = arith.constant 0 : i32
    %c0_i32_0 = arith.constant 0 : i32
    %c0_i32_1 = arith.constant 0 : i32
    return %c0_i32, %c0_i32_0 : i32, i32
  }
  func.func @transform_8(%arg0: i32) -> (i32, i32) {
    %c0_i32 = arith.constant 0 : i32
    %c0_i32_0 = arith.constant 0 : i32
    return %c0_i32, %arg0 : i32, i32
  }
}

</mosaic_0001>

<sc_bundles>
// kernel: kernel.12.cloned.1.call-start
scs
__scs_entry_jumppad:
0x0: {  	(pc) =	sbr.rel $0x88, $3  }
0x1: {  	(tag) =	ssettag $0x0;
	lr =	simm.s32 $0x1  }
0x2: {  	[smem:$0x3F9A] =	sst lr;
	_ =	strace $0xD0000000  }
0x3: {  	_ = 	snop  }
0x4: {  	_ = 	snop  }
0x5: {  	_ = 	snop  }
0x6: {  	_ = 	snop  }
0x7: {  	_ = 	snop  }
__scs_overlays_trampoline_lowered:
0x8: {  	[smem:$0x3FA9] =	sst s0  }
0x9: {  	[smem:$0x3FAA] =	sst s1  }
0xa: {  	[smem:$0x3FAB] =	sst s2  }
0xb: {  	[smem:$0x3FAC] =	sst s3  }
0xc: {  	[smem:$0x3FAD] =	sst s4  }
0xd: {  	[smem:$0x3FAE] =	sst s5  }
0xe: {  	[smem:$0x3FAF] =	sst s6  }
0xf: {  	[smem:$0x3FB0] =	sst s7  }
0x10: {  	[smem:$0x3FB1] =	sst s8  }
0x11: {  	[smem:$0x3FB2] =	sst s9;
	s0 =	simm.s32 @!p0 $0x0  }
0x12: {  	s1 =	sld [smem:$0x3F98];
	s0 =	simm.s32 @p0 $0x1  }
0x13: {  	[smem:$0x3FB3] =	sst s0;
	s0 =	simm.s32 @!p1 $0x0  }
0x14: {  	s2 =	sld [smem:$0x3F97];
	s0 =	simm.s32 @p1 $0x1  }
0x15: {  	[smem:$0x3FB4] =	sst s0;
	s0 =	simm.s32 @!p2 $0x0  }
0x16: {  	s3 =	sld [smem:$0x3FDB];
	s0 =	simm.s32 @p2 $0x1  }
0x17: {  	s4 =	simm.s32 $0x1BF5;
	[smem:$0x3FB6] =	sst s0  }
0x18: {  	s0 =	sld [smem:$0x3F99];
	_ =	swait.ge [sflag:s4], $0x0  }
0x19: {  	s7 =	sld [smem:$0x3F9A]  }
0x1a: {  	s8 =	sadd.s32 $0xFFFFE003, lr  }
0x1b: {  	s9 =	sadd.s32 $0xFFFFFEF7, lr;
	s5 =	simm.s32 $0xFFFFFFFF;
	p2 =	slt.u32 s8, $0xFFFFF086  }
0x1c: {  	p1 =	slt.u32 s9, $0xF7A;
	s5 =	simm.s32 @!p2 $0x0  }
0x1d: {  	s5 =	simm.s32 @p1 $0x1;
	p0 =	seq.s32 s7, s2  }
0x1e: {  	s7 =	smul.u32 @!p0 $0xF7A, s2;
	p2 =	seq.s32 @!p0 s5, $0x0  }
0x1f: {  	s9 =	smul.u32 $0xF7A, s1;
	s8 =	simm.s32 @!p0 $0x1BF5;
	p2 =	por !p2, p0  }
0x20: {  	[sflag:s8] =	ssyncset.s32 @!p0 $0xFFFFF086;
	s6 =	sadd.s32 @!p0 s3, s7;
	s7 =	simm.s32 @!p0 $0x108  }
0x21: {  	s3 =	sadd.s32 s3, s9;
	s6 =	sadd.s32 @!p0 $0x88, s6;
	s7 =	simm.s32 @p2 $0x1082  }
0x22: {  	[simem:s7], [sflag:s8] =	dma.local @!p0 [hbm:s6], $0xF7A  }
0x23: {  	s9 =	sor.u32 $0xD0000000, s2;
	s6 =	simm.s32 $0x108;
	_ =	swait.ge @!p0 [sflag:s8], $0x0  }
0x24: {  	s3 =	sadd.s32 $0x88, s3;
	s6 =	simm.s32 @!p1 $0x1082;
	[sflag:s4] =	ssyncset.s32 $0xFFFFF086  }
0x25: {  	[simem:s6], [sflag:s4] =	dma.local [hbm:s3], $0xF7A  }
0x26: {  	[smem:$0x3F9A] =	sst s1;
	(tag) =	ssettag s2;
	_ =	strace s9  }
0x27: {  	s1 =	sld [smem:$0x3FAA]  }
0x28: {  	s2 =	sld [smem:$0x3FAB]  }
0x29: {  	s4 =	sld [smem:$0x3FAD]  }
0x2a: {  	p0 =	seq.s32 s5, $0x0;
	s5 =	sld [smem:$0x3FAE]  }
0x2b: {  	s6 =	sld [smem:$0x3FAF]  }
0x2c: {  	s7 =	sld [smem:$0x3FB0]  }
0x2d: {  	s3 =	simm.s32 $0x108;
	s8 =	sld [smem:$0x3FB1]  }
0x2e: {  	s3 =	simm.s32 @!p0 $0x1082;
	s9 =	sld [smem:$0x3FB2]  }
0x2f: {  	lr =	sadd.s32 s0, s3;
	s0 =	sld [smem:$0x3FA9]  }
0x30: {  	s3 =	sld [smem:$0x3FAC]  }
0x31: {  	[smem:$0x3FB5] =	sst s10  }
0x32: {  	s10 =	sld [smem:$0x3FB3];
	_ =	sdelay $0x3  }
0x33: {  	p0 =	seq.s32 s10, $0x1;
	s10 =	sld [smem:$0x3FB5];
	_ =	sdelay $0x3  }
0x34: {  	[smem:$0x3FB5] =	sst s10  }
0x35: {  	s10 =	sld [smem:$0x3FB4];
	_ =	sdelay $0x3  }
0x36: {  	p1 =	seq.s32 s10, $0x1;
	s10 =	sld [smem:$0x3FB5];
	_ =	sdelay $0x3  }
0x37: {  	[smem:$0x3FB5] =	sst s10  }
0x38: {  	s10 =	sld [smem:$0x3FB6]  }
0x39: {  	_ = 	snop;
	(pc) =	sbr.ind lr, $3  }
0x3a: {  	_ = 	snop  }
0x3b: {  	_ = 	snop  }
0x3c: {  	p2 =	seq.s32 s10, $0x1;
	s10 =	sld [smem:$0x3FB5]  }
0x3d: {  	_ =	shalt  }
0x3e: {  	_ =	shalt  }
0x3f: {  	_ =	shalt  }
0x40: {  	_ =	shalt  }
0x41: {  	_ =	shalt  }
0x42: {  	_ =	shalt  }
0x43: {  	_ =	shalt  }
0x44: {  	_ =	shalt  }
0x45: {  	_ =	shalt  }
0x46: {  	_ =	shalt  }
0x47: {  	_ =	shalt  }
0x48: {  	_ =	shalt  }
0x49: {  	_ =	shalt  }
0x4a: {  	_ =	shalt  }
0x4b: {  	_ =	shalt  }
0x4c: {  	_ =	shalt  }
0x4d: {  	_ =	shalt  }
0x4e: {  	_ =	shalt  }
0x4f: {  	_ =	shalt  }
0x50: {  	_ =	shalt  }
0x51: {  	_ =	shalt  }
0x52: {  	_ =	shalt  }
0x53: {  	_ =	shalt  }
0x54: {  	_ =	shalt  }
0x55: {  	_ =	shalt  }
0x56: {  	_ =	shalt  }
0x57: {  	_ =	shalt  }
0x58: {  	_ =	shalt  }
0x59: {  	_ =	shalt  }
0x5a: {  	_ =	shalt  }
0x5b: {  	_ =	shalt  }
0x5c: {  	_ =	shalt  }
0x5d: {  	_ =	shalt  }
0x5e: {  	_ =	shalt  }
0x5f: {  	_ =	shalt  }
0x60: {  	_ =	shalt  }
0x61: {  	_ =	shalt  }
0x62: {  	_ =	shalt  }
0x63: {  	_ =	shalt  }
0x64: {  	_ =	shalt  }
0x65: {  	_ =	shalt  }
0x66: {  	_ =	shalt  }
0x67: {  	_ =	shalt  }
0x68: {  	_ =	shalt  }
0x69: {  	_ =	shalt  }
0x6a: {  	_ =	shalt  }
0x6b: {  	_ =	shalt  }
0x6c: {  	_ =	shalt  }
0x6d: {  	_ =	shalt  }
0x6e: {  	_ =	shalt  }
0x6f: {  	_ =	shalt  }
0x70: {  	_ =	shalt  }
0x71: {  	_ =	shalt  }
0x72: {  	_ =	shalt  }
0x73: {  	_ =	shalt  }
0x74: {  	_ =	shalt  }
0x75: {  	_ =	shalt  }
0x76: {  	_ =	shalt  }
0x77: {  	_ =	shalt  }
0x78: {  	_ =	shalt  }
0x79: {  	_ =	shalt  }
0x7a: {  	_ =	shalt  }
0x7b: {  	_ =	shalt  }
0x7c: {  	_ =	shalt  }
0x7d: {  	_ =	shalt  }
0x7e: {  	_ =	shalt  }
0x7f: {  	_ =	shalt  }
0x80: {  	_ =	shalt  }
0x81: {  	_ =	shalt  }
0x82: {  	_ =	shalt  }
0x83: {  	_ =	shalt  }
0x84: {  	_ =	shalt  }
0x85: {  	_ =	shalt  }
0x86: {  	_ =	shalt  }
0x87: {  	_ =	shalt  }
.Lfunc_end0:
.L_simem_size_0:
called_computation.2_lowered:
.L_overlay_start_0:
0x88: {  	s2 =	sld [smem:$0x3FD9]  }
0x89: {  	s3 =	sld [smem:$0x3FFE];
	_ =	sdelay $0x1  }
0x8a: {  	s1 =	srdreg.scid  }
0x8b: {  	s0 =	sand.u32 $0x1, s1  }
0x8c: {  	s17 =	sshll.u32 s0, $0xA;
	s2 =	sadd.s32 s3, s2  }
0x8d: {  	s2 =	sadd.s32 s2, s17  }
0x8e: {  	[smem:$0x3FC1] =	sst s2  }
0x8f: {  	_ = 	snop  }
0x90: {  	s2 =	sld [smem:$0x3FD0];
	(tm) =	ssettm $0x1  }
0x91: {  	s18 =	sld [smem:$0x3FFB];
	_ =	sdelay $0x3  }
0x92: {  	_ =	strace s18  }
0x93: {  	s3 =	sld [smem:$0x3FFC];
	_ =	sdelay $0x3  }
0x94: {  	_ =	strace s3  }
0x95: {  	s3 =	sld [smem:$0x3FFD];
	_ =	sdelay $0x3  }
0x96: {  	_ =	strace s3  }
0x97: {  	_ =	strace $0x8FFFFFFF  }
0x98: {  	s19 =	sld [smem:$0x3FDB];
	_ =	sdelay $0x1  }
0x99: {  	s4 =	simm.s32 $_scs_section_size  }
0x9a: {  	s5 =	simm.s32 $_size__tile_overlayer_lowered;
	s6 =	simm.s32 $_tile_overlayer_lowered  }
0x9b: {  	s22 =	simm.s32 $0x1BFF;
	s21 =	sshll.u32 s6, $0x1;
	s3 =	sadd.s32 s4, s19  }
0x9c: {  	s7 =	simm.s32 $0x0;
	s20 =	sshll.u32 s5, $0x1;
	s5 =	sadd.s32 s21, s3  }
0x9d: {  	[timem:s7], [sflag:s22] =	dma.local [hbm:s5], s20  }
0x9e: {  	_ =	swait.ge [sflag:s22], s20  }
0x9f: {  	s4 =	ssub.s32 $0x0, s20;
	[sflag:s22] =	ssyncset.done $0x0  }
0xa0: {  	[sflag:s22] =	ssyncadd.s32 s4;
	_ =	sdelay $0x1  }
0xa1: {  	s23 =	simm.s32 $0x1B8B  }
0xa2: {  	_ =	swait.ge [sflag:s23], $0x1  }
0xa3: {  	[sflag:s23] =	ssyncset.done $0x0  }
0xa4: {  	s25 =	simm.s32 $0x1B8E;
	s24 =	sld [smem:$0x3FFE];
	[sflag:s23] =	ssyncadd.s32 $0xFFFFFFFF  }
0xa5: {  	s26 =	simm.s32 $execute0_lowered;
	[smem:$0x3FD2] =	sst s25  }
0xa6: {  	s5 =	sshll.u32 s26, $0x1;
	_ =	strace $0x8000004C;
	[dreg:$0x1] =	wrdreg $0xFFFFFFFF  }
0xa7: {  	s28 =	simm.s32 $_size_execute0_lowered;
	s3 =	sadd.s32 s3, s5;
	[dreg:$0x0] =	wrdreg $0x0  }
0xa8: {  	s5 =	sshll.u32 s28, $0x1;
	[dreg:$0x2] =	wrdreg s3  }
0xa9: {  	[dreg:$0x3] =	wrdreg s5  }
0xaa: {  	[dreg:$0x4] =	wrdreg $0xC0  }
0xab: {  	_ =	task [dreg:s7], $0x5FFFF  }
0xac: {  	[dreg:$0x1] =	wrdreg $0xFFFFFFFF  }
0xad: {  	[dreg:$0x0] =	wrdreg $0x60  }
0xae: {  	[dreg:$0x2] =	wrdreg s24  }
0xaf: {  	[dreg:$0x3] =	wrdreg s2  }
0xb0: {  	[dreg:$0x4] =	wrdreg $0xEB000  }
0xb1: {  	[dreg:$0x5] =	wrdreg $0xF7800  }
0xb2: {  	[dreg:$0x6] =	wrdreg $0xD2000  }
0xb3: {  	[dreg:$0x7] =	wrdreg $0xDE800  }
0xb4: {  	[dreg:$0x8] =	wrdreg $0x9  }
0xb5: {  	_ =	task.clear_ibuf [dreg:s7], $0x9FFFF;
	_ =	strace $0x9000004C  }
0xb6: {  	s29 =	simm.s32 $0x9;
	_ =	strace $0x8000004E  }
0xb7: {  	_ =	swait.ge [sflag:s29], $0x1  }
0xb8: {  	[sflag:s29] =	ssyncadd.s32 $0xFFFFFFFF  }
0xb9: {  	_ =	strace $0x9000004E  }
0xba: {  	_ =	sfence  }
0xbb: {  	s30 =	sld [smem:$0x0];
	_ =	sdelay $0x2  }
0xbc: {  	s31 =	sshll.u32 s1, $0xD;
	s1 =	sshrl.u32 s1, $0x2  }
0xbd: {  	s3 =	sand.u32 $0x4000, s31;
	s1 =	sadd.s32 s1, s30  }
0xbe: {  	s0 =	sor.u32 s3, s0;
	s1 =	sshll.u32 s1, $0x11  }
0xbf: {  	s0 =	sor.u32 s1, s0  }
0xc0: {  	s0 =	sadd.s32 $0x8F2B, s0  }
0xc1: {  	[sflag:s0] =	ssyncadd.remote.s32 $0x1  }
0xc2: {  	_ =	sfence.sel $0xFFFF  }
0xc3: {  	[dreg:$0x0] =	wrdreg $0xFFFFFFFF;
	(pc) =	sbr.abs _section_cstart, $3  }
0xc4: {  	[dreg:$0x1] =	wrdreg $0xFFFFFFFF  }
0xc5: {  	_ =	task.clear_ibuf [dreg:s7], $0x2FFFF;
	_ =	strace $0x9FFFFFFF  }
0xc6: {  	(tm) =	ssettm $0x7FFFFFFF  }
0xc7: {  	_ =	shalt  }
tec
execute0_lowered:
.L_overlay_start_1:
0x0: {  	(tag) =	ssettag $0x1  }
0x1: {  	s0 =	rddreg [dreg:$0x0]  }
0x2: {  	s2 =	rddreg [dreg:$0x1]  }
0x3: {  	s1 =	rddreg [dreg:$0x2]  }
0x4: {  	s3 =	rddreg [dreg:$0x3]  }
0x5: {  	s4 =	rddreg [dreg:$0x4]  }
0x6: {  	s5 =	rddreg [dreg:$0x5];
	s17 =	stileid.u32  }
0x7: {  	s7 =	srdreg.scid;
	s8 =	smul.u32 $0x1900, s17  }
0x8: {  	s6 =	simm.s32 $0x0;
	s31 =	simm.s32 $0x7;
	s12 =	smul.u32 $0xC80, s17  }
0x9: {  	s9 =	sand.u32 $0x1, s7;
	[smem:$0x7FF] =	sst s6;
	s28 =	smul.u32 $0xC350, s17  }
0xa: {  	s7 =	sadd.s32 $0x2000, s0;
	s21 =	sshll.u32 s17, $0x6;
	s10 =	smul.u32 $0x19000, s9  }
0xb: {  	_ =	strace $0x8000004D;
	s18 =	ssub.s32 $0x2, s9;
	s20 =	sshll.u32 s9, $0x4  }
0xc: {  	s25 =	smul.u32 $0xC3500, s9;
	p0 =	sne.s32 s9, $0x0;
	s11 =	sshrl.u32 s8, $0x3  }
0xd: {  	s13 =	sshrl.u32 s12, $0x3;
	s14 =	sshrl.u32 s18, $0x1;
	s19 =	sadd.s32 s12, s1  }
0xe: {  	s16 =	sor.u32 s17, s20;
	s22 =	sadd.s32 s12, s3;
	s30 =	sadd.s32 s12, s4  }
0xf: {  	s12 =	sadd.s32 s12, s5;
	s11 =	sadd.s32 s11, s0;
	[dreg:$0x7] =	wrdreg s19  }
0x10: {  	s8 =	sadd.s32 s8, s10;
	s14 =	ssub.s32 s18, s14;
	[dreg:$0x9] =	wrdreg s22  }
0x11: {  	s10 =	sor.u32 $0x1C07, s21;
	s23 =	smul.u32 $0xC350, s16;
	[dreg:$0xe] =	wrdreg s30  }
0x12: {  	s2 =	sadd.s32 s2, s13;
	[dreg:$0xf] =	wrdreg s12;
	s8 =	sshrl.u32 s8, $0x3  }
0x13: {  	s24 =	sadd.s32 $0x68C00, s11;
	s11 =	sadd.s32 $0x68C10, s11;
	[dreg:$0xc] =	wrdreg s2  }
0x14: {  	s2 =	sadd.s32 s28, s25;
	s21 =	smax.u32 s14, $0x1;
	s14 =	simm.s32 $0x3C00  }
0x15: {  	s8 =	sadd.s32 s8, s0;
	s0 =	sadd.s32 s13, s0;
	[dreg:$0xa] =	wrdreg s24  }
0x16: {  	[dreg:$0xb] =	wrdreg s11;
	s13 =	sadd.s32 $0x1388, s23;
	s16 =	sadd.s32 $0x187D88, s23  }
0x17: {  	s17 =	sshrl.u32 s23, $0x3;
	[dreg:$0x16] =	wrdreg s21;
	s23 =	sadd.s32 $0x18A498, s2  }
0x18: {  	s22 =	sadd.s32 $0x3A98, s2;
	s24 =	sadd.s32 $0x189110, s2;
	s2 =	sadd.s32 $0x2710, s2  }
0x19: {  	s21 =	simm.s32 $0x6400;
	s15 =	sadd.s32 $0x63C00, s0;
	s26 =	sadd.s32 $0x6BE00, s0  }
0x1a: {  	s0 =	sadd.s32 $0x65600, s0;
	s11 =	sshrl.u32 s16, $0x3;
	s12 =	sadd.s32 s7, s17  }
0x1b: {  	s19 =	sadd.s32 $0x6D800, s8;
	s20 =	sadd.s32 $0x6D810, s8;
	[dreg:$0x17] =	wrdreg s2  }
0x1c: {  	s8 =	sshrl.u32 s23, $0x3;
	s28 =	sshrl.u32 s24, $0x3;
	[dreg:$0x8] =	wrdreg s15  }
0x1d: {  	s16 =	simm.s32 $0x1388;
	s17 =	simm.s32 $0x5000;
	[dreg:$0xd] =	wrdreg s26  }
0x1e: {  	s23 =	simm.s32 $0x3;
	s24 =	simm.s32 $0x4;
	[dreg:$0x10] =	wrdreg s0  }
0x1f: {  	s0 =	sshrl.u32 s13, $0x3;
	s18 =	sadd.s32 s7, s11;
	[dreg:$0x14] =	wrdreg s19  }
0x20: {  	[dreg:$0x15] =	wrdreg s20;
	s26 =	sadd.s32 s8, s7;
	s29 =	sadd.s32 s28, s7  }
0x21: {  	[dreg:$0x11] =	wrdreg s12;
	s30 =	sadd.s32 $0x30D40, s12;
	s12 =	simm.s32 $0x2800  }
.Ltmp0:
0x22: {  	s13 =	simm.s32 $0x1400;
	s15 =	simm.s32 $0x1;
	(pc) =	sbr.rel .LBB2_1-.Ltmp0, $4  }
0x23: {  	s20 =	simm.s32 $0x2;
	s19 =	simm.s32 $0x5;
	[dreg:$0x13] =	wrdreg s18  }
0x24: {  	s8 =	simm.s32 $0x0;
	s0 =	sadd.s32 s7, s0;
	[dreg:$0x18] =	wrdreg s30  }
0x25: {  	s18 =	simm.s32 $0x7800;
	[dreg:$0x12] =	wrdreg s0;
	s0 =	sshrl.u32 s22, $0x3  }
0x26: {  	s22 =	simm.s32 $0x8C00;
	s25 =	sadd.s32 s0, s7;
	s0 =	simm.s32 $0x6  }
.LBB2_6:
0x27: {  	[bflag:$0x0] =	sbarrier.arrive $0xFFFF  }
0x28: {  	s2 =	rddreg [dreg:$0x14]  }
0x29: {  	s9 =	simm.s32 $0x20;
	s28 =	simm.s32 $0x10;
	s30 =	rddreg [dreg:$0x19]  }
0x2a: {  	[hbm:s2@s9], [sflag:s10] =	dma.strided [spmem:s30@s28], $0x190, s15, $0x10   }
0x2b: {  	_ =	swait.ge [sflag:s31], $0x190  }
0x2c: {  	[sflag:s31] =	ssyncset.done $0x0  }
0x2d: {  	s30 =	rddreg [dreg:$0x15];
	[sflag:s31] =	ssyncadd.s32 $0xFFFFFE70  }
0x2e: {  	[hbm:s30@s9], [sflag:s10] =	dma.strided [spmem:s11@s28], $0x190, s15, $0x10   }
0x2f: {  	_ =	swait.ge [sflag:s31], $0x190  }
0x30: {  	s8 =	sadd.s32 $0x1, s8;
	s30 =	rddreg [dreg:$0x16]  }
0x31: {  	p1 =	sne.s32 s8, s30  }
.Ltmp1:
0x32: {  	_ = 	snop;
	(pc) =	sbr.rel @!p1 .LBB2_7-.Ltmp1, $3  }
0x33: {  	_ =	sdelay $0x1  }
0x34: {  	[sflag:s31] =	ssyncset.done $0x0  }
0x35: {  	[sflag:s31] =	ssyncadd.s32 $0xFFFFFE70  }
.LBB2_1:
0x36: {  	s2 =	rddreg [dreg:$0x7]  }
0x37: {  	s9 =	sshrl.u32 s2, $0x3;
	s2 =	rddreg [dreg:$0x8]  }
0x38: {  	[dreg:$0x19] =	wrdreg s9  }
0x39: {  	[spmem:s9], [sflag:s10] =	dma.local [hbm:s2], $0x190  }
0x3a: {  	_ =	swait.ge [sflag:s31], $0x190  }
0x3b: {  	[sflag:s31] =	ssyncset.done $0x0;
	s11 =	rddreg [dreg:$0x9]  }
0x3c: {  	[sflag:s31] =	ssyncadd.s32 $0xFFFFFE70;
	s11 =	sshrl.u32 s11, $0x3  }
0x3d: {  	[spmem:s11], [sflag:s10] =	dma.local [hbm:s2], $0x190  }
0x3e: {  	_ =	swait.ge [sflag:s31], $0x190  }
0x3f: {  	s30 =	simm.s32 $0x100;
	s28 =	simm.s32 $0xA000;
	[sflag:s31] =	ssyncset.done $0x0  }
0x40: {  	s9 =	simm.s32 $0x80;
	s2 =	rddreg [dreg:$0xa];
	[sflag:s31] =	ssyncadd.s32 $0xFFFFFE70  }
0x41: {  	[tilespmem:s28], [sflag:$0x7] =	stream.strided.gather [hbm4b:s2+s9], $0xC80, s30, s9, $0x38;
	[tilespmem:$0x10400] =	vst v63  }
0x42: {  	_ =	swait.ge [sflag:s31], $0xC80  }
0x43: {  	[sflag:s31] =	ssyncset.done $0x0  }
0x44: {  	s28 =	simm.s32 $0xC580;
	s2 =	rddreg [dreg:$0xb];
	[sflag:s31] =	ssyncadd.s32 $0xFFFFF380  }
0x45: {  	[tilespmem:s28], [sflag:$0x7] =	stream.strided.gather [hbm4b:s2+s9], $0xC80, s30, s9, $0x38;
	[tilespmem:$0x10400] =	vst v63  }
0x46: {  	_ =	swait.ge [sflag:s31], $0xC80  }
0x47: {  	[sflag:s31] =	ssyncset.done $0x0  }
0x48: {  	s28 =	simm.s32 $0xAC80;
	s9 =	rddreg [dreg:$0xc];
	[sflag:s31] =	ssyncadd.s32 $0xFFFFF380  }
0x49: {  	[tilespmem:s28], [sflag:$0x7] =	stream.linear.gather [hbm4b:s9+s6], $0xC80, $0x38;
	[tilespmem:$0x10400] =	vst v63  }
0x4a: {  	_ =	swait.ge [sflag:s31], $0xC80  }
0x4b: {  	[sflag:s31] =	ssyncset.done $0x0  }
0x4c: {  	s9 =	simm.s32 $0xB900;
	s2 =	rddreg [dreg:$0xd];
	[sflag:s31] =	ssyncadd.s32 $0xFFFFF380  }
0x4d: {  	[tilespmem:s9], [sflag:$0x7] =	stream.linear.gather [hbm4b:s2+s6], $0xC80, $0x38;
	[tilespmem:$0x10400] =	vst v63  }
0x4e: {  	_ =	swait.ge [sflag:s31], $0xC80  }
0x4f: {  	[sflag:s31] =	ssyncset.done $0x0  }
0x50: {  	s2 =	simm.s32 $0x0;
	[sflag:s31] =	ssyncadd.s32 $0xFFFFF380  }
0x51: {  	v2 =	vld [tilespmem:s2+$0xB900]  }
0x52: {  	v0 =	vld [tilespmem:s2+$0xC580]  }
0x53: {  	v1 =	vld [tilespmem:s2+$0xA000];
	_ =	sdelay $0x1  }
0x54: {  	v3 =	vld [tilespmem:s2+$0xAC80];
	_ =	sdelay $0x2  }
0x55: {  	v0 =	vadd.f32 v0, v1;
	v1 =	vmul.f32 v2, v2;
	_ =	sdelay $0x1  }
0x56: {  	v0 =	vmul.f32 v0, v2;
	v1 =	vmul.f32 v3, v1;
	_ =	sdelay $0x1  }
0x57: {  	v0 =	vadd.f32 v1, v0;
	_ =	sdelay $0x1  }
0x58: {  	v1 =	vmax.f32 v0, $0.0e+00;
	v3 =	vxor.u32 $0x80000000, v0  }
0x59: {  	s30 =	simm.s32 $0x10;
	[tilespmem:s2+$0xC580] =	vst v0;
	v4 =	vmul.f32 v1, v2;
	v3 =	vmax.f32 v3, $0.0e+00  }
0x5a: {  	v0 =	vld [tilespmem:s30+$0xB900];
	v2 =	vmul.f32 v3, v2  }
0x5b: {  	s9 =	simm.s32 $0x80;
	v1 =	vld [tilespmem:s30+$0xC580];
	[tilespmem:s2+$0xA000] =	vst v4  }
.LBB2_2:
0x5c: {  	p1 =	sne.s32 s9, $0x31C0;
	v3 =	vld [tilespmem:s30+$0xA000];
	[tilespmem:s2+$0xAC80] =	vst v2;
	s2 =	smov.u32 s30;
	_ =	sdelay $0x1  }
0x5d: {  	v2 =	vld [tilespmem:s2+$0xAC80];
	_ =	sdelay $0x2  }
0x5e: {  	v1 =	vadd.f32 v1, v3;
	v3 =	vmul.f32 v0, v0;
	_ =	sdelay $0x1  }
0x5f: {  	v1 =	vmul.f32 v1, v0;
	v2 =	vmul.f32 v2, v3;
	_ =	sdelay $0x1  }
0x60: {  	v1 =	vadd.f32 v2, v1  }
.Ltmp2:
0x61: {  	(pc) =	sbr.rel @p1 .LBB2_2-.Ltmp2, $4  }
0x62: {  	[tilespmem:s2+$0xC580] =	vst v1;
	v2 =	vmax.f32 v1, $0.0e+00;
	v1 =	vxor.u32 $0x80000000, v1  }
0x63: {  	s30 =	sshra.s32 s9, $0x2;
	v3 =	vmul.f32 v2, v0;
	v1 =	vmax.f32 v1, $0.0e+00  }
0x64: {  	v2 =	vmul.f32 v1, v0;
	v0 =	vld [tilespmem:s30+$0xB900]  }
0x65: {  	s9 =	sadd.s32 $0x40, s9;
	v1 =	vld [tilespmem:s30+$0xC580];
	[tilespmem:s2+$0xA000] =	vst v3  }
0x66: {  	v3 =	vld [tilespmem:s30+$0xA000]  }
0x67: {  	[tilespmem:s2+$0xAC80] =	vst v2  }
0x68: {  	v2 =	vld [tilespmem:s30+$0xAC80];
	_ =	sdelay $0x2  }
0x69: {  	v61 =	vmul.f32 v0, v0;
	v1 =	vadd.f32 v1, v3;
	_ =	sdelay $0x1  }
0x6a: {  	v2 =	vmul.f32 v2, v61;
	v1 =	vmul.f32 v1, v0;
	_ =	sdelay $0x1  }
0x6b: {  	v1 =	vadd.f32 v2, v1;
	_ =	sdelay $0x1  }
0x6c: {  	v2 =	vmax.f32 v1, $0.0e+00;
	v62 =	vxor.u32 $0x80000000, v1  }
0x6d: {  	v2 =	vmul.f32 v2, v0;
	v3 =	vmax.f32 v62, $0.0e+00  }
0x6e: {  	[tilespmem:s30+$0xC580] =	vst v1;
	v63 =	vmul.f32 v3, v0  }
0x6f: {  	[tilespmem:s30+$0xA000] =	vst v2  }
0x70: {  	s2 =	rddreg [dreg:$0xe];
	s9 =	simm.s32 $0xA000;
	[tilespmem:s30+$0xAC80] =	vst v63  }
0x71: {  	[spmem:s2] =	stream.linear.scatter [tilespmem:s9], [sflag:$0x7], $0xC80, $0x38;
	[tilespmem:$0x10400] =	vst v63  }
0x72: {  	_ =	swait.ge [sflag:s31], $0xC80  }
0x73: {  	[sflag:s31] =	ssyncset.done $0x0  }
0x74: {  	s9 =	rddreg [dreg:$0xf];
	[sflag:s31] =	ssyncadd.s32 $0xFFFFF380  }
0x75: {  	[spmem:s9] =	stream.linear.scatter [tilespmem:s28], [sflag:$0x7], $0xC80, $0x38;
	[tilespmem:$0x10400] =	vst v63  }
0x76: {  	_ =	swait.ge [sflag:s31], $0xC80  }
0x77: {  	s2 =	simm.s32 @!p0 $0x0;
	[sflag:s31] =	ssyncset.done $0x0  }
0x78: {  	s9 =	simm.s32 @!p0 $0xC580;
	s30 =	rddreg [dreg:$0x10];
	[sflag:s31] =	ssyncadd.s32 $0xFFFFF380  }
0x79: {  	[hbm4b:s30+s2] =	stream.linear.scatter @!p0 [tilespmem:s9], [sflag:$0x7], $0xC80, $0x38;
	[tilespmem:$0x10400] =	vst v63  }
0x7a: {  	s2 =	simm.s32 @!p0 $0x7  }
0x7b: {  	_ =	swait.ge @!p0 [sflag:s2], $0xC80  }
0x7c: {  	[sflag:s2] =	ssyncset.done @!p0 $0x0  }
0x7d: {  	[sflag:s2] =	ssyncadd.s32 @!p0 $0xFFFFF380  }
0x7e: {  	[bflag:$0x0] =	sbarrier.arrive $0xFFFF  }
0x7f: {  	s28 =	rddreg [dreg:$0x11]  }
0x80: {  	s2 =	simm.s32 $0x0;
	s30 =	rddreg [dreg:$0x17]  }
0x81: {  	[tilespmem:s2], [sflag:$0x1] =	stream.linear.gather [hbm4b:s28+s2], $0x1388, $0x38;
	[tilespmem:$0x10400] =	vst v63  }
0x82: {  	s28 =	rddreg [dreg:$0x18]  }
0x83: {  	[tilespmem:s12], [sflag:$0x1] =	stream.linear.gather [hbm4b:s28+s2], $0x1388, $0x38;
	[tilespmem:$0x10400] =	vst v63  }
0x84: {  	s28 =	rddreg [dreg:$0x12]  }
0x85: {  	[tilespmem:s13], [sflag:$0x2] =	stream.linear.gather [hbm4b:s28+s2], $0x1388, $0x38;
	[tilespmem:$0x10400] =	vst v63  }
0x86: {  	s28 =	rddreg [dreg:$0x13]  }
0x87: {  	[tilespmem:s14], [sflag:$0x2] =	stream.linear.gather [hbm4b:s28+s2], $0x1388, $0x38;
	[tilespmem:$0x10400] =	vst v63  }
.LBB2_4:
0x88: {  	_ =	swait.ge [sflag:s15], $0x1388  }
0x89: {  	[sflag:s15] =	ssyncset.done $0x0  }
0x8a: {  	[sflag:s15] =	ssyncadd.s32 $0xFFFFEC78  }
0x8b: {  	_ =	swait.ge [sflag:s15], $0x1388  }
0x8c: {  	[sflag:s15] =	ssyncset.done $0x0  }
0x8d: {  	[sflag:s15] =	ssyncadd.s32 $0xFFFFEC78  }
0x8e: {  	[tilespmem:s17], [sflag:$0x3] =	stream.indirect.gather [spmem:s4], $0x1, s6, s16, $0xb8;
	[tilespmem:$0x10400] =	vst v63  }
0x8f: {  	_ = 	snop  }
0x90: {  	[tilespmem:s18], [sflag:$0x3] =	stream.indirect.gather [spmem:s5], $0x1, s6, s16, $0xb8;
	[tilespmem:$0x10400] =	vst v63  }
0x91: {  	_ =	swait.ge [sflag:s20], $0x1388  }
0x92: {  	[sflag:s20] =	ssyncset.done $0x0  }
0x93: {  	[sflag:s20] =	ssyncadd.s32 $0xFFFFEC78  }
0x94: {  	_ =	swait.ge [sflag:s20], $0x1388  }
0x95: {  	[sflag:s20] =	ssyncset.done $0x0  }
0x96: {  	[sflag:s20] =	ssyncadd.s32 $0xFFFFEC78  }
0x97: {  	[tilespmem:s21], [sflag:$0x4] =	stream.indirect.gather [spmem:s4], $0x1, s13, s16, $0xb8;
	[tilespmem:$0x10400] =	vst v63  }
0x98: {  	_ = 	snop  }
0x99: {  	[tilespmem:s22], [sflag:$0x4] =	stream.indirect.gather [spmem:s5], $0x1, s13, s16, $0xb8;
	[tilespmem:$0x10400] =	vst v63  }
0x9a: {  	_ =	swait.ge [sflag:s23], $0x1388  }
0x9b: {  	[sflag:s23] =	ssyncset.done $0x0  }
0x9c: {  	[sflag:s23] =	ssyncadd.s32 $0xFFFFEC78  }
0x9d: {  	_ =	swait.ge [sflag:s23], $0x1388  }
0x9e: {  	[sflag:s23] =	ssyncset.done $0x0  }
0x9f: {  	[sflag:s23] =	ssyncadd.s32 $0xFFFFEC78  }
0xa0: {  	[spmem:s1] =	stream.indirect.scatter.add.f32 [tilespmem:s17], [sflag:$0x5], $0x1, s12, s16, $0xb8;
	[tilespmem:$0x10400] =	vst v63  }
0xa1: {  	_ = 	snop  }
0xa2: {  	[spmem:s3] =	stream.indirect.scatter.add.f32 [tilespmem:s18], [sflag:$0x5], $0x1, s12, s16, $0xb8;
	[tilespmem:$0x10400] =	vst v63  }
0xa3: {  	_ =	swait.ge [sflag:s24], $0x1388  }
0xa4: {  	[sflag:s24] =	ssyncset.done $0x0  }
0xa5: {  	[sflag:s24] =	ssyncadd.s32 $0xFFFFEC78  }
0xa6: {  	_ =	swait.ge [sflag:s24], $0x1388  }
0xa7: {  	[sflag:s24] =	ssyncset.done $0x0  }
0xa8: {  	[sflag:s24] =	ssyncadd.s32 $0xFFFFEC78  }
0xa9: {  	[spmem:s1] =	stream.indirect.scatter.add.f32 [tilespmem:s21], [sflag:$0x6], $0x1, s14, s16, $0xb8;
	[tilespmem:$0x10400] =	vst v63  }
0xaa: {  	_ = 	snop  }
0xab: {  	[spmem:s3] =	stream.indirect.scatter.add.f32 [tilespmem:s22], [sflag:$0x6], $0x1, s14, s16, $0xb8;
	[tilespmem:$0x10400] =	vst v63  }
0xac: {  	_ =	swait.ge [sflag:s19], $0x1388  }
0xad: {  	[sflag:s19] =	ssyncset.done $0x0  }
0xae: {  	[sflag:s19] =	ssyncadd.s32 $0xFFFFEC78  }
0xaf: {  	_ =	swait.ge [sflag:s19], $0x1388  }
0xb0: {  	[sflag:s19] =	ssyncset.done $0x0  }
0xb1: {  	[sflag:s19] =	ssyncadd.s32 $0xFFFFEC78  }
0xb2: {  	p1 =	seq.s32 s2, $0x1388;
	_ =	swait.ge [sflag:s0], $0x1388  }
.Ltmp3:
0xb3: {  	[sflag:s0] =	ssyncset.done $0x0;
	(pc) =	sbr.rel @p1 .LBB2_6-.Ltmp3, $4  }
0xb4: {  	[sflag:s0] =	ssyncadd.s32 $0xFFFFEC78  }
0xb5: {  	_ =	swait.ge [sflag:s0], $0x1388  }
0xb6: {  	[sflag:s0] =	ssyncset.done $0x0  }
0xb7: {  	[sflag:s0] =	ssyncadd.s32 $0xFFFFEC78  }
0xb8: {  	s9 =	sshrl.u32 s30, $0x3  }
0xb9: {  	s9 =	sadd.s32 s7, s9  }
0xba: {  	[tilespmem:s6], [sflag:$0x1] =	stream.linear.gather [hbm4b:s9+s6], $0x1388, $0x38;
	[tilespmem:$0x10400] =	vst v63  }
0xbb: {  	s28 =	sadd.s32 s2, s29  }
0xbc: {  	[tilespmem:s12], [sflag:$0x1] =	stream.linear.gather [hbm4b:s28+s6], $0x1388, $0x38;
	[tilespmem:$0x10400] =	vst v63  }
.Ltmp4:
0xbd: {  	_ = 	snop;
	(pc) =	sbr.rel .LBB2_4-.Ltmp4, $4  }
0xbe: {  	s28 =	sadd.s32 s2, s25  }
0xbf: {  	[tilespmem:s13], [sflag:$0x2] =	stream.linear.gather [hbm4b:s28+s6], $0x1388, $0x38;
	[tilespmem:$0x10400] =	vst v63  }
0xc0: {  	s30 =	sadd.s32 $0x2710, s30;
	s28 =	sadd.s32 s2, s26;
	s2 =	sadd.s32 $0x4E2, s2  }
0xc1: {  	[tilespmem:s14], [sflag:$0x2] =	stream.linear.gather [hbm4b:s28+s6], $0x1388, $0x38;
	[tilespmem:$0x10400] =	vst v63  }
.LBB2_7:
0xc2: {  	_ =	sfence.sel $0x180000  }
0xc3: {  	[bflag:$0x0] =	sbarrier.arrive $0xFFFF  }
0xc4: {  	_ =	strace $0x9000004D  }
0xc5: {  	s0 =	stileid.u32;
	[bflag:$0x2] =	sbarrier.arrive $0xFFFF  }
0xc6: {  	p0 =	sne.s32 s0, $0x0;
	s0 =	rddreg [dreg:$0x6]  }
0xc7: {  	s0 =	sadd.s32 @!p0 $0x100000, s0  }
0xc8: {  	[sflag:s0] =	ssyncadd.tile.s32 @!p0 $0x1;
	_ =	shalt  }
.Lfunc_end2:
_tile_overlayer_lowered:
.L_overlay_start_2:
0xc9: {  	(tag) =	ssettag $0x2  }
0xca: {  	s0 =	rddreg [dreg:$0x0];
	s2 =	stileid.u32  }
0xcb: {  	s1 =	rddreg [dreg:$0x1];
	p0 =	sne.s32 s2, $0x0  }
0xcc: {  	s3 =	rddreg [dreg:$0x2];
	[bflag:$0x3] =	sbarrier.arrive $0xFFFF;
	s2 =	simm.s32 @!p0 $0x1C07  }
0xcd: {  	[timem:s3], [sflag:s2] =	dma.local @!p0 [hbm:s0], s1  }
0xce: {  	s0 =	simm.s32 @!p0 $0x7  }
0xcf: {  	_ =	swait.ge @!p0 [sflag:s0], s1  }
0xd0: {  	s1 =	ssub.s32 @!p0 $0x0, s1;
	[sflag:s0] =	ssyncset.done @!p0 $0x0  }
0xd1: {  	[sflag:s0] =	ssyncadd.s32 @!p0 s1  }
0xd2: {  	[bflag:$0x3] =	sbarrier.arrive $0xFFFF  }
0xd3: {  	_ =	shalt  }

// kernel: kernel.6.cloned.1.call-start
scs
__scs_entry_jumppad:
0x0: {  	(pc) =	sbr.rel $0x88, $3  }
0x1: {  	(tag) =	ssettag $0x0;
	lr =	simm.s32 $0x1  }
0x2: {  	[smem:$0x3F9A] =	sst lr;
	_ =	strace $0xD0000000  }
0x3: {  	_ = 	snop  }
0x4: {  	_ = 	snop  }
0x5: {  	_ = 	snop  }
0x6: {  	_ = 	snop  }
0x7: {  	_ = 	snop  }
__scs_overlays_trampoline_lowered:
0x8: {  	[smem:$0x3FA9] =	sst s0  }
0x9: {  	[smem:$0x3FAA] =	sst s1  }
0xa: {  	[smem:$0x3FAB] =	sst s2  }
0xb: {  	[smem:$0x3FAC] =	sst s3  }
0xc: {  	[smem:$0x3FAD] =	sst s4  }
0xd: {  	[smem:$0x3FAE] =	sst s5  }
0xe: {  	[smem:$0x3FAF] =	sst s6  }
0xf: {  	[smem:$0x3FB0] =	sst s7  }
0x10: {  	[smem:$0x3FB1] =	sst s8  }
0x11: {  	[smem:$0x3FB2] =	sst s9;
	s0 =	simm.s32 @!p0 $0x0  }
0x12: {  	s1 =	sld [smem:$0x3F98];
	s0 =	simm.s32 @p0 $0x1  }
0x13: {  	[smem:$0x3FB3] =	sst s0;
	s0 =	simm.s32 @!p1 $0x0  }
0x14: {  	s2 =	sld [smem:$0x3F97];
	s0 =	simm.s32 @p1 $0x1  }
0x15: {  	[smem:$0x3FB4] =	sst s0;
	s0 =	simm.s32 @!p2 $0x0  }
0x16: {  	s3 =	sld [smem:$0x3FDB];
	s0 =	simm.s32 @p2 $0x1  }
0x17: {  	s4 =	simm.s32 $0x1BF5;
	[smem:$0x3FB6] =	sst s0  }
0x18: {  	s0 =	sld [smem:$0x3F99];
	_ =	swait.ge [sflag:s4], $0x0  }
0x19: {  	s7 =	sld [smem:$0x3F9A]  }
0x1a: {  	s8 =	sadd.s32 $0xFFFFE003, lr  }
0x1b: {  	s9 =	sadd.s32 $0xFFFFFEF7, lr;
	s5 =	simm.s32 $0xFFFFFFFF;
	p2 =	slt.u32 s8, $0xFFFFF086  }
0x1c: {  	p1 =	slt.u32 s9, $0xF7A;
	s5 =	simm.s32 @!p2 $0x0  }
0x1d: {  	s5 =	simm.s32 @p1 $0x1;
	p0 =	seq.s32 s7, s2  }
0x1e: {  	s7 =	smul.u32 @!p0 $0xF7A, s2;
	p2 =	seq.s32 @!p0 s5, $0x0  }
0x1f: {  	s9 =	smul.u32 $0xF7A, s1;
	s8 =	simm.s32 @!p0 $0x1BF5;
	p2 =	por !p2, p0  }
0x20: {  	[sflag:s8] =	ssyncset.s32 @!p0 $0xFFFFF086;
	s6 =	sadd.s32 @!p0 s3, s7;
	s7 =	simm.s32 @!p0 $0x108  }
0x21: {  	s3 =	sadd.s32 s3, s9;
	s6 =	sadd.s32 @!p0 $0x88, s6;
	s7 =	simm.s32 @p2 $0x1082  }
0x22: {  	[simem:s7], [sflag:s8] =	dma.local @!p0 [hbm:s6], $0xF7A  }
0x23: {  	s9 =	sor.u32 $0xD0000000, s2;
	s6 =	simm.s32 $0x108;
	_ =	swait.ge @!p0 [sflag:s8], $0x0  }
0x24: {  	s3 =	sadd.s32 $0x88, s3;
	s6 =	simm.s32 @!p1 $0x1082;
	[sflag:s4] =	ssyncset.s32 $0xFFFFF086  }
0x25: {  	[simem:s6], [sflag:s4] =	dma.local [hbm:s3], $0xF7A  }
0x26: {  	[smem:$0x3F9A] =	sst s1;
	(tag) =	ssettag s2;
	_ =	strace s9  }
0x27: {  	s1 =	sld [smem:$0x3FAA]  }
0x28: {  	s2 =	sld [smem:$0x3FAB]  }
0x29: {  	s4 =	sld [smem:$0x3FAD]  }
0x2a: {  	p0 =	seq.s32 s5, $0x0;
	s5 =	sld [smem:$0x3FAE]  }
0x2b: {  	s6 =	sld [smem:$0x3FAF]  }
0x2c: {  	s7 =	sld [smem:$0x3FB0]  }
0x2d: {  	s3 =	simm.s32 $0x108;
	s8 =	sld [smem:$0x3FB1]  }
0x2e: {  	s3 =	simm.s32 @!p0 $0x1082;
	s9 =	sld [smem:$0x3FB2]  }
0x2f: {  	lr =	sadd.s32 s0, s3;
	s0 =	sld [smem:$0x3FA9]  }
0x30: {  	s3 =	sld [smem:$0x3FAC]  }
0x31: {  	[smem:$0x3FB5] =	sst s10  }
0x32: {  	s10 =	sld [smem:$0x3FB3];
	_ =	sdelay $0x3  }
0x33: {  	p0 =	seq.s32 s10, $0x1;
	s10 =	sld [smem:$0x3FB5];
	_ =	sdelay $0x3  }
0x34: {  	[smem:$0x3FB5] =	sst s10  }
0x35: {  	s10 =	sld [smem:$0x3FB4];
	_ =	sdelay $0x3  }
0x36: {  	p1 =	seq.s32 s10, $0x1;
	s10 =	sld [smem:$0x3FB5];
	_ =	sdelay $0x3  }
0x37: {  	[smem:$0x3FB5] =	sst s10  }
0x38: {  	s10 =	sld [smem:$0x3FB6]  }
0x39: {  	_ = 	snop;
	(pc) =	sbr.ind lr, $3  }
0x3a: {  	_ = 	snop  }
0x3b: {  	_ = 	snop  }
0x3c: {  	p2 =	seq.s32 s10, $0x1;
	s10 =	sld [smem:$0x3FB5]  }
0x3d: {  	_ =	shalt  }
0x3e: {  	_ =	shalt  }
0x3f: {  	_ =	shalt  }
0x40: {  	_ =	shalt  }
0x41: {  	_ =	shalt  }
0x42: {  	_ =	shalt  }
0x43: {  	_ =	shalt  }
0x44: {  	_ =	shalt  }
0x45: {  	_ =	shalt  }
0x46: {  	_ =	shalt  }
0x47: {  	_ =	shalt  }
0x48: {  	_ =	shalt  }
0x49: {  	_ =	shalt  }
0x4a: {  	_ =	shalt  }
0x4b: {  	_ =	shalt  }
0x4c: {  	_ =	shalt  }
0x4d: {  	_ =	shalt  }
0x4e: {  	_ =	shalt  }
0x4f: {  	_ =	shalt  }
0x50: {  	_ =	shalt  }
0x51: {  	_ =	shalt  }
0x52: {  	_ =	shalt  }
0x53: {  	_ =	shalt  }
0x54: {  	_ =	shalt  }
0x55: {  	_ =	shalt  }
0x56: {  	_ =	shalt  }
0x57: {  	_ =	shalt  }
0x58: {  	_ =	shalt  }
0x59: {  	_ =	shalt  }
0x5a: {  	_ =	shalt  }
0x5b: {  	_ =	shalt  }
0x5c: {  	_ =	shalt  }
0x5d: {  	_ =	shalt  }
0x5e: {  	_ =	shalt  }
0x5f: {  	_ =	shalt  }
0x60: {  	_ =	shalt  }
0x61: {  	_ =	shalt  }
0x62: {  	_ =	shalt  }
0x63: {  	_ =	shalt  }
0x64: {  	_ =	shalt  }
0x65: {  	_ =	shalt  }
0x66: {  	_ =	shalt  }
0x67: {  	_ =	shalt  }
0x68: {  	_ =	shalt  }
0x69: {  	_ =	shalt  }
0x6a: {  	_ =	shalt  }
0x6b: {  	_ =	shalt  }
0x6c: {  	_ =	shalt  }
0x6d: {  	_ =	shalt  }
0x6e: {  	_ =	shalt  }
0x6f: {  	_ =	shalt  }
0x70: {  	_ =	shalt  }
0x71: {  	_ =	shalt  }
0x72: {  	_ =	shalt  }
0x73: {  	_ =	shalt  }
0x74: {  	_ =	shalt  }
0x75: {  	_ =	shalt  }
0x76: {  	_ =	shalt  }
0x77: {  	_ =	shalt  }
0x78: {  	_ =	shalt  }
0x79: {  	_ =	shalt  }
0x7a: {  	_ =	shalt  }
0x7b: {  	_ =	shalt  }
0x7c: {  	_ =	shalt  }
0x7d: {  	_ =	shalt  }
0x7e: {  	_ =	shalt  }
0x7f: {  	_ =	shalt  }
0x80: {  	_ =	shalt  }
0x81: {  	_ =	shalt  }
0x82: {  	_ =	shalt  }
0x83: {  	_ =	shalt  }
0x84: {  	_ =	shalt  }
0x85: {  	_ =	shalt  }
0x86: {  	_ =	shalt  }
0x87: {  	_ =	shalt  }
.Lfunc_end0:
.L_simem_size_0:
called_computation_lowered:
.L_overlay_start_0:
0x88: {  	s2 =	sld [smem:$0x3FD9]  }
0x89: {  	s3 =	sld [smem:$0x3FFE];
	_ =	sdelay $0x1  }
0x8a: {  	s1 =	srdreg.scid  }
0x8b: {  	s0 =	sand.u32 $0x1, s1  }
0x8c: {  	s16 =	sshll.u32 s0, $0xA;
	s2 =	sadd.s32 s3, s2  }
0x8d: {  	s2 =	sadd.s32 s2, s16  }
0x8e: {  	[smem:$0x3FC1] =	sst s2  }
0x8f: {  	_ = 	snop  }
0x90: {  	(tm) =	ssettm $0x1  }
0x91: {  	s17 =	sld [smem:$0x3FFB];
	_ =	sdelay $0x3  }
0x92: {  	_ =	strace s17  }
0x93: {  	s2 =	sld [smem:$0x3FFC];
	_ =	sdelay $0x3  }
0x94: {  	_ =	strace s2  }
0x95: {  	s2 =	sld [smem:$0x3FFD];
	_ =	sdelay $0x3  }
0x96: {  	_ =	strace s2  }
0x97: {  	_ =	strace $0x8FFFFFFF  }
0x98: {  	s18 =	sld [smem:$0x3FDB];
	_ =	sdelay $0x1  }
0x99: {  	s19 =	simm.s32 $_scs_section_size  }
0x9a: {  	s4 =	simm.s32 $_size__tile_overlayer_lowered;
	s5 =	simm.s32 $_tile_overlayer_lowered  }
0x9b: {  	s22 =	simm.s32 $0x1BFF;
	s21 =	sshll.u32 s5, $0x1;
	s2 =	sadd.s32 s19, s18  }
0x9c: {  	s6 =	simm.s32 $0x0;
	s20 =	sshll.u32 s4, $0x1;
	s4 =	sadd.s32 s21, s2  }
0x9d: {  	[timem:s6], [sflag:s22] =	dma.local [hbm:s4], s20  }
0x9e: {  	_ =	swait.ge [sflag:s22], s20  }
0x9f: {  	s3 =	ssub.s32 $0x0, s20;
	[sflag:s22] =	ssyncset.done $0x0  }
0xa0: {  	[sflag:s22] =	ssyncadd.s32 s3;
	_ =	sdelay $0x1  }
0xa1: {  	s23 =	simm.s32 $0x1B8B  }
0xa2: {  	_ =	swait.ge [sflag:s23], $0x1  }
0xa3: {  	[sflag:s23] =	ssyncset.done $0x0  }
0xa4: {  	s25 =	simm.s32 $0x1B8E;
	s24 =	sld [smem:$0x3FFE];
	[sflag:s23] =	ssyncadd.s32 $0xFFFFFFFF  }
0xa5: {  	s26 =	simm.s32 $execute0_lowered;
	[smem:$0x3FD2] =	sst s25  }
0xa6: {  	s4 =	sshll.u32 s26, $0x1;
	_ =	strace $0x80000046;
	[dreg:$0x1] =	wrdreg $0xFFFFFFFF  }
0xa7: {  	s28 =	simm.s32 $_size_execute0_lowered;
	s2 =	sadd.s32 s2, s4;
	[dreg:$0x0] =	wrdreg $0x0  }
0xa8: {  	s4 =	sshll.u32 s28, $0x1;
	[dreg:$0x2] =	wrdreg s2  }
0xa9: {  	[dreg:$0x3] =	wrdreg s4  }
0xaa: {  	[dreg:$0x4] =	wrdreg $0xC0  }
0xab: {  	_ =	task [dreg:s6], $0x5FFFF  }
0xac: {  	[dreg:$0x1] =	wrdreg $0xFFFFFFFF  }
0xad: {  	[dreg:$0x0] =	wrdreg $0x60  }
0xae: {  	[dreg:$0x2] =	wrdreg s24  }
0xaf: {  	[dreg:$0x3] =	wrdreg $0x3C000  }
0xb0: {  	[dreg:$0x4] =	wrdreg $0x9  }
0xb1: {  	_ =	task.clear_ibuf [dreg:s6], $0x5FFFF;
	_ =	strace $0x90000046  }
0xb2: {  	s29 =	simm.s32 $0x9;
	_ =	strace $0x80000048  }
0xb3: {  	_ =	swait.ge [sflag:s29], $0x1  }
0xb4: {  	[sflag:s29] =	ssyncadd.s32 $0xFFFFFFFF  }
0xb5: {  	_ =	strace $0x90000048  }
0xb6: {  	_ =	sfence  }
0xb7: {  	s30 =	sld [smem:$0x0];
	_ =	sdelay $0x2  }
0xb8: {  	s31 =	sshll.u32 s1, $0xD;
	s1 =	sshrl.u32 s1, $0x2  }
0xb9: {  	s3 =	sand.u32 $0x4000, s31;
	s1 =	sadd.s32 s1, s30  }
0xba: {  	s0 =	sor.u32 s3, s0;
	s1 =	sshll.u32 s1, $0x11  }
0xbb: {  	s0 =	sor.u32 s1, s0  }
0xbc: {  	s0 =	sadd.s32 $0x8F2B, s0  }
0xbd: {  	[sflag:s0] =	ssyncadd.remote.s32 $0x1  }
0xbe: {  	_ =	sfence.sel $0xFFFF  }
0xbf: {  	[dreg:$0x0] =	wrdreg $0xFFFFFFFF;
	(pc) =	sbr.abs _section_cstart, $3  }
0xc0: {  	[dreg:$0x1] =	wrdreg $0xFFFFFFFF  }
0xc1: {  	_ =	task.clear_ibuf [dreg:s6], $0x2FFFF;
	_ =	strace $0x9FFFFFFF  }
0xc2: {  	(tm) =	ssettm $0x7FFFFFFF  }
0xc3: {  	_ =	shalt  }
tec
execute0_lowered:
.L_overlay_start_1:
0x0: {  	(tag) =	ssettag $0x1  }
0x1: {  	s26 =	rddreg [dreg:$0x0]  }
0x2: {  	s2 =	rddreg [dreg:$0x1]  }
0x3: {  	s0 =	stileid.u32;
	s1 =	rddreg [dreg:$0x2]  }
0x4: {  	s3 =	simm.s32 $0x0;
	s6 =	srdreg.scid;
	s4 =	smul.u32 $0xC80, s0  }
0x5: {  	[smem:$0x7FF] =	sst s3;
	s28 =	sand.u32 $0x1, s6  }
0x6: {  	s31 =	sshll.u32 s0, $0x6;
	s6 =	simm.s32 $0x5;
	s5 =	sshrl.u32 s4, $0x3  }
0x7: {  	_ =	strace $0x80000047;
	s25 =	sadd.s32 s4, s2;
	s5 =	sadd.s32 s5, s26  }
0x8: {  	s7 =	sshrl.u32 s25, $0x3;
	s4 =	sadd.s32 $0x63C00, s5;
	s5 =	sor.u32 $0x1C05, s31  }
0x9: {  	[spmem:s7], [sflag:s5] =	dma.local [hbm:s4], $0x190  }
0xa: {  	s9 =	sshll.u32 s28, $0x4;
	_ =	swait.ge [sflag:s6], $0x190  }
0xb: {  	s8 =	sadd.s32 $0x65600, s26;
	s9 =	sor.u32 s0, s9;
	[sflag:s6] =	ssyncset.done $0x0  }
0xc: {  	s24 =	smul.u32 $0xC350, s9;
	s9 =	simm.s32 $0x2800;
	[sflag:s6] =	ssyncadd.s32 $0xFFFFFE70  }
0xd: {  	[tilespmem:s9], [sflag:$0x5] =	stream.linear.gather [hbm4b:s8+s3], $0x1400, $0x38;
	[tilespmem:$0x4880] =	vst v63  }
0xe: {  	_ =	swait.ge [sflag:s6], $0x1400  }
0xf: {  	s25 =	sadd.s32 $0x2000, s26;
	s10 =	sshrl.u32 s24, $0x3;
	[sflag:s6] =	ssyncset.done $0x0  }
0x10: {  	s11 =	sadd.s32 $0x187D88, s24;
	s29 =	sadd.s32 s25, s10;
	[sflag:s6] =	ssyncadd.s32 $0xFFFFEC00  }
0x11: {  	s11 =	sshrl.u32 s11, $0x3;
	s10 =	sadd.s32 $0x30D40, s29;
	[bflag:$0x0] =	sbarrier.arrive $0xFFFF  }
0x12: {  	[tilespmem:s3], [sflag:$0x1] =	stream.linear.gather [hbm4b:s10+s3], $0x1388, $0x38;
	[tilespmem:$0x4880] =	vst v63  }
0x13: {  	s12 =	simm.s32 $0x1400;
	s13 =	simm.s32 $0x1;
	s11 =	sadd.s32 s25, s11  }
0x14: {  	[tilespmem:s12], [sflag:$0x2] =	stream.linear.gather [hbm4b:s11+s3], $0x1388, $0x38;
	[tilespmem:$0x4880] =	vst v63  }
0x15: {  	_ =	swait.ge [sflag:s13], $0x1388  }
0x16: {  	[sflag:s13] =	ssyncset.done $0x0  }
0x17: {  	s14 =	simm.s32 $0x2;
	[sflag:s13] =	ssyncadd.s32 $0xFFFFEC78  }
0x18: {  	_ =	swait.ge [sflag:s14], $0x1388  }
0x19: {  	[sflag:s14] =	ssyncset.done $0x0  }
0x1a: {  	s15 =	simm.s32 $0x1388;
	[sflag:s14] =	ssyncadd.s32 $0xFFFFEC78  }
0x1b: {  	[spmem:s2] =	stream.indirect.scatter.add.f32 [tilespmem:s9], [sflag:$0x3], $0x1, s3, s15, $0xb8;
	[tilespmem:$0x4880] =	vst v63  }
0x1c: {  	s16 =	simm.s32 $0x3  }
0x1d: {  	[spmem:s2] =	stream.indirect.scatter.add.f32 [tilespmem:s9], [sflag:$0x4], $0x1, s12, s15, $0xb8;
	[tilespmem:$0x4880] =	vst v63  }
0x1e: {  	_ =	swait.ge [sflag:s16], $0x1388  }
0x1f: {  	[sflag:s16] =	ssyncset.done $0x0  }
0x20: {  	s17 =	simm.s32 $0x4;
	[sflag:s16] =	ssyncadd.s32 $0xFFFFEC78  }
0x21: {  	_ =	swait.ge [sflag:s17], $0x1388  }
0x22: {  	s19 =	sadd.s32 $0x18A498, s24;
	[sflag:s17] =	ssyncset.done $0x0  }
0x23: {  	s19 =	sshrl.u32 s19, $0x3;
	s18 =	sadd.s32 $0x31222, s29;
	[sflag:s17] =	ssyncadd.s32 $0xFFFFEC78  }
0x24: {  	[tilespmem:s3], [sflag:$0x1] =	stream.linear.gather [hbm4b:s18+s3], $0x1388, $0x38;
	[tilespmem:$0x4880] =	vst v63  }
0x25: {  	s19 =	sadd.s32 s25, s19  }
0x26: {  	[tilespmem:s12], [sflag:$0x2] =	stream.linear.gather [hbm4b:s19+s3], $0x1388, $0x38;
	[tilespmem:$0x4880] =	vst v63  }
0x27: {  	_ =	swait.ge [sflag:s13], $0x1388  }
0x28: {  	[sflag:s13] =	ssyncset.done $0x0  }
0x29: {  	[sflag:s13] =	ssyncadd.s32 $0xFFFFEC78  }
0x2a: {  	_ =	swait.ge [sflag:s14], $0x1388  }
0x2b: {  	[sflag:s14] =	ssyncset.done $0x0  }
0x2c: {  	[sflag:s14] =	ssyncadd.s32 $0xFFFFEC78  }
0x2d: {  	[spmem:s2] =	stream.indirect.scatter.add.f32 [tilespmem:s9], [sflag:$0x3], $0x1, s3, s15, $0xb8;
	[tilespmem:$0x4880] =	vst v63  }
0x2e: {  	_ = 	snop  }
0x2f: {  	[spmem:s2] =	stream.indirect.scatter.add.f32 [tilespmem:s9], [sflag:$0x4], $0x1, s12, s15, $0xb8;
	[tilespmem:$0x4880] =	vst v63  }
0x30: {  	_ =	swait.ge [sflag:s16], $0x1388  }
0x31: {  	[sflag:s16] =	ssyncset.done $0x0  }
0x32: {  	[sflag:s16] =	ssyncadd.s32 $0xFFFFEC78  }
0x33: {  	_ =	swait.ge [sflag:s17], $0x1388  }
0x34: {  	s20 =	sadd.s32 $0x18CBA8, s24;
	[sflag:s17] =	ssyncset.done $0x0  }
0x35: {  	s21 =	sshrl.u32 s20, $0x3;
	s20 =	sadd.s32 $0x31704, s29;
	[sflag:s17] =	ssyncadd.s32 $0xFFFFEC78  }
0x36: {  	[tilespmem:s3], [sflag:$0x1] =	stream.linear.gather [hbm4b:s20+s3], $0x1388, $0x38;
	[tilespmem:$0x4880] =	vst v63  }
0x37: {  	s21 =	sadd.s32 s25, s21  }
0x38: {  	[tilespmem:s12], [sflag:$0x2] =	stream.linear.gather [hbm4b:s21+s3], $0x1388, $0x38;
	[tilespmem:$0x4880] =	vst v63  }
0x39: {  	_ =	swait.ge [sflag:s13], $0x1388  }
0x3a: {  	[sflag:s13] =	ssyncset.done $0x0  }
0x3b: {  	[sflag:s13] =	ssyncadd.s32 $0xFFFFEC78  }
0x3c: {  	_ =	swait.ge [sflag:s14], $0x1388  }
0x3d: {  	[sflag:s14] =	ssyncset.done $0x0  }
0x3e: {  	[sflag:s14] =	ssyncadd.s32 $0xFFFFEC78  }
0x3f: {  	[spmem:s2] =	stream.indirect.scatter.add.f32 [tilespmem:s9], [sflag:$0x3], $0x1, s3, s15, $0xb8;
	[tilespmem:$0x4880] =	vst v63  }
0x40: {  	_ = 	snop  }
0x41: {  	[spmem:s2] =	stream.indirect.scatter.add.f32 [tilespmem:s9], [sflag:$0x4], $0x1, s12, s15, $0xb8;
	[tilespmem:$0x4880] =	vst v63  }
0x42: {  	_ =	swait.ge [sflag:s16], $0x1388  }
0x43: {  	[sflag:s16] =	ssyncset.done $0x0  }
0x44: {  	[sflag:s16] =	ssyncadd.s32 $0xFFFFEC78  }
0x45: {  	_ =	swait.ge [sflag:s17], $0x1388  }
0x46: {  	s22 =	sadd.s32 $0x18F2B8, s24;
	[sflag:s17] =	ssyncset.done $0x0  }
0x47: {  	s23 =	sshrl.u32 s22, $0x3;
	s22 =	sadd.s32 $0x31BE6, s29;
	[sflag:s17] =	ssyncadd.s32 $0xFFFFEC78  }
0x48: {  	[tilespmem:s3], [sflag:$0x1] =	stream.linear.gather [hbm4b:s22+s3], $0x1388, $0x38;
	[tilespmem:$0x4880] =	vst v63  }
0x49: {  	s23 =	sadd.s32 s25, s23  }
0x4a: {  	[tilespmem:s12], [sflag:$0x2] =	stream.linear.gather [hbm4b:s23+s3], $0x1388, $0x38;
	[tilespmem:$0x4880] =	vst v63  }
0x4b: {  	_ =	swait.ge [sflag:s13], $0x1388  }
0x4c: {  	[sflag:s13] =	ssyncset.done $0x0  }
0x4d: {  	[sflag:s13] =	ssyncadd.s32 $0xFFFFEC78  }
0x4e: {  	_ =	swait.ge [sflag:s14], $0x1388  }
0x4f: {  	[sflag:s14] =	ssyncset.done $0x0  }
0x50: {  	[sflag:s14] =	ssyncadd.s32 $0xFFFFEC78  }
0x51: {  	[spmem:s2] =	stream.indirect.scatter.add.f32 [tilespmem:s9], [sflag:$0x3], $0x1, s3, s15, $0xb8;
	[tilespmem:$0x4880] =	vst v63  }
0x52: {  	_ = 	snop  }
0x53: {  	[spmem:s2] =	stream.indirect.scatter.add.f32 [tilespmem:s9], [sflag:$0x4], $0x1, s12, s15, $0xb8;
	[tilespmem:$0x4880] =	vst v63  }
0x54: {  	_ =	swait.ge [sflag:s16], $0x1388  }
0x55: {  	[sflag:s16] =	ssyncset.done $0x0  }
0x56: {  	[sflag:s16] =	ssyncadd.s32 $0xFFFFEC78  }
0x57: {  	_ =	swait.ge [sflag:s17], $0x1388  }
0x58: {  	s30 =	sadd.s32 $0x1919C8, s24;
	[sflag:s17] =	ssyncset.done $0x0  }
0x59: {  	s24 =	sadd.s32 $0x320C8, s29;
	s29 =	sshrl.u32 s30, $0x3;
	[sflag:s17] =	ssyncadd.s32 $0xFFFFEC78  }
0x5a: {  	[tilespmem:s3], [sflag:$0x1] =	stream.linear.gather [hbm4b:s24+s3], $0x1388, $0x38;
	[tilespmem:$0x4880] =	vst v63  }
0x5b: {  	s25 =	sadd.s32 s25, s29  }
0x5c: {  	[tilespmem:s12], [sflag:$0x2] =	stream.linear.gather [hbm4b:s25+s3], $0x1388, $0x38;
	[tilespmem:$0x4880] =	vst v63  }
0x5d: {  	_ =	swait.ge [sflag:s13], $0x1388  }
0x5e: {  	[sflag:s13] =	ssyncset.done $0x0  }
0x5f: {  	[sflag:s13] =	ssyncadd.s32 $0xFFFFEC78  }
0x60: {  	_ =	swait.ge [sflag:s14], $0x1388  }
0x61: {  	[sflag:s14] =	ssyncset.done $0x0  }
0x62: {  	[sflag:s14] =	ssyncadd.s32 $0xFFFFEC78  }
0x63: {  	[spmem:s2] =	stream.indirect.scatter.add.f32 [tilespmem:s9], [sflag:$0x3], $0x1, s3, s15, $0xb8;
	[tilespmem:$0x4880] =	vst v63  }
0x64: {  	s29 =	smul.u32 $0x1900, s0  }
0x65: {  	[spmem:s2] =	stream.indirect.scatter.add.f32 [tilespmem:s9], [sflag:$0x4], $0x1, s12, s15, $0xb8;
	[tilespmem:$0x4880] =	vst v63  }
0x66: {  	s30 =	sshll.u32 s28, $0x7;
	s28 =	ssub.s32 $0x2, s28;
	_ =	swait.ge [sflag:s16], $0x1388  }
0x67: {  	s29 =	sor.u32 s30, s29;
	s30 =	sshrl.u32 s28, $0x1;
	[sflag:s16] =	ssyncset.done $0x0  }
0x68: {  	s28 =	ssub.s32 s28, s30;
	[sflag:s16] =	ssyncadd.s32 $0xFFFFEC78  }
0x69: {  	s29 =	sshrl.u32 s29, $0x3;
	s30 =	smax.u32 s28, $0x1;
	_ =	swait.ge [sflag:s17], $0x1388  }
0x6a: {  	s26 =	sadd.s32 s29, s26;
	p0 =	sne.s32 s30, $0x1;
	[sflag:s17] =	ssyncset.done $0x0  }
.Ltmp0:
0x6b: {  	s28 =	simm.s32 $0x20;
	[sflag:s17] =	ssyncadd.s32 $0xFFFFEC78;
	(pc) =	sbr.rel @!p0 .LBB2_2-.Ltmp0, $4  }
0x6c: {  	s29 =	simm.s32 $0x10;
	s26 =	sadd.s32 $0x65A00, s26;
	[bflag:$0x0] =	sbarrier.arrive $0xFFFF  }
0x6d: {  	[hbm:s26@s28], [sflag:s5] =	dma.strided [spmem:s7@s29], $0x190, s13, $0x10   }
0x6e: {  	_ =	swait.ge [sflag:s6], $0x190  }
0x6f: {  	s30 =	sadd.s32 $0xFFFFFFFF, s30;
	[sflag:s6] =	ssyncset.done $0x0  }
.LBB2_1:
0x70: {  	p0 =	sne.s32 s30, $0x1;
	s30 =	sadd.s32 $0xFFFFFFFF, s30;
	[sflag:s6] =	ssyncadd.s32 $0xFFFFFE70  }
0x71: {  	[spmem:s7], [sflag:s5] =	dma.local [hbm:s4], $0x190  }
0x72: {  	_ =	swait.ge [sflag:s6], $0x190  }
0x73: {  	[sflag:s6] =	ssyncset.done $0x0  }
0x74: {  	[sflag:s6] =	ssyncadd.s32 $0xFFFFFE70  }
0x75: {  	[tilespmem:s9], [sflag:$0x5] =	stream.linear.gather [hbm4b:s8+s3], $0x1400, $0x38;
	[tilespmem:$0x4880] =	vst v63  }
0x76: {  	_ =	swait.ge [sflag:s6], $0x1400  }
0x77: {  	[sflag:s6] =	ssyncset.done $0x0  }
0x78: {  	[sflag:s6] =	ssyncadd.s32 $0xFFFFEC00  }
0x79: {  	[bflag:$0x0] =	sbarrier.arrive $0xFFFF  }
0x7a: {  	[tilespmem:s3], [sflag:$0x1] =	stream.linear.gather [hbm4b:s10+s3], $0x1388, $0x38;
	[tilespmem:$0x4880] =	vst v63  }
0x7b: {  	_ = 	snop  }
0x7c: {  	[tilespmem:s12], [sflag:$0x2] =	stream.linear.gather [hbm4b:s11+s3], $0x1388, $0x38;
	[tilespmem:$0x4880] =	vst v63  }
0x7d: {  	_ =	swait.ge [sflag:s13], $0x1388  }
0x7e: {  	[sflag:s13] =	ssyncset.done $0x0  }
0x7f: {  	[sflag:s13] =	ssyncadd.s32 $0xFFFFEC78  }
0x80: {  	_ =	swait.ge [sflag:s14], $0x1388  }
0x81: {  	[sflag:s14] =	ssyncset.done $0x0  }
0x82: {  	[sflag:s14] =	ssyncadd.s32 $0xFFFFEC78  }
0x83: {  	[spmem:s2] =	stream.indirect.scatter.add.f32 [tilespmem:s9], [sflag:$0x3], $0x1, s3, s15, $0xb8;
	[tilespmem:$0x4880] =	vst v63  }
0x84: {  	_ = 	snop  }
0x85: {  	[spmem:s2] =	stream.indirect.scatter.add.f32 [tilespmem:s9], [sflag:$0x4], $0x1, s12, s15, $0xb8;
	[tilespmem:$0x4880] =	vst v63  }
0x86: {  	_ =	swait.ge [sflag:s16], $0x1388  }
0x87: {  	[sflag:s16] =	ssyncset.done $0x0  }
0x88: {  	[sflag:s16] =	ssyncadd.s32 $0xFFFFEC78  }
0x89: {  	_ =	swait.ge [sflag:s17], $0x1388  }
0x8a: {  	[sflag:s17] =	ssyncset.done $0x0  }
0x8b: {  	[sflag:s17] =	ssyncadd.s32 $0xFFFFEC78  }
0x8c: {  	[tilespmem:s3], [sflag:$0x1] =	stream.linear.gather [hbm4b:s18+s3], $0x1388, $0x38;
	[tilespmem:$0x4880] =	vst v63  }
0x8d: {  	_ = 	snop  }
0x8e: {  	[tilespmem:s12], [sflag:$0x2] =	stream.linear.gather [hbm4b:s19+s3], $0x1388, $0x38;
	[tilespmem:$0x4880] =	vst v63  }
0x8f: {  	_ =	swait.ge [sflag:s13], $0x1388  }
0x90: {  	[sflag:s13] =	ssyncset.done $0x0  }
0x91: {  	[sflag:s13] =	ssyncadd.s32 $0xFFFFEC78  }
0x92: {  	_ =	swait.ge [sflag:s14], $0x1388  }
0x93: {  	[sflag:s14] =	ssyncset.done $0x0  }
0x94: {  	[sflag:s14] =	ssyncadd.s32 $0xFFFFEC78  }
0x95: {  	[spmem:s2] =	stream.indirect.scatter.add.f32 [tilespmem:s9], [sflag:$0x3], $0x1, s3, s15, $0xb8;
	[tilespmem:$0x4880] =	vst v63  }
0x96: {  	_ = 	snop  }
0x97: {  	[spmem:s2] =	stream.indirect.scatter.add.f32 [tilespmem:s9], [sflag:$0x4], $0x1, s12, s15, $0xb8;
	[tilespmem:$0x4880] =	vst v63  }
0x98: {  	_ =	swait.ge [sflag:s16], $0x1388  }
0x99: {  	[sflag:s16] =	ssyncset.done $0x0  }
0x9a: {  	[sflag:s16] =	ssyncadd.s32 $0xFFFFEC78  }
0x9b: {  	_ =	swait.ge [sflag:s17], $0x1388  }
0x9c: {  	[sflag:s17] =	ssyncset.done $0x0  }
0x9d: {  	[sflag:s17] =	ssyncadd.s32 $0xFFFFEC78  }
0x9e: {  	[tilespmem:s3], [sflag:$0x1] =	stream.linear.gather [hbm4b:s20+s3], $0x1388, $0x38;
	[tilespmem:$0x4880] =	vst v63  }
0x9f: {  	_ = 	snop  }
0xa0: {  	[tilespmem:s12], [sflag:$0x2] =	stream.linear.gather [hbm4b:s21+s3], $0x1388, $0x38;
	[tilespmem:$0x4880] =	vst v63  }
0xa1: {  	_ =	swait.ge [sflag:s13], $0x1388  }
0xa2: {  	[sflag:s13] =	ssyncset.done $0x0  }
0xa3: {  	[sflag:s13] =	ssyncadd.s32 $0xFFFFEC78  }
0xa4: {  	_ =	swait.ge [sflag:s14], $0x1388  }
0xa5: {  	[sflag:s14] =	ssyncset.done $0x0  }
0xa6: {  	[sflag:s14] =	ssyncadd.s32 $0xFFFFEC78  }
0xa7: {  	[spmem:s2] =	stream.indirect.scatter.add.f32 [tilespmem:s9], [sflag:$0x3], $0x1, s3, s15, $0xb8;
	[tilespmem:$0x4880] =	vst v63  }
0xa8: {  	_ = 	snop  }
0xa9: {  	[spmem:s2] =	stream.indirect.scatter.add.f32 [tilespmem:s9], [sflag:$0x4], $0x1, s12, s15, $0xb8;
	[tilespmem:$0x4880] =	vst v63  }
0xaa: {  	_ =	swait.ge [sflag:s16], $0x1388  }
0xab: {  	[sflag:s16] =	ssyncset.done $0x0  }
0xac: {  	[sflag:s16] =	ssyncadd.s32 $0xFFFFEC78  }
0xad: {  	_ =	swait.ge [sflag:s17], $0x1388  }
0xae: {  	[sflag:s17] =	ssyncset.done $0x0  }
0xaf: {  	[sflag:s17] =	ssyncadd.s32 $0xFFFFEC78  }
0xb0: {  	[tilespmem:s3], [sflag:$0x1] =	stream.linear.gather [hbm4b:s22+s3], $0x1388, $0x38;
	[tilespmem:$0x4880] =	vst v63  }
0xb1: {  	_ = 	snop  }
0xb2: {  	[tilespmem:s12], [sflag:$0x2] =	stream.linear.gather [hbm4b:s23+s3], $0x1388, $0x38;
	[tilespmem:$0x4880] =	vst v63  }
0xb3: {  	_ =	swait.ge [sflag:s13], $0x1388  }
0xb4: {  	[sflag:s13] =	ssyncset.done $0x0  }
0xb5: {  	[sflag:s13] =	ssyncadd.s32 $0xFFFFEC78  }
0xb6: {  	_ =	swait.ge [sflag:s14], $0x1388  }
0xb7: {  	[sflag:s14] =	ssyncset.done $0x0  }
0xb8: {  	[sflag:s14] =	ssyncadd.s32 $0xFFFFEC78  }
0xb9: {  	[spmem:s2] =	stream.indirect.scatter.add.f32 [tilespmem:s9], [sflag:$0x3], $0x1, s3, s15, $0xb8;
	[tilespmem:$0x4880] =	vst v63  }
0xba: {  	_ = 	snop  }
0xbb: {  	[spmem:s2] =	stream.indirect.scatter.add.f32 [tilespmem:s9], [sflag:$0x4], $0x1, s12, s15, $0xb8;
	[tilespmem:$0x4880] =	vst v63  }
0xbc: {  	_ =	swait.ge [sflag:s16], $0x1388  }
0xbd: {  	[sflag:s16] =	ssyncset.done $0x0  }
0xbe: {  	[sflag:s16] =	ssyncadd.s32 $0xFFFFEC78  }
0xbf: {  	_ =	swait.ge [sflag:s17], $0x1388  }
0xc0: {  	[sflag:s17] =	ssyncset.done $0x0  }
0xc1: {  	[sflag:s17] =	ssyncadd.s32 $0xFFFFEC78  }
0xc2: {  	[tilespmem:s3], [sflag:$0x1] =	stream.linear.gather [hbm4b:s24+s3], $0x1388, $0x38;
	[tilespmem:$0x4880] =	vst v63  }
0xc3: {  	_ = 	snop  }
0xc4: {  	[tilespmem:s12], [sflag:$0x2] =	stream.linear.gather [hbm4b:s25+s3], $0x1388, $0x38;
	[tilespmem:$0x4880] =	vst v63  }
0xc5: {  	_ =	swait.ge [sflag:s13], $0x1388  }
0xc6: {  	[sflag:s13] =	ssyncset.done $0x0  }
0xc7: {  	[sflag:s13] =	ssyncadd.s32 $0xFFFFEC78  }
0xc8: {  	_ =	swait.ge [sflag:s14], $0x1388  }
0xc9: {  	[sflag:s14] =	ssyncset.done $0x0  }
0xca: {  	[sflag:s14] =	ssyncadd.s32 $0xFFFFEC78  }
0xcb: {  	[spmem:s2] =	stream.indirect.scatter.add.f32 [tilespmem:s9], [sflag:$0x3], $0x1, s3, s15, $0xb8;
	[tilespmem:$0x4880] =	vst v63  }
0xcc: {  	_ = 	snop  }
0xcd: {  	[spmem:s2] =	stream.indirect.scatter.add.f32 [tilespmem:s9], [sflag:$0x4], $0x1, s12, s15, $0xb8;
	[tilespmem:$0x4880] =	vst v63  }
0xce: {  	_ =	swait.ge [sflag:s16], $0x1388  }
0xcf: {  	[sflag:s16] =	ssyncset.done $0x0  }
0xd0: {  	[sflag:s16] =	ssyncadd.s32 $0xFFFFEC78  }
0xd1: {  	_ =	swait.ge [sflag:s17], $0x1388  }
0xd2: {  	[sflag:s17] =	ssyncset.done $0x0  }
.Ltmp1:
0xd3: {  	[sflag:s17] =	ssyncadd.s32 $0xFFFFEC78;
	(pc) =	sbr.rel @p0 .LBB2_1-.Ltmp1, $4  }
0xd4: {  	[bflag:$0x0] =	sbarrier.arrive $0xFFFF  }
0xd5: {  	[hbm:s26@s28], [sflag:s5] =	dma.strided [spmem:s7@s29], $0x190, s13, $0x10   }
0xd6: {  	_ =	swait.ge [sflag:s6], $0x190  }
0xd7: {  	[sflag:s6] =	ssyncset.done $0x0  }
.LBB2_2:
0xd8: {  	[sflag:s6] =	ssyncadd.s32 $0xFFFFFE70  }
0xd9: {  	_ =	sfence.sel $0x180000  }
0xda: {  	[bflag:$0x0] =	sbarrier.arrive $0xFFFF  }
0xdb: {  	p0 =	sne.s32 s0, $0x0;
	_ =	strace $0x90000047  }
0xdc: {  	s0 =	sadd.s32 @!p0 $0x100000, s1;
	[bflag:$0x2] =	sbarrier.arrive $0xFFFF  }
0xdd: {  	[sflag:s0] =	ssyncadd.tile.s32 @!p0 $0x1;
	_ =	shalt  }
.Lfunc_end2:
_tile_overlayer_lowered:
.L_overlay_start_2:
0xde: {  	(tag) =	ssettag $0x2  }
0xdf: {  	s0 =	rddreg [dreg:$0x0];
	s2 =	stileid.u32  }
0xe0: {  	s1 =	rddreg [dreg:$0x1];
	p0 =	sne.s32 s2, $0x0  }
0xe1: {  	s3 =	rddreg [dreg:$0x2];
	[bflag:$0x3] =	sbarrier.arrive $0xFFFF;
	s2 =	simm.s32 @!p0 $0x1C05  }
0xe2: {  	[timem:s3], [sflag:s2] =	dma.local @!p0 [hbm:s0], s1  }
0xe3: {  	s0 =	simm.s32 @!p0 $0x5  }
0xe4: {  	_ =	swait.ge @!p0 [sflag:s0], s1  }
0xe5: {  	s1 =	ssub.s32 @!p0 $0x0, s1;
	[sflag:s0] =	ssyncset.done @!p0 $0x0  }
0xe6: {  	[sflag:s0] =	ssyncadd.s32 @!p0 s1  }
0xe7: {  	[bflag:$0x3] =	sbarrier.arrive $0xFFFF  }
0xe8: {  	_ =	shalt  }

// kernel: kernel.9.cloned.1.call-start
scs
__scs_entry_jumppad:
0x0: {  	(pc) =	sbr.rel $0x88, $3  }
0x1: {  	(tag) =	ssettag $0x0;
	lr =	simm.s32 $0x1  }
0x2: {  	[smem:$0x3F9A] =	sst lr;
	_ =	strace $0xD0000000  }
0x3: {  	_ = 	snop  }
0x4: {  	_ = 	snop  }
0x5: {  	_ = 	snop  }
0x6: {  	_ = 	snop  }
0x7: {  	_ = 	snop  }
__scs_overlays_trampoline_lowered:
0x8: {  	[smem:$0x3FA9] =	sst s0  }
0x9: {  	[smem:$0x3FAA] =	sst s1  }
0xa: {  	[smem:$0x3FAB] =	sst s2  }
0xb: {  	[smem:$0x3FAC] =	sst s3  }
0xc: {  	[smem:$0x3FAD] =	sst s4  }
0xd: {  	[smem:$0x3FAE] =	sst s5  }
0xe: {  	[smem:$0x3FAF] =	sst s6  }
0xf: {  	[smem:$0x3FB0] =	sst s7  }
0x10: {  	[smem:$0x3FB1] =	sst s8  }
0x11: {  	[smem:$0x3FB2] =	sst s9;
	s0 =	simm.s32 @!p0 $0x0  }
0x12: {  	s1 =	sld [smem:$0x3F98];
	s0 =	simm.s32 @p0 $0x1  }
0x13: {  	[smem:$0x3FB3] =	sst s0;
	s0 =	simm.s32 @!p1 $0x0  }
0x14: {  	s2 =	sld [smem:$0x3F97];
	s0 =	simm.s32 @p1 $0x1  }
0x15: {  	[smem:$0x3FB4] =	sst s0;
	s0 =	simm.s32 @!p2 $0x0  }
0x16: {  	s3 =	sld [smem:$0x3FDB];
	s0 =	simm.s32 @p2 $0x1  }
0x17: {  	s4 =	simm.s32 $0x1BF5;
	[smem:$0x3FB6] =	sst s0  }
0x18: {  	s0 =	sld [smem:$0x3F99];
	_ =	swait.ge [sflag:s4], $0x0  }
0x19: {  	s7 =	sld [smem:$0x3F9A]  }
0x1a: {  	s8 =	sadd.s32 $0xFFFFE003, lr  }
0x1b: {  	s9 =	sadd.s32 $0xFFFFFEF7, lr;
	s5 =	simm.s32 $0xFFFFFFFF;
	p2 =	slt.u32 s8, $0xFFFFF086  }
0x1c: {  	p1 =	slt.u32 s9, $0xF7A;
	s5 =	simm.s32 @!p2 $0x0  }
0x1d: {  	s5 =	simm.s32 @p1 $0x1;
	p0 =	seq.s32 s7, s2  }
0x1e: {  	s7 =	smul.u32 @!p0 $0xF7A, s2;
	p2 =	seq.s32 @!p0 s5, $0x0  }
0x1f: {  	s9 =	smul.u32 $0xF7A, s1;
	s8 =	simm.s32 @!p0 $0x1BF5;
	p2 =	por !p2, p0  }
0x20: {  	[sflag:s8] =	ssyncset.s32 @!p0 $0xFFFFF086;
	s6 =	sadd.s32 @!p0 s3, s7;
	s7 =	simm.s32 @!p0 $0x108  }
0x21: {  	s3 =	sadd.s32 s3, s9;
	s6 =	sadd.s32 @!p0 $0x88, s6;
	s7 =	simm.s32 @p2 $0x1082  }
0x22: {  	[simem:s7], [sflag:s8] =	dma.local @!p0 [hbm:s6], $0xF7A  }
0x23: {  	s9 =	sor.u32 $0xD0000000, s2;
	s6 =	simm.s32 $0x108;
	_ =	swait.ge @!p0 [sflag:s8], $0x0  }
0x24: {  	s3 =	sadd.s32 $0x88, s3;
	s6 =	simm.s32 @!p1 $0x1082;
	[sflag:s4] =	ssyncset.s32 $0xFFFFF086  }
0x25: {  	[simem:s6], [sflag:s4] =	dma.local [hbm:s3], $0xF7A  }
0x26: {  	[smem:$0x3F9A] =	sst s1;
	(tag) =	ssettag s2;
	_ =	strace s9  }
0x27: {  	s1 =	sld [smem:$0x3FAA]  }
0x28: {  	s2 =	sld [smem:$0x3FAB]  }
0x29: {  	s4 =	sld [smem:$0x3FAD]  }
0x2a: {  	p0 =	seq.s32 s5, $0x0;
	s5 =	sld [smem:$0x3FAE]  }
0x2b: {  	s6 =	sld [smem:$0x3FAF]  }
0x2c: {  	s7 =	sld [smem:$0x3FB0]  }
0x2d: {  	s3 =	simm.s32 $0x108;
	s8 =	sld [smem:$0x3FB1]  }
0x2e: {  	s3 =	simm.s32 @!p0 $0x1082;
	s9 =	sld [smem:$0x3FB2]  }
0x2f: {  	lr =	sadd.s32 s0, s3;
	s0 =	sld [smem:$0x3FA9]  }
0x30: {  	s3 =	sld [smem:$0x3FAC]  }
0x31: {  	[smem:$0x3FB5] =	sst s10  }
0x32: {  	s10 =	sld [smem:$0x3FB3];
	_ =	sdelay $0x3  }
0x33: {  	p0 =	seq.s32 s10, $0x1;
	s10 =	sld [smem:$0x3FB5];
	_ =	sdelay $0x3  }
0x34: {  	[smem:$0x3FB5] =	sst s10  }
0x35: {  	s10 =	sld [smem:$0x3FB4];
	_ =	sdelay $0x3  }
0x36: {  	p1 =	seq.s32 s10, $0x1;
	s10 =	sld [smem:$0x3FB5];
	_ =	sdelay $0x3  }
0x37: {  	[smem:$0x3FB5] =	sst s10  }
0x38: {  	s10 =	sld [smem:$0x3FB6]  }
0x39: {  	_ = 	snop;
	(pc) =	sbr.ind lr, $3  }
0x3a: {  	_ = 	snop  }
0x3b: {  	_ = 	snop  }
0x3c: {  	p2 =	seq.s32 s10, $0x1;
	s10 =	sld [smem:$0x3FB5]  }
0x3d: {  	_ =	shalt  }
0x3e: {  	_ =	shalt  }
0x3f: {  	_ =	shalt  }
0x40: {  	_ =	shalt  }
0x41: {  	_ =	shalt  }
0x42: {  	_ =	shalt  }
0x43: {  	_ =	shalt  }
0x44: {  	_ =	shalt  }
0x45: {  	_ =	shalt  }
0x46: {  	_ =	shalt  }
0x47: {  	_ =	shalt  }
0x48: {  	_ =	shalt  }
0x49: {  	_ =	shalt  }
0x4a: {  	_ =	shalt  }
0x4b: {  	_ =	shalt  }
0x4c: {  	_ =	shalt  }
0x4d: {  	_ =	shalt  }
0x4e: {  	_ =	shalt  }
0x4f: {  	_ =	shalt  }
0x50: {  	_ =	shalt  }
0x51: {  	_ =	shalt  }
0x52: {  	_ =	shalt  }
0x53: {  	_ =	shalt  }
0x54: {  	_ =	shalt  }
0x55: {  	_ =	shalt  }
0x56: {  	_ =	shalt  }
0x57: {  	_ =	shalt  }
0x58: {  	_ =	shalt  }
0x59: {  	_ =	shalt  }
0x5a: {  	_ =	shalt  }
0x5b: {  	_ =	shalt  }
0x5c: {  	_ =	shalt  }
0x5d: {  	_ =	shalt  }
0x5e: {  	_ =	shalt  }
0x5f: {  	_ =	shalt  }
0x60: {  	_ =	shalt  }
0x61: {  	_ =	shalt  }
0x62: {  	_ =	shalt  }
0x63: {  	_ =	shalt  }
0x64: {  	_ =	shalt  }
0x65: {  	_ =	shalt  }
0x66: {  	_ =	shalt  }
0x67: {  	_ =	shalt  }
0x68: {  	_ =	shalt  }
0x69: {  	_ =	shalt  }
0x6a: {  	_ =	shalt  }
0x6b: {  	_ =	shalt  }
0x6c: {  	_ =	shalt  }
0x6d: {  	_ =	shalt  }
0x6e: {  	_ =	shalt  }
0x6f: {  	_ =	shalt  }
0x70: {  	_ =	shalt  }
0x71: {  	_ =	shalt  }
0x72: {  	_ =	shalt  }
0x73: {  	_ =	shalt  }
0x74: {  	_ =	shalt  }
0x75: {  	_ =	shalt  }
0x76: {  	_ =	shalt  }
0x77: {  	_ =	shalt  }
0x78: {  	_ =	shalt  }
0x79: {  	_ =	shalt  }
0x7a: {  	_ =	shalt  }
0x7b: {  	_ =	shalt  }
0x7c: {  	_ =	shalt  }
0x7d: {  	_ =	shalt  }
0x7e: {  	_ =	shalt  }
0x7f: {  	_ =	shalt  }
0x80: {  	_ =	shalt  }
0x81: {  	_ =	shalt  }
0x82: {  	_ =	shalt  }
0x83: {  	_ =	shalt  }
0x84: {  	_ =	shalt  }
0x85: {  	_ =	shalt  }
0x86: {  	_ =	shalt  }
0x87: {  	_ =	shalt  }
.Lfunc_end0:
.L_simem_size_0:
called_computation.1_lowered:
.L_overlay_start_0:
0x88: {  	s2 =	sld [smem:$0x3FD9]  }
0x89: {  	s3 =	sld [smem:$0x3FFE];
	_ =	sdelay $0x1  }
0x8a: {  	s1 =	srdreg.scid  }
0x8b: {  	s0 =	sand.u32 $0x1, s1  }
0x8c: {  	s17 =	sshll.u32 s0, $0xA;
	s2 =	sadd.s32 s3, s2  }
0x8d: {  	s2 =	sadd.s32 s2, s17  }
0x8e: {  	[smem:$0x3FC1] =	sst s2  }
0x8f: {  	_ = 	snop  }
0x90: {  	s2 =	sld [smem:$0x3FD0];
	(tm) =	ssettm $0x1  }
0x91: {  	s18 =	sld [smem:$0x3FFB];
	_ =	sdelay $0x3  }
0x92: {  	_ =	strace s18  }
0x93: {  	s3 =	sld [smem:$0x3FFC];
	_ =	sdelay $0x3  }
0x94: {  	_ =	strace s3  }
0x95: {  	s3 =	sld [smem:$0x3FFD];
	_ =	sdelay $0x3  }
0x96: {  	_ =	strace s3  }
0x97: {  	_ =	strace $0x8FFFFFFF  }
0x98: {  	s19 =	sld [smem:$0x3FDB];
	_ =	sdelay $0x1  }
0x99: {  	s4 =	simm.s32 $_scs_section_size  }
0x9a: {  	s5 =	simm.s32 $_size__tile_overlayer_lowered;
	s6 =	simm.s32 $_tile_overlayer_lowered  }
0x9b: {  	s22 =	simm.s32 $0x1BFF;
	s21 =	sshll.u32 s6, $0x1;
	s3 =	sadd.s32 s4, s19  }
0x9c: {  	s7 =	simm.s32 $0x0;
	s20 =	sshll.u32 s5, $0x1;
	s5 =	sadd.s32 s21, s3  }
0x9d: {  	[timem:s7], [sflag:s22] =	dma.local [hbm:s5], s20  }
0x9e: {  	_ =	swait.ge [sflag:s22], s20  }
0x9f: {  	s4 =	ssub.s32 $0x0, s20;
	[sflag:s22] =	ssyncset.done $0x0  }
0xa0: {  	[sflag:s22] =	ssyncadd.s32 s4;
	_ =	sdelay $0x1  }
0xa1: {  	s23 =	simm.s32 $0x1B8B  }
0xa2: {  	_ =	swait.ge [sflag:s23], $0x1  }
0xa3: {  	[sflag:s23] =	ssyncset.done $0x0  }
0xa4: {  	s25 =	simm.s32 $0x1B8E;
	s24 =	sld [smem:$0x3FFE];
	[sflag:s23] =	ssyncadd.s32 $0xFFFFFFFF  }
0xa5: {  	s26 =	simm.s32 $execute0_lowered;
	[smem:$0x3FD2] =	sst s25  }
0xa6: {  	s5 =	sshll.u32 s26, $0x1;
	_ =	strace $0x80000049;
	[dreg:$0x1] =	wrdreg $0xFFFFFFFF  }
0xa7: {  	s28 =	simm.s32 $_size_execute0_lowered;
	s3 =	sadd.s32 s3, s5;
	[dreg:$0x0] =	wrdreg $0x0  }
0xa8: {  	s5 =	sshll.u32 s28, $0x1;
	[dreg:$0x2] =	wrdreg s3  }
0xa9: {  	[dreg:$0x3] =	wrdreg s5  }
0xaa: {  	[dreg:$0x4] =	wrdreg $0xC0  }
0xab: {  	_ =	task [dreg:s7], $0x5FFFF  }
0xac: {  	[dreg:$0x1] =	wrdreg $0xFFFFFFFF  }
0xad: {  	[dreg:$0x0] =	wrdreg $0x60  }
0xae: {  	[dreg:$0x2] =	wrdreg s24  }
0xaf: {  	[dreg:$0x3] =	wrdreg s2  }
0xb0: {  	[dreg:$0x4] =	wrdreg $0xB6800  }
0xb1: {  	[dreg:$0x5] =	wrdreg $0xAA000  }
0xb2: {  	[dreg:$0x6] =	wrdreg $0x9  }
0xb3: {  	_ =	task.clear_ibuf [dreg:s7], $0x7FFFF;
	_ =	strace $0x90000049  }
0xb4: {  	s29 =	simm.s32 $0x9;
	_ =	strace $0x8000004B  }
0xb5: {  	_ =	swait.ge [sflag:s29], $0x1  }
0xb6: {  	[sflag:s29] =	ssyncadd.s32 $0xFFFFFFFF  }
0xb7: {  	_ =	strace $0x9000004B  }
0xb8: {  	_ =	sfence  }
0xb9: {  	s30 =	sld [smem:$0x0];
	_ =	sdelay $0x2  }
0xba: {  	s31 =	sshll.u32 s1, $0xD;
	s1 =	sshrl.u32 s1, $0x2  }
0xbb: {  	s3 =	sand.u32 $0x4000, s31;
	s1 =	sadd.s32 s1, s30  }
0xbc: {  	s0 =	sor.u32 s3, s0;
	s1 =	sshll.u32 s1, $0x11  }
0xbd: {  	s0 =	sor.u32 s1, s0  }
0xbe: {  	s0 =	sadd.s32 $0x8F2B, s0  }
0xbf: {  	[sflag:s0] =	ssyncadd.remote.s32 $0x1  }
0xc0: {  	_ =	sfence.sel $0xFFFF  }
0xc1: {  	[dreg:$0x0] =	wrdreg $0xFFFFFFFF;
	(pc) =	sbr.abs _section_cstart, $3  }
0xc2: {  	[dreg:$0x1] =	wrdreg $0xFFFFFFFF  }
0xc3: {  	_ =	task.clear_ibuf [dreg:s7], $0x2FFFF;
	_ =	strace $0x9FFFFFFF  }
0xc4: {  	(tm) =	ssettm $0x7FFFFFFF  }
0xc5: {  	_ =	shalt  }
tec
execute0_lowered:
.L_overlay_start_1:
0x0: {  	(tag) =	ssettag $0x1  }
0x1: {  	s0 =	rddreg [dreg:$0x0]  }
0x2: {  	s2 =	rddreg [dreg:$0x1]  }
0x3: {  	s1 =	rddreg [dreg:$0x2]  }
0x4: {  	s3 =	rddreg [dreg:$0x3];
	s4 =	simm.s32 $0x0;
	s15 =	stileid.u32  }
0x5: {  	s5 =	srdreg.scid;
	s28 =	simm.s32 $0x3C00;
	s29 =	simm.s32 $0x1  }
0x6: {  	s30 =	simm.s32 $0x2;
	s31 =	simm.s32 $0x1388;
	s6 =	smul.u32 $0x1900, s15  }
0x7: {  	[smem:$0x7FF] =	sst s4;
	s7 =	sand.u32 $0x1, s5;
	s10 =	smul.u32 $0xC80, s15  }
0x8: {  	s5 =	sadd.s32 $0x2000, s0;
	s24 =	sshll.u32 s15, $0x6;
	s17 =	smul.u32 $0xC350, s15  }
0x9: {  	_ =	strace $0x8000004A;
	s9 =	sshll.u32 s7, $0x7;
	s21 =	ssub.s32 $0x2, s7  }
0xa: {  	s23 =	sshll.u32 s7, $0x4;
	p0 =	sne.s32 s7, $0x0;
	s8 =	sshrl.u32 s6, $0x3  }
0xb: {  	s6 =	sor.u32 s9, s6;
	s20 =	sshrl.u32 s10, $0x3;
	s12 =	sshrl.u32 s21, $0x1  }
0xc: {  	s22 =	sadd.s32 s10, s1;
	s14 =	sor.u32 s15, s23;
	s9 =	sadd.s32 s10, s3  }
0xd: {  	s11 =	sadd.s32 s8, s0;
	s6 =	sshrl.u32 s6, $0x3;
	s12 =	ssub.s32 s21, s12  }
0xe: {  	[dreg:$0x5] =	wrdreg s22;
	s8 =	sor.u32 $0x1C07, s24;
	s26 =	smul.u32 $0xC350, s14  }
0xf: {  	s2 =	sadd.s32 s2, s20;
	[dreg:$0xa] =	wrdreg s9;
	s9 =	simm.s32 $0x3  }
0x10: {  	s6 =	sadd.s32 s6, s0;
	s25 =	sadd.s32 $0x65A00, s11;
	[dreg:$0x9] =	wrdreg s2  }
0x11: {  	s0 =	sadd.s32 s20, s0;
	s11 =	sadd.s32 $0x65A10, s11;
	[dreg:$0x7] =	wrdreg s25  }
0x12: {  	s13 =	sadd.s32 $0x63C00, s0;
	[dreg:$0x8] =	wrdreg s11;
	s0 =	sadd.s32 $0x6BE00, s0  }
0x13: {  	s10 =	sshrl.u32 s26, $0x3;
	s11 =	smul.u32 $0xC3500, s7;
	s16 =	sadd.s32 $0x1388, s26  }
0x14: {  	s19 =	sadd.s32 $0x187D88, s26;
	s21 =	sadd.s32 $0x68C00, s6;
	[dreg:$0x6] =	wrdreg s13  }
0x15: {  	s6 =	simm.s32 $0x5000;
	s7 =	simm.s32 $0x6400;
	[dreg:$0xb] =	wrdreg s0  }
0x16: {  	s14 =	sadd.s32 s5, s10;
	s0 =	sshrl.u32 s16, $0x3;
	s20 =	sshrl.u32 s19, $0x3  }
0x17: {  	[dreg:$0xf] =	wrdreg s21;
	s19 =	smax.u32 s12, $0x1;
	s10 =	simm.s32 $0x4  }
0x18: {  	s12 =	simm.s32 $0x6;
	s13 =	simm.s32 $0x0;
	s18 =	sadd.s32 $0x30D40, s14  }
0x19: {  	s0 =	sadd.s32 s5, s0;
	s2 =	sadd.s32 s17, s11;
	[dreg:$0xc] =	wrdreg s18  }
0x1a: {  	s11 =	simm.s32 $0x5;
	[dreg:$0xd] =	wrdreg s0;
	s22 =	sadd.s32 $0x3A98, s2  }
0x1b: {  	s0 =	sadd.s32 s5, s20;
	s23 =	sadd.s32 $0x18A498, s2;
	s25 =	sadd.s32 $0x189110, s2  }
0x1c: {  	[dreg:$0xe] =	wrdreg s0;
	s0 =	sshrl.u32 s22, $0x3;
	s24 =	sshrl.u32 s23, $0x3  }
0x1d: {  	s22 =	sadd.s32 $0x2710, s2;
	s26 =	sshrl.u32 s25, $0x3;
	s2 =	simm.s32 $0x1400  }
0x1e: {  	s20 =	sadd.s32 s0, s5;
	s21 =	sadd.s32 s24, s5;
	s23 =	sadd.s32 s26, s5  }
0x1f: {  	s24 =	simm.s32 $0x7;
	s26 =	simm.s32 $0x100;
	s0 =	simm.s32 $0x2800  }
.LBB2_1:
0x20: {  	s15 =	rddreg [dreg:$0x5]  }
0x21: {  	s16 =	rddreg [dreg:$0x6];
	s15 =	sshrl.u32 s15, $0x3  }
0x22: {  	[spmem:s15], [sflag:s8] =	dma.local [hbm:s16], $0x190  }
0x23: {  	_ =	swait.ge [sflag:s24], $0x190  }
0x24: {  	s17 =	simm.s32 $0x80;
	[sflag:s24] =	ssyncset.done $0x0  }
0x25: {  	s18 =	simm.s32 $0x7800;
	s25 =	rddreg [dreg:$0x7];
	[sflag:s24] =	ssyncadd.s32 $0xFFFFFE70  }
0x26: {  	[tilespmem:s18], [sflag:$0x7] =	stream.strided.gather [hbm4b:s25+s17], $0xC80, s26, s17, $0x38;
	[tilespmem:$0xC300] =	vst v63  }
0x27: {  	_ =	swait.ge [sflag:s24], $0xC80  }
0x28: {  	[sflag:s24] =	ssyncset.done $0x0  }
0x29: {  	s25 =	simm.s32 $0x9100;
	s18 =	rddreg [dreg:$0x8];
	[sflag:s24] =	ssyncadd.s32 $0xFFFFF380  }
0x2a: {  	[tilespmem:s25], [sflag:$0x7] =	stream.strided.gather [hbm4b:s18+s17], $0xC80, s26, s17, $0x38;
	[tilespmem:$0xC300] =	vst v63  }
0x2b: {  	_ =	swait.ge [sflag:s24], $0xC80  }
0x2c: {  	[sflag:s24] =	ssyncset.done $0x0  }
0x2d: {  	s25 =	simm.s32 $0x8480;
	s18 =	rddreg [dreg:$0x9];
	[sflag:s24] =	ssyncadd.s32 $0xFFFFF380  }
0x2e: {  	[tilespmem:s25], [sflag:$0x7] =	stream.linear.gather [hbm4b:s18+s4], $0xC80, $0x38;
	[tilespmem:$0xC300] =	vst v63  }
0x2f: {  	_ =	swait.ge [sflag:s24], $0xC80  }
0x30: {  	[sflag:s24] =	ssyncset.done $0x0  }
0x31: {  	s16 =	simm.s32 $0x0;
	[sflag:s24] =	ssyncadd.s32 $0xFFFFF380  }
0x32: {  	v0 =	vld [tilespmem:s16+$0x7800]  }
0x33: {  	v1 =	vld [tilespmem:s16+$0x9100];
	_ =	sdelay $0x4  }
0x34: {  	v0 =	vadd.f32 v1, v0;
	_ =	sdelay $0x1  }
0x35: {  	v0 =	vadd.f32 $1.000000000e+00, v0;
	_ =	sdelay $0x1  }
0x36: {  	(erf) = vrcp.f32 v0;
	_ =	sdelay $0x7  }
0x37: {  	v0 =	vmul.f32 $5.000000000e-01, v0  }
0x38: {  	v1 =	vpop (erf)  }
0x39: {  	v2 =	vmul.f32 v1, v0;
	_ =	sdelay $0x1  }
0x3a: {  	v2 =	vmul.f32 v2, v1;
	_ =	sdelay $0x1  }
0x3b: {  	v2 =	vsub.f32 $1.500000000e+00, v2;
	_ =	sdelay $0x1  }
0x3c: {  	v1 =	vmul.f32 v2, v1;
	_ =	sdelay $0x1  }
0x3d: {  	v2 =	vmul.f32 v1, v0;
	_ =	sdelay $0x1  }
0x3e: {  	v2 =	vmul.f32 v2, v1;
	_ =	sdelay $0x1  }
0x3f: {  	v2 =	vsub.f32 $1.500000000e+00, v2;
	_ =	sdelay $0x1  }
0x40: {  	v1 =	vmul.f32 v2, v1;
	_ =	sdelay $0x1  }
0x41: {  	v2 =	vmul.f32 v1, v0;
	_ =	sdelay $0x1  }
0x42: {  	v2 =	vmul.f32 v2, v1;
	_ =	sdelay $0x1  }
0x43: {  	v2 =	vsub.f32 $1.500000000e+00, v2;
	_ =	sdelay $0x1  }
0x44: {  	v1 =	vmul.f32 v2, v1;
	_ =	sdelay $0x1  }
0x45: {  	v2 =	vmul.f32 v1, v0;
	_ =	sdelay $0x1  }
0x46: {  	v2 =	vmul.f32 v2, v1;
	_ =	sdelay $0x1  }
0x47: {  	v2 =	vsub.f32 $1.500000000e+00, v2;
	_ =	sdelay $0x1  }
0x48: {  	v1 =	vmul.f32 v2, v1;
	_ =	sdelay $0x1  }
0x49: {  	v2 =	vmul.f32 v1, v0;
	_ =	sdelay $0x1  }
0x4a: {  	v2 =	vmul.f32 v2, v1;
	_ =	sdelay $0x1  }
0x4b: {  	v2 =	vsub.f32 $1.500000000e+00, v2;
	_ =	sdelay $0x1  }
0x4c: {  	v1 =	vmul.f32 v2, v1;
	_ =	sdelay $0x1  }
0x4d: {  	v2 =	vmul.f32 v1, v0;
	_ =	sdelay $0x1  }
0x4e: {  	v2 =	vmul.f32 v2, v1;
	_ =	sdelay $0x1  }
0x4f: {  	v2 =	vsub.f32 $1.500000000e+00, v2;
	_ =	sdelay $0x1  }
0x50: {  	v1 =	vmul.f32 v2, v1;
	_ =	sdelay $0x1  }
0x51: {  	v2 =	vmul.f32 v1, v0;
	_ =	sdelay $0x1  }
0x52: {  	v2 =	vmul.f32 v2, v1;
	_ =	sdelay $0x1  }
0x53: {  	v2 =	vsub.f32 $1.500000000e+00, v2;
	_ =	sdelay $0x1  }
0x54: {  	v1 =	vmul.f32 v2, v1;
	_ =	sdelay $0x1  }
0x55: {  	v2 =	vmul.f32 v1, v0;
	_ =	sdelay $0x1  }
0x56: {  	v2 =	vmul.f32 v2, v1;
	_ =	sdelay $0x1  }
0x57: {  	v2 =	vsub.f32 $1.500000000e+00, v2;
	_ =	sdelay $0x1  }
0x58: {  	v1 =	vmul.f32 v2, v1;
	_ =	sdelay $0x1  }
0x59: {  	v2 =	vmul.f32 v1, v0;
	_ =	sdelay $0x1  }
0x5a: {  	v2 =	vmul.f32 v2, v1;
	_ =	sdelay $0x1  }
0x5b: {  	v2 =	vsub.f32 $1.500000000e+00, v2;
	_ =	sdelay $0x1  }
0x5c: {  	v1 =	vmul.f32 v2, v1;
	_ =	sdelay $0x1  }
0x5d: {  	v2 =	vmul.f32 v1, v0;
	_ =	sdelay $0x1  }
0x5e: {  	v2 =	vmul.f32 v2, v1;
	_ =	sdelay $0x1  }
0x5f: {  	v2 =	vsub.f32 $1.500000000e+00, v2;
	_ =	sdelay $0x1  }
0x60: {  	v1 =	vmul.f32 v2, v1;
	_ =	sdelay $0x1  }
0x61: {  	v2 =	vmul.f32 v1, v0;
	_ =	sdelay $0x1  }
0x62: {  	v2 =	vmul.f32 v2, v1;
	_ =	sdelay $0x1  }
0x63: {  	v2 =	vsub.f32 $1.500000000e+00, v2;
	_ =	sdelay $0x1  }
0x64: {  	v1 =	vmul.f32 v2, v1;
	_ =	sdelay $0x1  }
0x65: {  	v2 =	vmul.f32 v1, v0;
	_ =	sdelay $0x1  }
0x66: {  	v2 =	vmul.f32 v2, v1;
	_ =	sdelay $0x1  }
0x67: {  	v2 =	vsub.f32 $1.500000000e+00, v2;
	_ =	sdelay $0x1  }
0x68: {  	v1 =	vmul.f32 v2, v1;
	_ =	sdelay $0x1  }
0x69: {  	v2 =	vmul.f32 v1, v0;
	_ =	sdelay $0x1  }
0x6a: {  	v2 =	vmul.f32 v2, v1;
	_ =	sdelay $0x1  }
0x6b: {  	v2 =	vsub.f32 $1.500000000e+00, v2;
	_ =	sdelay $0x1  }
0x6c: {  	v1 =	vmul.f32 v2, v1;
	_ =	sdelay $0x1  }
0x6d: {  	v2 =	vmul.f32 v1, v0;
	_ =	sdelay $0x1  }
0x6e: {  	v2 =	vmul.f32 v2, v1;
	_ =	sdelay $0x1  }
0x6f: {  	v2 =	vsub.f32 $1.500000000e+00, v2;
	_ =	sdelay $0x1  }
0x70: {  	v1 =	vmul.f32 v2, v1;
	_ =	sdelay $0x1  }
0x71: {  	v2 =	vmul.f32 v1, v0;
	_ =	sdelay $0x1  }
0x72: {  	v2 =	vmul.f32 v2, v1;
	_ =	sdelay $0x1  }
0x73: {  	v2 =	vsub.f32 $1.500000000e+00, v2;
	_ =	sdelay $0x1  }
0x74: {  	v1 =	vmul.f32 v2, v1;
	_ =	sdelay $0x1  }
0x75: {  	v2 =	vmul.f32 v1, v0;
	_ =	sdelay $0x1  }
0x76: {  	v2 =	vmul.f32 v2, v1;
	_ =	sdelay $0x1  }
0x77: {  	v2 =	vsub.f32 $1.500000000e+00, v2;
	_ =	sdelay $0x1  }
0x78: {  	v1 =	vmul.f32 v2, v1;
	_ =	sdelay $0x1  }
0x79: {  	v2 =	vmul.f32 v1, v0;
	_ =	sdelay $0x1  }
0x7a: {  	v2 =	vmul.f32 v2, v1;
	_ =	sdelay $0x1  }
0x7b: {  	v2 =	vsub.f32 $1.500000000e+00, v2;
	_ =	sdelay $0x1  }
0x7c: {  	v1 =	vmul.f32 v2, v1;
	_ =	sdelay $0x1  }
0x7d: {  	v2 =	vmul.f32 v1, v0;
	_ =	sdelay $0x1  }
0x7e: {  	v2 =	vmul.f32 v2, v1;
	_ =	sdelay $0x1  }
0x7f: {  	v2 =	vsub.f32 $1.500000000e+00, v2;
	_ =	sdelay $0x1  }
0x80: {  	v1 =	vmul.f32 v2, v1;
	_ =	sdelay $0x1  }
0x81: {  	v2 =	vmul.f32 v1, v0;
	_ =	sdelay $0x1  }
0x82: {  	v2 =	vmul.f32 v2, v1;
	_ =	sdelay $0x1  }
0x83: {  	v2 =	vsub.f32 $1.500000000e+00, v2;
	_ =	sdelay $0x1  }
0x84: {  	v1 =	vmul.f32 v2, v1;
	_ =	sdelay $0x1  }
0x85: {  	v2 =	vmul.f32 v1, v0;
	_ =	sdelay $0x1  }
0x86: {  	v2 =	vmul.f32 v2, v1;
	_ =	sdelay $0x1  }
0x87: {  	v2 =	vsub.f32 $1.500000000e+00, v2;
	_ =	sdelay $0x1  }
0x88: {  	v1 =	vmul.f32 v2, v1;
	_ =	sdelay $0x1  }
0x89: {  	v2 =	vmul.f32 v1, v0;
	_ =	sdelay $0x1  }
0x8a: {  	v2 =	vmul.f32 v2, v1;
	_ =	sdelay $0x1  }
0x8b: {  	v2 =	vsub.f32 $1.500000000e+00, v2;
	_ =	sdelay $0x1  }
0x8c: {  	v1 =	vmul.f32 v2, v1;
	_ =	sdelay $0x1  }
0x8d: {  	v2 =	vmul.f32 v1, v0;
	_ =	sdelay $0x1  }
0x8e: {  	v2 =	vmul.f32 v2, v1;
	_ =	sdelay $0x1  }
0x8f: {  	v2 =	vsub.f32 $1.500000000e+00, v2;
	_ =	sdelay $0x1  }
0x90: {  	v1 =	vmul.f32 v2, v1;
	_ =	sdelay $0x1  }
0x91: {  	v2 =	vmul.f32 v1, v0;
	_ =	sdelay $0x1  }
0x92: {  	v2 =	vmul.f32 v2, v1;
	_ =	sdelay $0x1  }
0x93: {  	v2 =	vsub.f32 $1.500000000e+00, v2;
	_ =	sdelay $0x1  }
0x94: {  	v1 =	vmul.f32 v2, v1;
	_ =	sdelay $0x1  }
0x95: {  	v2 =	vmul.f32 v1, v0;
	_ =	sdelay $0x1  }
0x96: {  	v2 =	vmul.f32 v2, v1;
	_ =	sdelay $0x1  }
0x97: {  	v2 =	vsub.f32 $1.500000000e+00, v2;
	_ =	sdelay $0x1  }
0x98: {  	v1 =	vmul.f32 v2, v1;
	_ =	sdelay $0x1  }
0x99: {  	v2 =	vmul.f32 v1, v0;
	_ =	sdelay $0x1  }
0x9a: {  	v2 =	vmul.f32 v2, v1;
	_ =	sdelay $0x1  }
0x9b: {  	v2 =	vsub.f32 $1.500000000e+00, v2;
	_ =	sdelay $0x1  }
0x9c: {  	v1 =	vmul.f32 v2, v1;
	_ =	sdelay $0x1  }
0x9d: {  	v0 =	vmul.f32 v1, v0;
	_ =	sdelay $0x1  }
0x9e: {  	v0 =	vmul.f32 v0, v1;
	_ =	sdelay $0x1  }
0x9f: {  	v2 =	vsub.f32 $1.500000000e+00, v0;
	v0 =	vld [tilespmem:s16+$0x8480];
	_ =	sdelay $0x2  }
0xa0: {  	s17 =	simm.s32 $0x40;
	s18 =	simm.s32 $0x80;
	v1 =	vmul.f32 v2, v1  }
.LBB2_2:
0xa1: {  	p1 =	sne.s32 s18, $0x31C0;
	s25 =	sshra.s32 s17, $0x2;
	s17 =	smov.u32 s18  }
0xa2: {  	v2 =	vld [tilespmem:s25+$0x7800];
	[tilespmem:s16+$0x9100] =	vst v1;
	v1 =	vmul.f32 v1, v0  }
0xa3: {  	v3 =	vld [tilespmem:s25+$0x9100]  }
0xa4: {  	v0 =	vld [tilespmem:s25+$0x8480];
	[tilespmem:s16+$0x9D80] =	vst v1;
	s16 =	smov.u32 s25;
	_ =	sdelay $0x3  }
0xa5: {  	v1 =	vadd.f32 v3, v2;
	_ =	sdelay $0x1  }
0xa6: {  	v1 =	vadd.f32 $1.000000000e+00, v1;
	_ =	sdelay $0x1  }
0xa7: {  	(erf) = vrcp.f32 v1;
	_ =	sdelay $0x7  }
0xa8: {  	v1 =	vmul.f32 $5.000000000e-01, v1  }
0xa9: {  	v2 =	vpop (erf)  }
0xaa: {  	v3 =	vmul.f32 v2, v1;
	_ =	sdelay $0x1  }
0xab: {  	v3 =	vmul.f32 v3, v2;
	_ =	sdelay $0x1  }
0xac: {  	v3 =	vsub.f32 $1.500000000e+00, v3;
	_ =	sdelay $0x1  }
0xad: {  	v2 =	vmul.f32 v3, v2;
	_ =	sdelay $0x1  }
0xae: {  	v3 =	vmul.f32 v2, v1;
	_ =	sdelay $0x1  }
0xaf: {  	v3 =	vmul.f32 v3, v2;
	_ =	sdelay $0x1  }
0xb0: {  	v3 =	vsub.f32 $1.500000000e+00, v3;
	_ =	sdelay $0x1  }
0xb1: {  	v2 =	vmul.f32 v3, v2;
	_ =	sdelay $0x1  }
0xb2: {  	v3 =	vmul.f32 v2, v1;
	_ =	sdelay $0x1  }
0xb3: {  	v3 =	vmul.f32 v3, v2;
	_ =	sdelay $0x1  }
0xb4: {  	v3 =	vsub.f32 $1.500000000e+00, v3;
	_ =	sdelay $0x1  }
0xb5: {  	v2 =	vmul.f32 v3, v2;
	_ =	sdelay $0x1  }
0xb6: {  	v3 =	vmul.f32 v2, v1;
	_ =	sdelay $0x1  }
0xb7: {  	v3 =	vmul.f32 v3, v2;
	_ =	sdelay $0x1  }
0xb8: {  	v3 =	vsub.f32 $1.500000000e+00, v3;
	_ =	sdelay $0x1  }
0xb9: {  	v2 =	vmul.f32 v3, v2;
	_ =	sdelay $0x1  }
0xba: {  	v3 =	vmul.f32 v2, v1;
	_ =	sdelay $0x1  }
0xbb: {  	v3 =	vmul.f32 v3, v2;
	_ =	sdelay $0x1  }
0xbc: {  	v3 =	vsub.f32 $1.500000000e+00, v3;
	_ =	sdelay $0x1  }
0xbd: {  	v2 =	vmul.f32 v3, v2;
	_ =	sdelay $0x1  }
0xbe: {  	v3 =	vmul.f32 v2, v1;
	_ =	sdelay $0x1  }
0xbf: {  	v3 =	vmul.f32 v3, v2;
	_ =	sdelay $0x1  }
0xc0: {  	v3 =	vsub.f32 $1.500000000e+00, v3;
	_ =	sdelay $0x1  }
0xc1: {  	v2 =	vmul.f32 v3, v2;
	_ =	sdelay $0x1  }
0xc2: {  	v3 =	vmul.f32 v2, v1;
	_ =	sdelay $0x1  }
0xc3: {  	v3 =	vmul.f32 v3, v2;
	_ =	sdelay $0x1  }
0xc4: {  	v3 =	vsub.f32 $1.500000000e+00, v3;
	_ =	sdelay $0x1  }
0xc5: {  	v2 =	vmul.f32 v3, v2;
	_ =	sdelay $0x1  }
0xc6: {  	v3 =	vmul.f32 v2, v1;
	_ =	sdelay $0x1  }
0xc7: {  	v3 =	vmul.f32 v3, v2;
	_ =	sdelay $0x1  }
0xc8: {  	v3 =	vsub.f32 $1.500000000e+00, v3;
	_ =	sdelay $0x1  }
0xc9: {  	v2 =	vmul.f32 v3, v2;
	_ =	sdelay $0x1  }
0xca: {  	v3 =	vmul.f32 v2, v1;
	_ =	sdelay $0x1  }
0xcb: {  	v3 =	vmul.f32 v3, v2;
	_ =	sdelay $0x1  }
0xcc: {  	v3 =	vsub.f32 $1.500000000e+00, v3;
	_ =	sdelay $0x1  }
0xcd: {  	v2 =	vmul.f32 v3, v2;
	_ =	sdelay $0x1  }
0xce: {  	v3 =	vmul.f32 v2, v1;
	_ =	sdelay $0x1  }
0xcf: {  	v3 =	vmul.f32 v3, v2;
	_ =	sdelay $0x1  }
0xd0: {  	v3 =	vsub.f32 $1.500000000e+00, v3;
	_ =	sdelay $0x1  }
0xd1: {  	v2 =	vmul.f32 v3, v2;
	_ =	sdelay $0x1  }
0xd2: {  	v3 =	vmul.f32 v2, v1;
	_ =	sdelay $0x1  }
0xd3: {  	v3 =	vmul.f32 v3, v2;
	_ =	sdelay $0x1  }
0xd4: {  	v3 =	vsub.f32 $1.500000000e+00, v3;
	_ =	sdelay $0x1  }
0xd5: {  	v2 =	vmul.f32 v3, v2;
	_ =	sdelay $0x1  }
0xd6: {  	v3 =	vmul.f32 v2, v1;
	_ =	sdelay $0x1  }
0xd7: {  	v3 =	vmul.f32 v3, v2;
	_ =	sdelay $0x1  }
0xd8: {  	v3 =	vsub.f32 $1.500000000e+00, v3;
	_ =	sdelay $0x1  }
0xd9: {  	v2 =	vmul.f32 v3, v2;
	_ =	sdelay $0x1  }
0xda: {  	v3 =	vmul.f32 v2, v1;
	_ =	sdelay $0x1  }
0xdb: {  	v3 =	vmul.f32 v3, v2;
	_ =	sdelay $0x1  }
0xdc: {  	v3 =	vsub.f32 $1.500000000e+00, v3;
	_ =	sdelay $0x1  }
0xdd: {  	v2 =	vmul.f32 v3, v2;
	_ =	sdelay $0x1  }
0xde: {  	v3 =	vmul.f32 v2, v1;
	_ =	sdelay $0x1  }
0xdf: {  	v3 =	vmul.f32 v3, v2;
	_ =	sdelay $0x1  }
0xe0: {  	v3 =	vsub.f32 $1.500000000e+00, v3;
	_ =	sdelay $0x1  }
0xe1: {  	v2 =	vmul.f32 v3, v2;
	_ =	sdelay $0x1  }
0xe2: {  	v3 =	vmul.f32 v2, v1;
	_ =	sdelay $0x1  }
0xe3: {  	v3 =	vmul.f32 v3, v2;
	_ =	sdelay $0x1  }
0xe4: {  	v3 =	vsub.f32 $1.500000000e+00, v3;
	_ =	sdelay $0x1  }
0xe5: {  	v2 =	vmul.f32 v3, v2;
	_ =	sdelay $0x1  }
0xe6: {  	v3 =	vmul.f32 v2, v1;
	_ =	sdelay $0x1  }
0xe7: {  	v3 =	vmul.f32 v3, v2;
	_ =	sdelay $0x1  }
0xe8: {  	v3 =	vsub.f32 $1.500000000e+00, v3;
	_ =	sdelay $0x1  }
0xe9: {  	v2 =	vmul.f32 v3, v2;
	_ =	sdelay $0x1  }
0xea: {  	v3 =	vmul.f32 v2, v1;
	_ =	sdelay $0x1  }
0xeb: {  	v3 =	vmul.f32 v3, v2;
	_ =	sdelay $0x1  }
0xec: {  	v3 =	vsub.f32 $1.500000000e+00, v3;
	_ =	sdelay $0x1  }
0xed: {  	v2 =	vmul.f32 v3, v2;
	_ =	sdelay $0x1  }
0xee: {  	v3 =	vmul.f32 v2, v1;
	_ =	sdelay $0x1  }
0xef: {  	v3 =	vmul.f32 v3, v2;
	_ =	sdelay $0x1  }
0xf0: {  	v3 =	vsub.f32 $1.500000000e+00, v3;
	_ =	sdelay $0x1  }
0xf1: {  	v2 =	vmul.f32 v3, v2;
	_ =	sdelay $0x1  }
0xf2: {  	v3 =	vmul.f32 v2, v1;
	_ =	sdelay $0x1  }
0xf3: {  	v3 =	vmul.f32 v3, v2;
	_ =	sdelay $0x1  }
0xf4: {  	v3 =	vsub.f32 $1.500000000e+00, v3;
	_ =	sdelay $0x1  }
0xf5: {  	v2 =	vmul.f32 v3, v2;
	_ =	sdelay $0x1  }
0xf6: {  	v3 =	vmul.f32 v2, v1;
	_ =	sdelay $0x1  }
0xf7: {  	v3 =	vmul.f32 v3, v2;
	_ =	sdelay $0x1  }
0xf8: {  	v3 =	vsub.f32 $1.500000000e+00, v3;
	_ =	sdelay $0x1  }
0xf9: {  	v2 =	vmul.f32 v3, v2;
	_ =	sdelay $0x1  }
0xfa: {  	v3 =	vmul.f32 v2, v1;
	_ =	sdelay $0x1  }
0xfb: {  	v3 =	vmul.f32 v3, v2;
	_ =	sdelay $0x1  }
0xfc: {  	v3 =	vsub.f32 $1.500000000e+00, v3;
	_ =	sdelay $0x1  }
0xfd: {  	v2 =	vmul.f32 v3, v2;
	_ =	sdelay $0x1  }
0xfe: {  	v3 =	vmul.f32 v2, v1;
	_ =	sdelay $0x1  }
0xff: {  	v3 =	vmul.f32 v3, v2;
	_ =	sdelay $0x1  }
0x100: {  	v3 =	vsub.f32 $1.500000000e+00, v3;
	_ =	sdelay $0x1  }
0x101: {  	v2 =	vmul.f32 v3, v2;
	_ =	sdelay $0x1  }
0x102: {  	v3 =	vmul.f32 v2, v1;
	_ =	sdelay $0x1  }
0x103: {  	v3 =	vmul.f32 v3, v2;
	_ =	sdelay $0x1  }
0x104: {  	v3 =	vsub.f32 $1.500000000e+00, v3;
	_ =	sdelay $0x1  }
0x105: {  	v2 =	vmul.f32 v3, v2;
	_ =	sdelay $0x1  }
0x106: {  	v3 =	vmul.f32 v2, v1;
	_ =	sdelay $0x1  }
0x107: {  	v3 =	vmul.f32 v3, v2;
	_ =	sdelay $0x1  }
0x108: {  	v3 =	vsub.f32 $1.500000000e+00, v3;
	_ =	sdelay $0x1  }
0x109: {  	v2 =	vmul.f32 v3, v2;
	_ =	sdelay $0x1  }
0x10a: {  	v3 =	vmul.f32 v2, v1;
	_ =	sdelay $0x1  }
0x10b: {  	v3 =	vmul.f32 v3, v2;
	_ =	sdelay $0x1  }
0x10c: {  	v3 =	vsub.f32 $1.500000000e+00, v3;
	_ =	sdelay $0x1  }
0x10d: {  	v2 =	vmul.f32 v3, v2;
	_ =	sdelay $0x1  }
0x10e: {  	v1 =	vmul.f32 v2, v1;
	_ =	sdelay $0x1  }
.Ltmp0:
0x10f: {  	v1 =	vmul.f32 v1, v2;
	(pc) =	sbr.rel @p1 .LBB2_2-.Ltmp0, $3  }
0x110: {  	_ = 	snop  }
0x111: {  	v1 =	vsub.f32 $1.500000000e+00, v1;
	_ =	sdelay $0x1  }
0x112: {  	s18 =	sadd.s32 $0x40, s18;
	v1 =	vmul.f32 v1, v2  }
0x113: {  	s17 =	sshra.s32 s17, $0x2  }
0x114: {  	v2 =	vld [tilespmem:s17+$0x7800];
	[tilespmem:s16+$0x9100] =	vst v1  }
0x115: {  	v3 =	vld [tilespmem:s17+$0x9100];
	_ =	sdelay $0x4  }
0x116: {  	v2 =	vadd.f32 v3, v2;
	_ =	sdelay $0x1  }
0x117: {  	v2 =	vadd.f32 $1.000000000e+00, v2;
	_ =	sdelay $0x1  }
0x118: {  	(erf) = vrcp.f32 v2;
	_ =	sdelay $0x7  }
0x119: {  	v2 =	vmul.f32 $5.000000000e-01, v2  }
0x11a: {  	v60 =	vpop (erf)  }
0x11b: {  	v4 =	vmul.f32 v60, v2;
	_ =	sdelay $0x1  }
0x11c: {  	v4 =	vmul.f32 v4, v60;
	_ =	sdelay $0x1  }
0x11d: {  	v4 =	vsub.f32 $1.500000000e+00, v4;
	_ =	sdelay $0x1  }
0x11e: {  	v3 =	vmul.f32 v4, v60;
	_ =	sdelay $0x1  }
0x11f: {  	v4 =	vmul.f32 v3, v2;
	_ =	sdelay $0x1  }
0x120: {  	v4 =	vmul.f32 v4, v3;
	_ =	sdelay $0x1  }
0x121: {  	v4 =	vsub.f32 $1.500000000e+00, v4;
	_ =	sdelay $0x1  }
0x122: {  	v3 =	vmul.f32 v4, v3;
	_ =	sdelay $0x1  }
0x123: {  	v4 =	vmul.f32 v3, v2;
	_ =	sdelay $0x1  }
0x124: {  	v4 =	vmul.f32 v4, v3;
	_ =	sdelay $0x1  }
0x125: {  	v4 =	vsub.f32 $1.500000000e+00, v4;
	_ =	sdelay $0x1  }
0x126: {  	v3 =	vmul.f32 v4, v3;
	_ =	sdelay $0x1  }
0x127: {  	v4 =	vmul.f32 v3, v2;
	_ =	sdelay $0x1  }
0x128: {  	v4 =	vmul.f32 v4, v3;
	_ =	sdelay $0x1  }
0x129: {  	v4 =	vsub.f32 $1.500000000e+00, v4;
	_ =	sdelay $0x1  }
0x12a: {  	v3 =	vmul.f32 v4, v3;
	_ =	sdelay $0x1  }
0x12b: {  	v4 =	vmul.f32 v3, v2;
	_ =	sdelay $0x1  }
0x12c: {  	v4 =	vmul.f32 v4, v3;
	_ =	sdelay $0x1  }
0x12d: {  	v4 =	vsub.f32 $1.500000000e+00, v4;
	_ =	sdelay $0x1  }
0x12e: {  	v3 =	vmul.f32 v4, v3;
	_ =	sdelay $0x1  }
0x12f: {  	v4 =	vmul.f32 v3, v2;
	_ =	sdelay $0x1  }
0x130: {  	v4 =	vmul.f32 v4, v3;
	_ =	sdelay $0x1  }
0x131: {  	v4 =	vsub.f32 $1.500000000e+00, v4;
	_ =	sdelay $0x1  }
0x132: {  	v3 =	vmul.f32 v4, v3;
	_ =	sdelay $0x1  }
0x133: {  	v4 =	vmul.f32 v3, v2;
	_ =	sdelay $0x1  }
0x134: {  	v4 =	vmul.f32 v4, v3;
	_ =	sdelay $0x1  }
0x135: {  	v4 =	vsub.f32 $1.500000000e+00, v4;
	_ =	sdelay $0x1  }
0x136: {  	v3 =	vmul.f32 v4, v3;
	_ =	sdelay $0x1  }
0x137: {  	v4 =	vmul.f32 v3, v2;
	_ =	sdelay $0x1  }
0x138: {  	v4 =	vmul.f32 v4, v3;
	_ =	sdelay $0x1  }
0x139: {  	v4 =	vsub.f32 $1.500000000e+00, v4;
	_ =	sdelay $0x1  }
0x13a: {  	v3 =	vmul.f32 v4, v3;
	_ =	sdelay $0x1  }
0x13b: {  	v4 =	vmul.f32 v3, v2;
	_ =	sdelay $0x1  }
0x13c: {  	v4 =	vmul.f32 v4, v3;
	_ =	sdelay $0x1  }
0x13d: {  	v4 =	vsub.f32 $1.500000000e+00, v4;
	_ =	sdelay $0x1  }
0x13e: {  	v3 =	vmul.f32 v4, v3;
	_ =	sdelay $0x1  }
0x13f: {  	v4 =	vmul.f32 v3, v2;
	_ =	sdelay $0x1  }
0x140: {  	v4 =	vmul.f32 v4, v3;
	_ =	sdelay $0x1  }
0x141: {  	v4 =	vsub.f32 $1.500000000e+00, v4;
	_ =	sdelay $0x1  }
0x142: {  	v3 =	vmul.f32 v4, v3;
	_ =	sdelay $0x1  }
0x143: {  	v4 =	vmul.f32 v3, v2;
	_ =	sdelay $0x1  }
0x144: {  	v4 =	vmul.f32 v4, v3;
	_ =	sdelay $0x1  }
0x145: {  	v4 =	vsub.f32 $1.500000000e+00, v4;
	_ =	sdelay $0x1  }
0x146: {  	v3 =	vmul.f32 v4, v3;
	_ =	sdelay $0x1  }
0x147: {  	v4 =	vmul.f32 v3, v2;
	_ =	sdelay $0x1  }
0x148: {  	v4 =	vmul.f32 v4, v3;
	_ =	sdelay $0x1  }
0x149: {  	v4 =	vsub.f32 $1.500000000e+00, v4;
	_ =	sdelay $0x1  }
0x14a: {  	v3 =	vmul.f32 v4, v3;
	_ =	sdelay $0x1  }
0x14b: {  	v4 =	vmul.f32 v3, v2;
	_ =	sdelay $0x1  }
0x14c: {  	v4 =	vmul.f32 v4, v3;
	_ =	sdelay $0x1  }
0x14d: {  	v4 =	vsub.f32 $1.500000000e+00, v4;
	_ =	sdelay $0x1  }
0x14e: {  	v3 =	vmul.f32 v4, v3;
	_ =	sdelay $0x1  }
0x14f: {  	v4 =	vmul.f32 v3, v2;
	_ =	sdelay $0x1  }
0x150: {  	v4 =	vmul.f32 v4, v3;
	_ =	sdelay $0x1  }
0x151: {  	v4 =	vsub.f32 $1.500000000e+00, v4;
	_ =	sdelay $0x1  }
0x152: {  	v3 =	vmul.f32 v4, v3;
	_ =	sdelay $0x1  }
0x153: {  	v4 =	vmul.f32 v3, v2;
	_ =	sdelay $0x1  }
0x154: {  	v4 =	vmul.f32 v4, v3;
	_ =	sdelay $0x1  }
0x155: {  	v4 =	vsub.f32 $1.500000000e+00, v4;
	_ =	sdelay $0x1  }
0x156: {  	v3 =	vmul.f32 v4, v3;
	_ =	sdelay $0x1  }
0x157: {  	v4 =	vmul.f32 v3, v2;
	_ =	sdelay $0x1  }
0x158: {  	v4 =	vmul.f32 v4, v3;
	_ =	sdelay $0x1  }
0x159: {  	v4 =	vsub.f32 $1.500000000e+00, v4;
	_ =	sdelay $0x1  }
0x15a: {  	v3 =	vmul.f32 v4, v3;
	_ =	sdelay $0x1  }
0x15b: {  	v4 =	vmul.f32 v3, v2;
	_ =	sdelay $0x1  }
0x15c: {  	v4 =	vmul.f32 v4, v3;
	_ =	sdelay $0x1  }
0x15d: {  	v4 =	vsub.f32 $1.500000000e+00, v4;
	_ =	sdelay $0x1  }
0x15e: {  	v3 =	vmul.f32 v4, v3;
	_ =	sdelay $0x1  }
0x15f: {  	v4 =	vmul.f32 v3, v2;
	_ =	sdelay $0x1  }
0x160: {  	v4 =	vmul.f32 v4, v3;
	_ =	sdelay $0x1  }
0x161: {  	v4 =	vsub.f32 $1.500000000e+00, v4;
	_ =	sdelay $0x1  }
0x162: {  	v3 =	vmul.f32 v4, v3;
	_ =	sdelay $0x1  }
0x163: {  	v4 =	vmul.f32 v3, v2;
	_ =	sdelay $0x1  }
0x164: {  	v4 =	vmul.f32 v4, v3;
	_ =	sdelay $0x1  }
0x165: {  	v4 =	vsub.f32 $1.500000000e+00, v4;
	_ =	sdelay $0x1  }
0x166: {  	v3 =	vmul.f32 v4, v3;
	_ =	sdelay $0x1  }
0x167: {  	v4 =	vmul.f32 v3, v2;
	_ =	sdelay $0x1  }
0x168: {  	v4 =	vmul.f32 v4, v3;
	_ =	sdelay $0x1  }
0x169: {  	v4 =	vsub.f32 $1.500000000e+00, v4;
	_ =	sdelay $0x1  }
0x16a: {  	v3 =	vmul.f32 v4, v3;
	_ =	sdelay $0x1  }
0x16b: {  	v4 =	vmul.f32 v3, v2;
	_ =	sdelay $0x1  }
0x16c: {  	v4 =	vmul.f32 v4, v3;
	_ =	sdelay $0x1  }
0x16d: {  	v4 =	vsub.f32 $1.500000000e+00, v4;
	_ =	sdelay $0x1  }
0x16e: {  	v3 =	vmul.f32 v4, v3;
	_ =	sdelay $0x1  }
0x16f: {  	v4 =	vmul.f32 v3, v2;
	_ =	sdelay $0x1  }
0x170: {  	v4 =	vmul.f32 v4, v3;
	_ =	sdelay $0x1  }
0x171: {  	v4 =	vsub.f32 $1.500000000e+00, v4;
	_ =	sdelay $0x1  }
0x172: {  	v3 =	vmul.f32 v4, v3;
	_ =	sdelay $0x1  }
0x173: {  	v4 =	vmul.f32 v3, v2;
	_ =	sdelay $0x1  }
0x174: {  	v4 =	vmul.f32 v4, v3;
	_ =	sdelay $0x1  }
0x175: {  	v4 =	vsub.f32 $1.500000000e+00, v4;
	_ =	sdelay $0x1  }
0x176: {  	v3 =	vmul.f32 v4, v3;
	_ =	sdelay $0x1  }
0x177: {  	v4 =	vmul.f32 v3, v2;
	_ =	sdelay $0x1  }
0x178: {  	v4 =	vmul.f32 v4, v3;
	_ =	sdelay $0x1  }
0x179: {  	v4 =	vsub.f32 $1.500000000e+00, v4;
	_ =	sdelay $0x1  }
0x17a: {  	v3 =	vmul.f32 v4, v3;
	_ =	sdelay $0x1  }
0x17b: {  	v4 =	vmul.f32 v3, v2;
	_ =	sdelay $0x1  }
0x17c: {  	v4 =	vmul.f32 v4, v3;
	_ =	sdelay $0x1  }
0x17d: {  	v4 =	vsub.f32 $1.500000000e+00, v4;
	_ =	sdelay $0x1  }
0x17e: {  	v3 =	vmul.f32 v4, v3;
	_ =	sdelay $0x1  }
0x17f: {  	v2 =	vmul.f32 v3, v2;
	_ =	sdelay $0x1  }
0x180: {  	v2 =	vmul.f32 v2, v3  }
0x181: {  	v61 =	vld [tilespmem:s17+$0x8480]  }
0x182: {  	v2 =	vsub.f32 $1.500000000e+00, v2;
	_ =	sdelay $0x1  }
0x183: {  	v0 =	vmul.f32 v1, v0;
	v62 =	vmul.f32 v2, v3;
	_ =	sdelay $0x1  }
0x184: {  	[tilespmem:s16+$0x9D80] =	vst v0;
	v63 =	vmul.f32 v62, v61  }
0x185: {  	[tilespmem:s17+$0x9100] =	vst v62  }
0x186: {  	s18 =	simm.s32 $0x9D80;
	[tilespmem:s17+$0x9D80] =	vst v63;
	s17 =	rddreg [dreg:$0xa]  }
0x187: {  	[spmem:s17] =	stream.linear.scatter [tilespmem:s18], [sflag:$0x7], $0xC80, $0x38;
	[tilespmem:$0xC300] =	vst v63  }
0x188: {  	_ =	swait.ge [sflag:s24], $0xC80  }
0x189: {  	s16 =	simm.s32 @!p0 $0x0;
	[sflag:s24] =	ssyncset.done $0x0  }
0x18a: {  	s17 =	simm.s32 @!p0 $0x9100;
	s18 =	rddreg [dreg:$0xb];
	[sflag:s24] =	ssyncadd.s32 $0xFFFFF380  }
0x18b: {  	[hbm4b:s18+s16] =	stream.linear.scatter @!p0 [tilespmem:s17], [sflag:$0x7], $0xC80, $0x38;
	[tilespmem:$0xC300] =	vst v63  }
0x18c: {  	s16 =	simm.s32 @!p0 $0x7  }
0x18d: {  	_ =	swait.ge @!p0 [sflag:s16], $0xC80  }
0x18e: {  	[sflag:s16] =	ssyncset.done @!p0 $0x0  }
0x18f: {  	[sflag:s16] =	ssyncadd.s32 @!p0 $0xFFFFF380  }
0x190: {  	s16 =	simm.s32 $0x0;
	[bflag:$0x0] =	sbarrier.arrive $0xFFFF  }
0x191: {  	[tilespmem:s16], [sflag:$0x1] =	stream.linear.gather [hbm4b:s14+s16], $0x1388, $0x38;
	[tilespmem:$0xC300] =	vst v63  }
0x192: {  	s25 =	rddreg [dreg:$0xc]  }
0x193: {  	[tilespmem:s0], [sflag:$0x1] =	stream.linear.gather [hbm4b:s25+s16], $0x1388, $0x38;
	[tilespmem:$0xC300] =	vst v63  }
0x194: {  	s18 =	rddreg [dreg:$0xd]  }
0x195: {  	[tilespmem:s2], [sflag:$0x2] =	stream.linear.gather [hbm4b:s18+s16], $0x1388, $0x38;
	[tilespmem:$0xC300] =	vst v63  }
0x196: {  	s25 =	rddreg [dreg:$0xe]  }
0x197: {  	[tilespmem:s28], [sflag:$0x2] =	stream.linear.gather [hbm4b:s25+s16], $0x1388, $0x38;
	[tilespmem:$0xC300] =	vst v63  }
0x198: {  	_ =	swait.ge [sflag:s29], $0x1388  }
0x199: {  	[sflag:s29] =	ssyncset.done $0x0  }
0x19a: {  	[sflag:s29] =	ssyncadd.s32 $0xFFFFEC78  }
0x19b: {  	_ =	swait.ge [sflag:s29], $0x1388  }
0x19c: {  	[sflag:s29] =	ssyncset.done $0x0  }
0x19d: {  	[sflag:s29] =	ssyncadd.s32 $0xFFFFEC78  }
0x19e: {  	_ =	swait.ge [sflag:s30], $0x1388  }
0x19f: {  	[sflag:s30] =	ssyncset.done $0x0  }
0x1a0: {  	[sflag:s30] =	ssyncadd.s32 $0xFFFFEC78  }
0x1a1: {  	_ =	swait.ge [sflag:s30], $0x1388  }
0x1a2: {  	[sflag:s30] =	ssyncset.done $0x0  }
0x1a3: {  	[sflag:s30] =	ssyncadd.s32 $0xFFFFEC78  }
0x1a4: {  	[tilespmem:s6], [sflag:$0x3] =	stream.indirect.gather [spmem:s3], $0x1, s4, s31, $0xb8;
	[tilespmem:$0xC300] =	vst v63  }
0x1a5: {  	_ = 	snop  }
0x1a6: {  	[tilespmem:s7], [sflag:$0x4] =	stream.indirect.gather [spmem:s3], $0x1, s2, s31, $0xb8;
	[tilespmem:$0xC300] =	vst v63  }
0x1a7: {  	_ =	swait.ge [sflag:s9], $0x1388  }
0x1a8: {  	[sflag:s9] =	ssyncset.done $0x0  }
0x1a9: {  	[sflag:s9] =	ssyncadd.s32 $0xFFFFEC78  }
0x1aa: {  	[spmem:s1] =	stream.indirect.scatter.add.f32 [tilespmem:s6], [sflag:$0x5], $0x1, s0, s31, $0xb8;
	[tilespmem:$0xC300] =	vst v63  }
0x1ab: {  	_ =	swait.ge [sflag:s10], $0x1388  }
0x1ac: {  	[sflag:s10] =	ssyncset.done $0x0  }
0x1ad: {  	[sflag:s10] =	ssyncadd.s32 $0xFFFFEC78  }
0x1ae: {  	[spmem:s1] =	stream.indirect.scatter.add.f32 [tilespmem:s7], [sflag:$0x6], $0x1, s28, s31, $0xb8;
	[tilespmem:$0xC300] =	vst v63  }
0x1af: {  	_ =	swait.ge [sflag:s11], $0x1388  }
0x1b0: {  	[sflag:s11] =	ssyncset.done $0x0  }
0x1b1: {  	[sflag:s11] =	ssyncadd.s32 $0xFFFFEC78  }
0x1b2: {  	_ =	swait.ge [sflag:s12], $0x1388  }
0x1b3: {  	s17 =	sshrl.u32 s22, $0x3;
	[sflag:s12] =	ssyncset.done $0x0  }
0x1b4: {  	s16 =	sadd.s32 s5, s17;
	[sflag:s12] =	ssyncadd.s32 $0xFFFFEC78  }
0x1b5: {  	[tilespmem:s4], [sflag:$0x1] =	stream.linear.gather [hbm4b:s16+s4], $0x1388, $0x38;
	[tilespmem:$0xC300] =	vst v63  }
0x1b6: {  	s18 =	sadd.s32 $0x0, s23;
	s25 =	sadd.s32 $0x0, s20  }
0x1b7: {  	[tilespmem:s0], [sflag:$0x1] =	stream.linear.gather [hbm4b:s18+s4], $0x1388, $0x38;
	[tilespmem:$0xC300] =	vst v63  }
0x1b8: {  	s17 =	sadd.s32 $0x2710, s22;
	s16 =	simm.s32 $0x4E2;
	s18 =	sadd.s32 $0x0, s21  }
0x1b9: {  	[tilespmem:s2], [sflag:$0x2] =	stream.linear.gather [hbm4b:s25+s4], $0x1388, $0x38;
	[tilespmem:$0xC300] =	vst v63  }
.LBB2_4:
0x1ba: {  	[tilespmem:s28], [sflag:$0x2] =	stream.linear.gather [hbm4b:s18+s4], $0x1388, $0x38;
	[tilespmem:$0xC300] =	vst v63  }
0x1bb: {  	s18 =	smov.u32 s16  }
0x1bc: {  	p1 =	sne.s32 s16, $0xEA6;
	s16 =	sadd.s32 $0x4E2, s16;
	_ =	swait.ge [sflag:s29], $0x1388  }
0x1bd: {  	[sflag:s29] =	ssyncset.done $0x0  }
0x1be: {  	[sflag:s29] =	ssyncadd.s32 $0xFFFFEC78  }
0x1bf: {  	_ =	swait.ge [sflag:s29], $0x1388  }
0x1c0: {  	[sflag:s29] =	ssyncset.done $0x0  }
0x1c1: {  	[sflag:s29] =	ssyncadd.s32 $0xFFFFEC78  }
0x1c2: {  	_ =	swait.ge [sflag:s30], $0x1388  }
0x1c3: {  	[sflag:s30] =	ssyncset.done $0x0  }
0x1c4: {  	[sflag:s30] =	ssyncadd.s32 $0xFFFFEC78  }
0x1c5: {  	_ =	swait.ge [sflag:s30], $0x1388  }
0x1c6: {  	[sflag:s30] =	ssyncset.done $0x0  }
0x1c7: {  	[sflag:s30] =	ssyncadd.s32 $0xFFFFEC78  }
0x1c8: {  	[tilespmem:s6], [sflag:$0x3] =	stream.indirect.gather [spmem:s3], $0x1, s4, s31, $0xb8;
	[tilespmem:$0xC300] =	vst v63  }
0x1c9: {  	_ = 	snop  }
0x1ca: {  	[tilespmem:s7], [sflag:$0x4] =	stream.indirect.gather [spmem:s3], $0x1, s2, s31, $0xb8;
	[tilespmem:$0xC300] =	vst v63  }
0x1cb: {  	_ =	swait.ge [sflag:s9], $0x1388  }
0x1cc: {  	[sflag:s9] =	ssyncset.done $0x0  }
0x1cd: {  	[sflag:s9] =	ssyncadd.s32 $0xFFFFEC78  }
0x1ce: {  	[spmem:s1] =	stream.indirect.scatter.add.f32 [tilespmem:s6], [sflag:$0x5], $0x1, s0, s31, $0xb8;
	[tilespmem:$0xC300] =	vst v63  }
0x1cf: {  	_ =	swait.ge [sflag:s10], $0x1388  }
0x1d0: {  	[sflag:s10] =	ssyncset.done $0x0  }
0x1d1: {  	[sflag:s10] =	ssyncadd.s32 $0xFFFFEC78  }
0x1d2: {  	[spmem:s1] =	stream.indirect.scatter.add.f32 [tilespmem:s7], [sflag:$0x6], $0x1, s28, s31, $0xb8;
	[tilespmem:$0xC300] =	vst v63  }
0x1d3: {  	_ =	swait.ge [sflag:s11], $0x1388  }
0x1d4: {  	[sflag:s11] =	ssyncset.done $0x0  }
0x1d5: {  	[sflag:s11] =	ssyncadd.s32 $0xFFFFEC78  }
0x1d6: {  	_ =	swait.ge [sflag:s12], $0x1388  }
0x1d7: {  	s25 =	sshrl.u32 s17, $0x3;
	[sflag:s12] =	ssyncset.done $0x0  }
0x1d8: {  	s25 =	sadd.s32 s5, s25;
	[sflag:s12] =	ssyncadd.s32 $0xFFFFEC78  }
0x1d9: {  	[tilespmem:s4], [sflag:$0x1] =	stream.linear.gather [hbm4b:s25+s4], $0x1388, $0x38;
	[tilespmem:$0xC300] =	vst v63  }
.Ltmp1:
0x1da: {  	s25 =	sadd.s32 s18, s23;
	(pc) =	sbr.rel @p1 .LBB2_4-.Ltmp1, $4  }
0x1db: {  	[tilespmem:s0], [sflag:$0x1] =	stream.linear.gather [hbm4b:s25+s4], $0x1388, $0x38;
	[tilespmem:$0xC300] =	vst v63  }
0x1dc: {  	s25 =	sadd.s32 s18, s20  }
0x1dd: {  	[tilespmem:s2], [sflag:$0x2] =	stream.linear.gather [hbm4b:s25+s4], $0x1388, $0x38;
	[tilespmem:$0xC300] =	vst v63  }
0x1de: {  	s17 =	sadd.s32 $0x2710, s17;
	s18 =	sadd.s32 s18, s21  }
0x1df: {  	[tilespmem:s28], [sflag:$0x2] =	stream.linear.gather [hbm4b:s18+s4], $0x1388, $0x38;
	[tilespmem:$0xC300] =	vst v63  }
0x1e0: {  	_ =	swait.ge [sflag:s29], $0x1388  }
0x1e1: {  	[sflag:s29] =	ssyncset.done $0x0  }
0x1e2: {  	[sflag:s29] =	ssyncadd.s32 $0xFFFFEC78  }
0x1e3: {  	_ =	swait.ge [sflag:s29], $0x1388  }
0x1e4: {  	[sflag:s29] =	ssyncset.done $0x0  }
0x1e5: {  	[sflag:s29] =	ssyncadd.s32 $0xFFFFEC78  }
0x1e6: {  	_ =	swait.ge [sflag:s30], $0x1388  }
0x1e7: {  	[sflag:s30] =	ssyncset.done $0x0  }
0x1e8: {  	[sflag:s30] =	ssyncadd.s32 $0xFFFFEC78  }
0x1e9: {  	_ =	swait.ge [sflag:s30], $0x1388  }
0x1ea: {  	[sflag:s30] =	ssyncset.done $0x0  }
0x1eb: {  	[sflag:s30] =	ssyncadd.s32 $0xFFFFEC78  }
0x1ec: {  	[tilespmem:s6], [sflag:$0x3] =	stream.indirect.gather [spmem:s3], $0x1, s4, s31, $0xb8;
	[tilespmem:$0xC300] =	vst v63  }
0x1ed: {  	_ = 	snop  }
0x1ee: {  	[tilespmem:s7], [sflag:$0x4] =	stream.indirect.gather [spmem:s3], $0x1, s2, s31, $0xb8;
	[tilespmem:$0xC300] =	vst v63  }
0x1ef: {  	_ =	swait.ge [sflag:s9], $0x1388  }
0x1f0: {  	[sflag:s9] =	ssyncset.done $0x0  }
0x1f1: {  	[sflag:s9] =	ssyncadd.s32 $0xFFFFEC78  }
0x1f2: {  	[spmem:s1] =	stream.indirect.scatter.add.f32 [tilespmem:s6], [sflag:$0x5], $0x1, s0, s31, $0xb8;
	[tilespmem:$0xC300] =	vst v63  }
0x1f3: {  	_ =	swait.ge [sflag:s10], $0x1388  }
0x1f4: {  	[sflag:s10] =	ssyncset.done $0x0  }
0x1f5: {  	[sflag:s10] =	ssyncadd.s32 $0xFFFFEC78  }
0x1f6: {  	[spmem:s1] =	stream.indirect.scatter.add.f32 [tilespmem:s7], [sflag:$0x6], $0x1, s28, s31, $0xb8;
	[tilespmem:$0xC300] =	vst v63  }
0x1f7: {  	_ =	swait.ge [sflag:s11], $0x1388  }
0x1f8: {  	[sflag:s11] =	ssyncset.done $0x0  }
0x1f9: {  	[sflag:s11] =	ssyncadd.s32 $0xFFFFEC78  }
0x1fa: {  	_ =	swait.ge [sflag:s12], $0x1388  }
0x1fb: {  	[sflag:s12] =	ssyncset.done $0x0  }
0x1fc: {  	s13 =	sadd.s32 $0x1, s13;
	[sflag:s12] =	ssyncadd.s32 $0xFFFFEC78  }
0x1fd: {  	s17 =	simm.s32 $0x20;
	p1 =	sne.s32 s13, s19;
	[bflag:$0x0] =	sbarrier.arrive $0xFFFF  }
.Ltmp2:
0x1fe: {  	s25 =	simm.s32 $0x10;
	s16 =	rddreg [dreg:$0xf];
	(pc) =	sbr.rel @p1 .LBB2_1-.Ltmp2, $4  }
0x1ff: {  	[hbm:s16@s17], [sflag:s8] =	dma.strided [spmem:s15@s25], $0x190, s29, $0x10   }
0x200: {  	_ =	swait.ge [sflag:s24], $0x190  }
0x201: {  	[sflag:s24] =	ssyncset.done $0x0  }
0x202: {  	[sflag:s24] =	ssyncadd.s32 $0xFFFFFE70  }
0x203: {  	_ =	sfence.sel $0x180000  }
0x204: {  	[bflag:$0x0] =	sbarrier.arrive $0xFFFF  }
0x205: {  	_ =	strace $0x9000004A  }
0x206: {  	s0 =	stileid.u32;
	[bflag:$0x2] =	sbarrier.arrive $0xFFFF  }
0x207: {  	p0 =	sne.s32 s0, $0x0;
	s0 =	rddreg [dreg:$0x4]  }
0x208: {  	s0 =	sadd.s32 @!p0 $0x100000, s0  }
0x209: {  	[sflag:s0] =	ssyncadd.tile.s32 @!p0 $0x1;
	_ =	shalt  }
.Lfunc_end2:
_tile_overlayer_lowered:
.L_overlay_start_2:
0x20a: {  	(tag) =	ssettag $0x2  }
0x20b: {  	s0 =	rddreg [dreg:$0x0];
	s2 =	stileid.u32  }
0x20c: {  	s1 =	rddreg [dreg:$0x1];
	p0 =	sne.s32 s2, $0x0  }
0x20d: {  	s3 =	rddreg [dreg:$0x2];
	[bflag:$0x3] =	sbarrier.arrive $0xFFFF;
	s2 =	simm.s32 @!p0 $0x1C07  }
0x20e: {  	[timem:s3], [sflag:s2] =	dma.local @!p0 [hbm:s0], s1  }
0x20f: {  	s0 =	simm.s32 @!p0 $0x7  }
0x210: {  	_ =	swait.ge @!p0 [sflag:s0], s1  }
0x211: {  	s1 =	ssub.s32 @!p0 $0x0, s1;
	[sflag:s0] =	ssyncset.done @!p0 $0x0  }
0x212: {  	[sflag:s0] =	ssyncadd.s32 @!p0 s1  }
0x213: {  	[bflag:$0x3] =	sbarrier.arrive $0xFFFF  }
0x214: {  	_ =	shalt  }

</sc_bundles>
